<compile_context>
chip_gen: v7x
topology: tpu7x:2x2x1
jax: 0.10.2.dev20260603
libtpu: 0.0.44.dev20260713+nightly
codegen_flags: <defaults>
</compile_context>

<pallas_src>
import functools

import jax
import jax.numpy as jnp
from jax import lax
from jax.experimental import pallas as pl
from jax.experimental.pallas import tpu as pltpu
from jax.experimental.pallas import tpu_sc as plsc

N = 10000
E = 320000
D = 128
H1 = 64
H2 = 32
K = 16

M = 2 * N
EPT = E // 16
C = 80
NCHUNK = EPT // C
RPT = N // 16

_mesh = plsc.VectorSubcoreMesh(core_axis_name="c", subcore_axis_name="s")
_sc_params = pltpu.CompilerParams(use_tc_tiling_on_sc=False)



_NIB = 8
_IAH = 4
_SDEP = 4
_NBUF = 4
_GAH = 2


@functools.partial(
    pl.kernel,
    out_type=jax.ShapeDtypeStruct((M, 16), jnp.float32),
    mesh=_mesh,
    compiler_params=_sc_params,
    scratch_types=[
        pltpu.VMEM((_NIB, C), jnp.int32),
        pltpu.VMEM((C, 16), jnp.float32),
        pltpu.VMEM_SHARED((N, 16), jnp.float32),
        pltpu.SemaphoreType.DMA((_NIB,)),
        pltpu.SemaphoreType.DMA,
    ],
)
def _sc_degree(dst_cat, ones_rows, zeros16, out, didx, ones_v, acc, isem, dsem):
    c = lax.axis_index("c")
    s = lax.axis_index("s")
    ebase = c * E + s * EPT
    pltpu.sync_copy(ones_rows, ones_v)
    pltpu.sync_copy(zeros16.at[pl.ds(s * RPT, RPT)], acc.at[pl.ds(s * RPT, RPT)])
    plsc.subcore_barrier()

    def i_start(j):
        b = j % _NIB
        pltpu.async_copy(dst_cat.at[pl.ds(ebase + j * C, C)], didx.at[b],
                         isem.at[b])

    def i_wait(j):
        b = j % _NIB
        pltpu.make_async_copy(dst_cat.at[pl.ds(ebase + j * C, C)], didx.at[b],
                              isem.at[b]).wait()

    def s_drain(_j):
        pltpu.make_async_copy(ones_v, acc.at[didx.at[_j % _NIB]], dsem).wait()

    for t in range(_IAH):
        i_start(t)

    def body(j, carry):
        @pl.when(j >= _SDEP)
        def _():
            s_drain(j - _SDEP)

        @pl.when(j + _IAH < NCHUNK)
        def _():
            i_start(j + _IAH)

        i_wait(j)
        pltpu.async_copy(ones_v, acc.at[didx.at[j % _NIB]], dsem, add=True)
        return carry

    lax.fori_loop(0, NCHUNK, body, 0)
    for t in range(_SDEP):
        s_drain(NCHUNK - _SDEP + t)
    plsc.subcore_barrier()
    pltpu.sync_copy(acc.at[pl.ds(s * RPT, RPT)],
                    out.at[pl.ds(c * N + s * RPT, RPT)])


def _make_sc_scatter(H):
    @functools.partial(
        pl.kernel,
        out_type=jax.ShapeDtypeStruct((M, H), jnp.bfloat16),
        mesh=_mesh,
        compiler_params=_sc_params,
        scratch_types=[
            pltpu.VMEM((_NIB, C), jnp.int32),
            pltpu.VMEM((_NIB, C), jnp.int32),
            pltpu.VMEM((_NBUF, C, H), jnp.bfloat16),
            pltpu.VMEM_SHARED((N, H), jnp.bfloat16),
            pltpu.SemaphoreType.DMA((_NIB,)),
            pltpu.SemaphoreType.DMA((_NBUF,)),
            pltpu.SemaphoreType.DMA((_NBUF,)),
        ],
    )
    def _sc_scatter(hp, src_cat, dst_cat, zerosH, out, sidx, didx, rows, acc,
                    isem, gsem, ssem):
        c = lax.axis_index("c")
        s = lax.axis_index("s")
        ebase = c * E + s * EPT
        soff = jnp.full((16,), c * N, jnp.int32)
        pltpu.sync_copy(zerosH.at[pl.ds(s * RPT, RPT)], acc.at[pl.ds(s * RPT, RPT)])
        plsc.subcore_barrier()

        def i_start(j):
            b = j % _NIB
            pltpu.async_copy(src_cat.at[pl.ds(ebase + j * C, C)], sidx.at[b],
                             isem.at[b])
            pltpu.async_copy(dst_cat.at[pl.ds(ebase + j * C, C)], didx.at[b],
                             isem.at[b])

        def i_wait(j):
            b = j % _NIB
            pltpu.make_async_copy(src_cat.at[pl.ds(ebase + j * C, C)],
                                  sidx.at[b], isem.at[b]).wait()
            pltpu.make_async_copy(dst_cat.at[pl.ds(ebase + j * C, C)],
                                  didx.at[b], isem.at[b]).wait()
            for k in range(C // 16):
                sl = pl.ds(k * 16, 16)
                sidx[b, sl] = sidx[b, sl] + soff

        def g_start(j):
            b = j % _NBUF
            pltpu.async_copy(hp.at[sidx.at[j % _NIB]], rows.at[b], gsem.at[b])

        def g_wait(j):
            b = j % _NBUF
            pltpu.make_async_copy(hp.at[sidx.at[j % _NIB]], rows.at[b],
                                  gsem.at[b]).wait()

        def s_start(j):
            b = j % _NBUF
            pltpu.async_copy(rows.at[b], acc.at[didx.at[j % _NIB]],
                             ssem.at[b], add=True)

        def s_wait(j):
            b = j % _NBUF
            pltpu.make_async_copy(rows.at[b], acc.at[didx.at[j % _NIB]],
                                  ssem.at[b]).wait()

        for t in range(_IAH):
            i_start(t)
        for t in range(_GAH):
            i_wait(t)
            g_start(t)

        def body(j, carry):
            @pl.when(j + _IAH < NCHUNK)
            def _():
                i_start(j + _IAH)

            @pl.when(j + _GAH < NCHUNK)
            def _():
                i_wait(j + _GAH)

                @pl.when(j + _GAH >= _NBUF)
                def _():
                    s_wait(j + _GAH - _NBUF)

                g_start(j + _GAH)

            g_wait(j)
            s_start(j)
            return carry

        lax.fori_loop(0, NCHUNK, body, 0)
        for t in range(_NBUF):
            s_wait(NCHUNK - _NBUF + t)
        plsc.subcore_barrier()
        pltpu.sync_copy(acc.at[pl.ds(s * RPT, RPT)],
                        out.at[pl.ds(c * N + s * RPT, RPT)])

    return _sc_scatter


_sc_scatter_h1 = _make_sc_scatter(H1)
_sc_scatter_h2 = _make_sc_scatter(H2)



_BR = 2000
_GB = N // _BR
_NBLK = M // _BR


def _norm_from(dg):
    return lax.rsqrt(dg[:, 0:1] + 1.0)


def _mm_scale_body(dg, x1, x2, w, o):
    i = pl.program_id(0)
    norm = _norm_from(dg)
    x = jnp.where(i < _GB, x1[...], x2[...])
    o[...] = (jnp.dot(x, w[...], preferred_element_type=jnp.float32)
              * norm).astype(jnp.bfloat16)


def _layer_mm_body(dg, s1, hp, w, o):
    norm = _norm_from(dg)
    f32 = jnp.float32
    h = jax.nn.relu(norm * (s1[...].astype(f32) + hp[...].astype(f32)))
    o[...] = (jnp.dot(h, w[...], preferred_element_type=f32)
              * norm).astype(jnp.bfloat16)


def _finish_ntn_body(dg, s2, hp, wtT, vT, bn, wo, bo, o, scr):
    i = pl.program_id(0)
    norm = _norm_from(dg)
    f32 = jnp.float32
    h = jax.nn.relu(norm * (s2[...].astype(f32) + hp[...].astype(f32)))
    sums = jnp.sum(h, axis=0, keepdims=True)

    @pl.when(i == 0)
    def _():
        scr[...] = jnp.zeros_like(scr)

    g = i // _GB
    scr[pl.ds(g, 1), :] += sums

    @pl.when(i == _NBLK - 1)
    def _():
        g1 = scr[0:1, :] * (1.0 / N)
        g2 = scr[1:2, :] * (1.0 / N)
        cols = []
        for k in range(K):
            tk = jnp.dot(g1, wtT[k], preferred_element_type=f32)
            cols.append(jnp.sum(tk * g2, axis=1, keepdims=True))
        bil = jnp.concatenate(cols, axis=1)
        cat = jnp.concatenate([g1, g2], axis=1)
        lin = jnp.dot(cat, vT[...], preferred_element_type=f32)
        ntn = jnp.tanh(bil + lin + bn[...])
        sc = jnp.sum(wo[...] * ntn)
        o[...] = jnp.full((1, 1), jax.nn.sigmoid(sc + bo[0, 0]), jnp.float32)


def _row_spec(width):
    return pl.BlockSpec((_BR, width), lambda i: (i, 0))


def _full_spec(shape):
    nd = len(shape)
    return pl.BlockSpec(shape, lambda i: (0,) * nd)



def kernel(x1, edge_index1, x2, edge_index2, W1, W2, Wt, V, b_ntn, w_out, b_out):
    f32 = jnp.float32
    bf16 = jnp.bfloat16
    src_cat = jnp.concatenate([edge_index1[0], edge_index2[0]]).astype(jnp.int32)
    dst_cat = jnp.concatenate([edge_index1[1], edge_index2[1]]).astype(jnp.int32)

    ones_rows = jnp.zeros((C, 16), f32).at[:, 0].set(1.0)
    zeros16 = jnp.zeros((N, 16), f32)
    zeros64 = jnp.zeros((N, H1), bf16)
    zeros32 = jnp.zeros((N, H2), bf16)

    degp = _sc_degree(dst_cat, ones_rows, zeros16)

    h1p = pl.pallas_call(
        _mm_scale_body,
        grid=(_NBLK,),
        in_specs=[_row_spec(16),
                  pl.BlockSpec((_BR, D), lambda i: (i % _GB, 0)),
                  pl.BlockSpec((_BR, D), lambda i: (i % _GB, 0)),
                  pl.BlockSpec((D, H1), lambda i: (0, 0))],
        out_specs=_row_spec(H1),
        out_shape=jax.ShapeDtypeStruct((M, H1), bf16),
    )(degp, x1, x2, W1)

    s1 = _sc_scatter_h1(h1p, src_cat, dst_cat, zeros64)

    h2p = pl.pallas_call(
        _layer_mm_body,
        grid=(_NBLK,),
        in_specs=[_row_spec(16), _row_spec(H1), _row_spec(H1),
                  pl.BlockSpec((H1, H2), lambda i: (0, 0))],
        out_specs=_row_spec(H2),
        out_shape=jax.ShapeDtypeStruct((M, H2), bf16),
    )(degp, s1, h1p, W2)

    s2 = _sc_scatter_h2(h2p, src_cat, dst_cat, zeros32)

    wtT = jnp.transpose(Wt, (2, 0, 1)).astype(f32)
    vT = jnp.transpose(V).astype(f32)
    bn = b_ntn.reshape(1, K).astype(f32)
    wo = w_out.reshape(1, K).astype(f32)
    bo = b_out.reshape(1, 1).astype(f32)
    score = pl.pallas_call(
        _finish_ntn_body,
        grid=(_NBLK,),
        in_specs=[_row_spec(16), _row_spec(H2), _row_spec(H2),
                  _full_spec((K, H2, H2)), _full_spec((2 * H2, K)),
                  _full_spec((1, K)), _full_spec((1, K)), _full_spec((1, 1))],
        out_specs=_full_spec((1, 1)),
        out_shape=jax.ShapeDtypeStruct((1, 1), f32),
        scratch_shapes=[pltpu.VMEM((8, H2), f32)],
    )(degp, s2, h2p, wtT, vT, bn, wo, bo)

    return score.reshape(())

# --- scband reference (transcript-rebuilt; emitter-appended) ---
"""Pipeline reference for scband-gcntn-44538810860308 (READ-ONLY COPY).

The authoritative reference and input builder live on the scoring server;
editing this copy changes nothing except your own understanding.
"""

import jax, jax.numpy as jnp
import numpy as np

N = 10000
E = 320000
D = 128
H1 = 64
H2 = 32
K = 16


def setup_inputs(seed: int = 0) -> dict:
    key = jax.random.key(seed)
    ks = jax.random.split(key, 12)
    x1 = jax.random.normal(ks[0], (N, D), dtype=jnp.float32)
    x2 = jax.random.normal(ks[1], (N, D), dtype=jnp.float32)
    edge_index1 = jax.random.randint(ks[2], (2, E), 0, N)
    edge_index2 = jax.random.randint(ks[3], (2, E), 0, N)
    W1 = jax.random.normal(ks[4], (D, H1), dtype=jnp.float32) * (1.0 / np.sqrt(D))
    W2 = jax.random.normal(ks[5], (H1, H2), dtype=jnp.float32) * (1.0 / np.sqrt(H1))
    Wt = jax.random.normal(ks[6], (H2, H2, K), dtype=jnp.float32) * (1.0 / H2)
    V = jax.random.normal(ks[7], (K, 2 * H2), dtype=jnp.float32) * (1.0 / np.sqrt(2 * H2))
    b_ntn = jnp.zeros((K,), dtype=jnp.float32)
    w_out = jax.random.normal(ks[8], (K,), dtype=jnp.float32) * (1.0 / np.sqrt(K))
    b_out = jnp.zeros((), dtype=jnp.float32)
    return {"x1": x1, "edge_index1": edge_index1, "x2": x2, "edge_index2": edge_index2,
            "W1": W1, "W2": W2, "Wt": Wt, "V": V, "b_ntn": b_ntn, "w_out": w_out, "b_out": b_out}


def _gcn_layer(x, src, dst, W):
    # GraphConvolution with symmetric-normalized Laplacian (A + I), ReLU activation
    n = x.shape[0]
    deg = jnp.zeros((n,), dtype=jnp.float32).at[dst].add(1.0) + 1.0  # +1 for self loop
    norm = jax.lax.rsqrt(deg)
    h = x @ W
    coef = norm[src] * norm[dst]
    agg = jnp.zeros_like(h).at[dst].add(h[src] * coef[:, None])
    agg = agg + h * (norm * norm)[:, None]  # self-loop contribution
    return jax.nn.relu(agg)


def reference(x1, edge_index1, x2, edge_index2, W1, W2, Wt, V, b_ntn, w_out, b_out):
    def embed_graph(x, ei):
        src, dst = ei[0], ei[1]
        h = _gcn_layer(x, src, dst, W1)
        h = _gcn_layer(h, src, dst, W2)
        return jnp.mean(h, axis=0)  # graph-level pooling

    g1 = embed_graph(x1, edge_index1)
    g2 = embed_graph(x2, edge_index2)
    # Neural Tensor Network merging layer
    bilinear = jnp.einsum('i,ijk,j->k', g1, Wt, g2)
    lin = V @ jnp.concatenate([g1, g2])
    ntn = jnp.tanh(bilinear + lin + b_ntn)
    # final prediction + final_act (sigmoid)
    score = jax.nn.sigmoid(jnp.dot(w_out, ntn) + b_out)
    return score

if __name__ == "__main__":
    import jax
    _d = setup_inputs()
    print(jax.jit(kernel)(*tuple(_d.values())))

</pallas_src>

<mosaic_0001>
#map = affine_map<(d0, d1) -> (0)>
#map1 = affine_map<(d0, d1) -> (0, 0)>
module attributes {stable_mosaic.version = 14 : i64} {
  func.func @_sc_degree(%arg0: i32, %arg1: i32, %arg2: memref<640000xi32, #tpu.memory_space<hbm>>, %arg3: memref<80x16xf32, #tpu.memory_space<hbm>>, %arg4: memref<10000x16xf32, #tpu.memory_space<hbm>>, %arg5: memref<20000x16xf32, #tpu.memory_space<hbm>>, %arg6: memref<8x80xi32, #tpu.memory_space<vmem>>, %arg7: memref<80x16xf32, #tpu.memory_space<vmem>>, %arg8: memref<10000x16xf32, #tpu.memory_space<vmem_shared>>, %arg9: memref<8x!tpu.dma_semaphore, #tpu.memory_space<semaphore_mem>>, %arg10: memref<!tpu.dma_semaphore, #tpu.memory_space<semaphore_mem>>) attributes {dimension_semantics = [#tpu.dimension_semantics<core_parallel>, #tpu.dimension_semantics<subcore_parallel>], iteration_bounds = array<i64: 2, 16>, scalar_prefetch = 0 : i64, scratch_operands = 5 : i64, tpu.core_type = #tpu.core_type<sc_vector_subcore>, window_params = [{transform_indices = #map}, {transform_indices = #map1}, {transform_indices = #map1}, {transform_indices = #map1}]} {
    %mul3A = arith.constant 320000 : i32
    %mul3A_0 = arith.muli %arg0, %mul3A : i32
    %mul3A_1 = arith.constant 20000 : i32
    %mul3A_2 = arith.muli %arg1, %mul3A_1 : i32
    %add3A = arith.addi %mul3A_0, %mul3A_2 : i32
    "tpu.region"() ({
      %run_scoped3A = tpu.sem_alloc : memref<!tpu.dma_semaphore, #tpu.memory_space<semaphore_mem>>
      tpu.enqueue_dma source(%arg3 : memref<80x16xf32, #tpu.memory_space<hbm>>) target(%arg7 : memref<80x16xf32, #tpu.memory_space<vmem>>) target_semaphore(%run_scoped3A : memref<!tpu.dma_semaphore, #tpu.memory_space<semaphore_mem>>)
      tpu.wait_dma2 semaphore(%run_scoped3A : memref<!tpu.dma_semaphore, #tpu.memory_space<semaphore_mem>>) src(%arg3 : memref<80x16xf32, #tpu.memory_space<hbm>>) dst(%arg7 : memref<80x16xf32, #tpu.memory_space<vmem>>)
      tpu.yield
    }) : () -> ()
    %mul3A_3 = arith.constant 625 : i32
    %mul3A_4 = arith.muli %arg1, %mul3A_3 : i32
    %mul3A_5 = arith.constant 625 : i32
    %mul3A_6 = arith.muli %arg1, %mul3A_5 : i32
    "tpu.region"() ({
      %run_scoped3A = tpu.sem_alloc : memref<!tpu.dma_semaphore, #tpu.memory_space<semaphore_mem>>
      %dma_start3A_102 = arith.constant 0 : i32
      %dma_start3A_103 = tpu.memref_slice %arg8[%mul3A_6, %dma_start3A_102] : memref<10000x16xf32, #tpu.memory_space<vmem_shared>> -> memref<625x16xf32, #tpu.memory_space<vmem_shared>>
      %dma_start3A_104 = arith.constant 0 : i32
      %dma_start3A_105 = tpu.memref_slice %arg4[%mul3A_4, %dma_start3A_104] : memref<10000x16xf32, #tpu.memory_space<hbm>> -> memref<625x16xf32, #tpu.memory_space<hbm>>
      tpu.enqueue_dma source(%dma_start3A_105 : memref<625x16xf32, #tpu.memory_space<hbm>>) target(%dma_start3A_103 : memref<625x16xf32, #tpu.memory_space<vmem_shared>>) target_semaphore(%run_scoped3A : memref<!tpu.dma_semaphore, #tpu.memory_space<semaphore_mem>>)
      %dma_wait3A_106 = arith.constant 0 : i32
      %dma_wait3A_107 = tpu.memref_slice %arg8[%mul3A_6, %dma_wait3A_106] : memref<10000x16xf32, #tpu.memory_space<vmem_shared>> -> memref<625x16xf32, #tpu.memory_space<vmem_shared>>
      %dma_wait3A_108 = arith.constant 0 : i32
      %dma_wait3A_109 = tpu.memref_slice %arg4[%mul3A_4, %dma_wait3A_108] : memref<10000x16xf32, #tpu.memory_space<hbm>> -> memref<625x16xf32, #tpu.memory_space<hbm>>
      tpu.wait_dma2 semaphore(%run_scoped3A : memref<!tpu.dma_semaphore, #tpu.memory_space<semaphore_mem>>) src(%dma_wait3A_109 : memref<625x16xf32, #tpu.memory_space<hbm>>) dst(%dma_wait3A_107 : memref<625x16xf32, #tpu.memory_space<vmem_shared>>)
      tpu.yield
    }) : () -> ()
    %barrier3A = arith.constant 0 : index
    tpu.barrier barrier_id(%barrier3A)
    %add3A_7 = arith.constant 0 : i32
    %add3A_8 = arith.addi %add3A, %add3A_7 : i32
    %dma_start3A = arith.constant 0 : i32
    %dma_start3A_9 = arith.constant 0 : i32
    %dma_start3A_10 = arith.constant 0 : i32
    %dma_start3A_11 = tpu.memref_slice %arg6[%dma_start3A, %dma_start3A_10] : memref<8x80xi32, #tpu.memory_space<vmem>> -> memref<1x80xi32, #tpu.memory_space<vmem>>
    %dma_start3A_12 = tpu.memref_squeeze %dma_start3A_11 : memref<1x80xi32, #tpu.memory_space<vmem>> -> memref<80xi32, #tpu.memory_space<vmem>>
    %dma_start3A_13 = tpu.memref_slice %arg2[%add3A_8] : memref<640000xi32, #tpu.memory_space<hbm>> -> memref<80xi32, #tpu.memory_space<hbm>>
    %dma_start3A_14 = tpu.memref_slice %arg9[%dma_start3A_9] : memref<8x!tpu.dma_semaphore, #tpu.memory_space<semaphore_mem>> -> memref<1x!tpu.dma_semaphore, #tpu.memory_space<semaphore_mem>>
    %dma_start3A_15 = tpu.memref_squeeze %dma_start3A_14 : memref<1x!tpu.dma_semaphore, #tpu.memory_space<semaphore_mem>> -> memref<!tpu.dma_semaphore, #tpu.memory_space<semaphore_mem>>
    %dma_start3A_16 = arith.constant 0 : i32
    %dma_start3A_17 = tpu.memref_slice %arg6[%dma_start3A, %dma_start3A_16] : memref<8x80xi32, #tpu.memory_space<vmem>> -> memref<1x80xi32, #tpu.memory_space<vmem>>
    %dma_start3A_18 = tpu.memref_squeeze %dma_start3A_17 : memref<1x80xi32, #tpu.memory_space<vmem>> -> memref<80xi32, #tpu.memory_space<vmem>>
    %dma_start3A_19 = tpu.memref_slice %arg2[%add3A_8] : memref<640000xi32, #tpu.memory_space<hbm>> -> memref<80xi32, #tpu.memory_space<hbm>>
    tpu.enqueue_dma source(%dma_start3A_19 : memref<80xi32, #tpu.memory_space<hbm>>) target(%dma_start3A_18 : memref<80xi32, #tpu.memory_space<vmem>>) target_semaphore(%dma_start3A_15 : memref<!tpu.dma_semaphore, #tpu.memory_space<semaphore_mem>>)
    %add3A_20 = arith.constant 80 : i32
    %add3A_21 = arith.addi %add3A, %add3A_20 : i32
    %dma_start3A_22 = arith.constant 1 : i32
    %dma_start3A_23 = arith.constant 1 : i32
    %dma_start3A_24 = arith.constant 0 : i32
    %dma_start3A_25 = tpu.memref_slice %arg6[%dma_start3A_22, %dma_start3A_24] : memref<8x80xi32, #tpu.memory_space<vmem>> -> memref<1x80xi32, #tpu.memory_space<vmem>>
    %dma_start3A_26 = tpu.memref_squeeze %dma_start3A_25 : memref<1x80xi32, #tpu.memory_space<vmem>> -> memref<80xi32, #tpu.memory_space<vmem>>
    %dma_start3A_27 = tpu.memref_slice %arg2[%add3A_21] : memref<640000xi32, #tpu.memory_space<hbm>> -> memref<80xi32, #tpu.memory_space<hbm>>
    %dma_start3A_28 = tpu.memref_slice %arg9[%dma_start3A_23] : memref<8x!tpu.dma_semaphore, #tpu.memory_space<semaphore_mem>> -> memref<1x!tpu.dma_semaphore, #tpu.memory_space<semaphore_mem>>
    %dma_start3A_29 = tpu.memref_squeeze %dma_start3A_28 : memref<1x!tpu.dma_semaphore, #tpu.memory_space<semaphore_mem>> -> memref<!tpu.dma_semaphore, #tpu.memory_space<semaphore_mem>>
    %dma_start3A_30 = arith.constant 0 : i32
    %dma_start3A_31 = tpu.memref_slice %arg6[%dma_start3A_22, %dma_start3A_30] : memref<8x80xi32, #tpu.memory_space<vmem>> -> memref<1x80xi32, #tpu.memory_space<vmem>>
    %dma_start3A_32 = tpu.memref_squeeze %dma_start3A_31 : memref<1x80xi32, #tpu.memory_space<vmem>> -> memref<80xi32, #tpu.memory_space<vmem>>
    %dma_start3A_33 = tpu.memref_slice %arg2[%add3A_21] : memref<640000xi32, #tpu.memory_space<hbm>> -> memref<80xi32, #tpu.memory_space<hbm>>
    tpu.enqueue_dma source(%dma_start3A_33 : memref<80xi32, #tpu.memory_space<hbm>>) target(%dma_start3A_32 : memref<80xi32, #tpu.memory_space<vmem>>) target_semaphore(%dma_start3A_29 : memref<!tpu.dma_semaphore, #tpu.memory_space<semaphore_mem>>)
    %add3A_34 = arith.constant 160 : i32
    %add3A_35 = arith.addi %add3A, %add3A_34 : i32
    %dma_start3A_36 = arith.constant 2 : i32
    %dma_start3A_37 = arith.constant 2 : i32
    %dma_start3A_38 = arith.constant 0 : i32
    %dma_start3A_39 = tpu.memref_slice %arg6[%dma_start3A_36, %dma_start3A_38] : memref<8x80xi32, #tpu.memory_space<vmem>> -> memref<1x80xi32, #tpu.memory_space<vmem>>
    %dma_start3A_40 = tpu.memref_squeeze %dma_start3A_39 : memref<1x80xi32, #tpu.memory_space<vmem>> -> memref<80xi32, #tpu.memory_space<vmem>>
    %dma_start3A_41 = tpu.memref_slice %arg2[%add3A_35] : memref<640000xi32, #tpu.memory_space<hbm>> -> memref<80xi32, #tpu.memory_space<hbm>>
    %dma_start3A_42 = tpu.memref_slice %arg9[%dma_start3A_37] : memref<8x!tpu.dma_semaphore, #tpu.memory_space<semaphore_mem>> -> memref<1x!tpu.dma_semaphore, #tpu.memory_space<semaphore_mem>>
    %dma_start3A_43 = tpu.memref_squeeze %dma_start3A_42 : memref<1x!tpu.dma_semaphore, #tpu.memory_space<semaphore_mem>> -> memref<!tpu.dma_semaphore, #tpu.memory_space<semaphore_mem>>
    %dma_start3A_44 = arith.constant 0 : i32
    %dma_start3A_45 = tpu.memref_slice %arg6[%dma_start3A_36, %dma_start3A_44] : memref<8x80xi32, #tpu.memory_space<vmem>> -> memref<1x80xi32, #tpu.memory_space<vmem>>
    %dma_start3A_46 = tpu.memref_squeeze %dma_start3A_45 : memref<1x80xi32, #tpu.memory_space<vmem>> -> memref<80xi32, #tpu.memory_space<vmem>>
    %dma_start3A_47 = tpu.memref_slice %arg2[%add3A_35] : memref<640000xi32, #tpu.memory_space<hbm>> -> memref<80xi32, #tpu.memory_space<hbm>>
    tpu.enqueue_dma source(%dma_start3A_47 : memref<80xi32, #tpu.memory_space<hbm>>) target(%dma_start3A_46 : memref<80xi32, #tpu.memory_space<vmem>>) target_semaphore(%dma_start3A_43 : memref<!tpu.dma_semaphore, #tpu.memory_space<semaphore_mem>>)
    %add3A_48 = arith.constant 240 : i32
    %add3A_49 = arith.addi %add3A, %add3A_48 : i32
    %dma_start3A_50 = arith.constant 3 : i32
    %dma_start3A_51 = arith.constant 3 : i32
    %dma_start3A_52 = arith.constant 0 : i32
    %dma_start3A_53 = tpu.memref_slice %arg6[%dma_start3A_50, %dma_start3A_52] : memref<8x80xi32, #tpu.memory_space<vmem>> -> memref<1x80xi32, #tpu.memory_space<vmem>>
    %dma_start3A_54 = tpu.memref_squeeze %dma_start3A_53 : memref<1x80xi32, #tpu.memory_space<vmem>> -> memref<80xi32, #tpu.memory_space<vmem>>
    %dma_start3A_55 = tpu.memref_slice %arg2[%add3A_49] : memref<640000xi32, #tpu.memory_space<hbm>> -> memref<80xi32, #tpu.memory_space<hbm>>
    %dma_start3A_56 = tpu.memref_slice %arg9[%dma_start3A_51] : memref<8x!tpu.dma_semaphore, #tpu.memory_space<semaphore_mem>> -> memref<1x!tpu.dma_semaphore, #tpu.memory_space<semaphore_mem>>
    %dma_start3A_57 = tpu.memref_squeeze %dma_start3A_56 : memref<1x!tpu.dma_semaphore, #tpu.memory_space<semaphore_mem>> -> memref<!tpu.dma_semaphore, #tpu.memory_space<semaphore_mem>>
    %dma_start3A_58 = arith.constant 0 : i32
    %dma_start3A_59 = tpu.memref_slice %arg6[%dma_start3A_50, %dma_start3A_58] : memref<8x80xi32, #tpu.memory_space<vmem>> -> memref<1x80xi32, #tpu.memory_space<vmem>>
    %dma_start3A_60 = tpu.memref_squeeze %dma_start3A_59 : memref<1x80xi32, #tpu.memory_space<vmem>> -> memref<80xi32, #tpu.memory_space<vmem>>
    %dma_start3A_61 = tpu.memref_slice %arg2[%add3A_49] : memref<640000xi32, #tpu.memory_space<hbm>> -> memref<80xi32, #tpu.memory_space<hbm>>
    tpu.enqueue_dma source(%dma_start3A_61 : memref<80xi32, #tpu.memory_space<hbm>>) target(%dma_start3A_60 : memref<80xi32, #tpu.memory_space<vmem>>) target_semaphore(%dma_start3A_57 : memref<!tpu.dma_semaphore, #tpu.memory_space<semaphore_mem>>)
    %scan3A = arith.constant 0 : i32
    %scan3A_62 = arith.constant 0 : i32
    %scan3A_63 = arith.constant 250 : i32
    %scan3A_64 = arith.addi %scan3A_62, %scan3A_63 : i32
    %scan3A_65 = arith.constant 1 : i32
    scf.for %scan3A_102 = %scan3A_62 to %scan3A_64 step %scan3A_65  : i32 {
      %ge3A = arith.constant 4 : i32
      %ge3A_103 = arith.cmpi sge, %scan3A_102, %ge3A : i32
      %convert_element_type3A = arith.extui %ge3A_103 : i1 to i32
      %cond3A = arith.constant 0 : i32
      %cond3A_104 = arith.cmpi ne, %convert_element_type3A, %cond3A : i32
      scf.if %cond3A_104 {
        %sub3A = arith.constant 4 : i32
        %sub3A_156 = arith.subi %scan3A_102, %sub3A : i32
        %jit3A_157 = arith.constant 8 : i32
        %eq3A_158 = arith.constant 0 : i32
        %eq3A_159 = arith.cmpi eq, %jit3A_157, %eq3A_158 : i32
        %jit3A_160 = arith.constant 1 : i32
        %select_n3A_161 = arith.select %eq3A_159, %jit3A_160, %jit3A_157 : i32
        %rem3A_162 = arith.remsi %sub3A_156, %select_n3A_161 : i32
        %ne3A_163 = arith.constant 0 : i32
        %ne3A_164 = arith.cmpi ne, %rem3A_162, %ne3A_163 : i32
        %lt3A_165 = arith.constant 0 : i32
        %lt3A_166 = arith.cmpi slt, %rem3A_162, %lt3A_165 : i32
        %lt3A_167 = arith.constant 0 : i32
        %lt3A_168 = arith.cmpi slt, %select_n3A_161, %lt3A_167 : i32
        %ne3A_169 = arith.xori %lt3A_166, %lt3A_168 : i1
        %and3A_170 = arith.andi %ne3A_169, %ne3A_164 : i1
        %add3A_171 = arith.addi %rem3A_162, %select_n3A_161 : i32
        %select_n3A_172 = arith.select %and3A_170, %add3A_171, %rem3A_162 : i32
        %dma_wait3A_173 = arith.constant 0 : i32
        %dma_wait3A_174 = tpu.memref_slice %arg6[%select_n3A_172, %dma_wait3A_173] : memref<8x80xi32, #tpu.memory_space<vmem>> -> memref<1x80xi32, #tpu.memory_space<vmem>>
        %dma_wait3A_175 = tpu.memref_squeeze %dma_wait3A_174 : memref<1x80xi32, #tpu.memory_space<vmem>> -> memref<80xi32, #tpu.memory_space<vmem>>
        %dma_wait3A_176 = arith.constant 0 : i32
        %dma_wait3A_177 = arith.constant 0 : i32
        %dma_wait3A_178 = tpu.memref_slice %arg8[%dma_wait3A_176, %dma_wait3A_177] : memref<10000x16xf32, #tpu.memory_space<vmem_shared>> -> memref<10000x16xf32, #tpu.memory_space<vmem_shared>>
        tpu.wait_indirect_dma semaphore(%arg10 : memref<!tpu.dma_semaphore, #tpu.memory_space<semaphore_mem>>) src(%arg7 : memref<80x16xf32, #tpu.memory_space<vmem>>) dst(%dma_wait3A_178 : memref<10000x16xf32, #tpu.memory_space<vmem_shared>>)
      } else {
      }
      %add3A_105 = arith.constant 4 : i32
      %add3A_106 = arith.addi %scan3A_102, %add3A_105 : i32
      %lt3A = arith.constant 250 : i32
      %lt3A_107 = arith.cmpi slt, %add3A_106, %lt3A : i32
      %convert_element_type3A_108 = arith.extui %lt3A_107 : i1 to i32
      %cond3A_109 = arith.constant 0 : i32
      %cond3A_110 = arith.cmpi ne, %convert_element_type3A_108, %cond3A_109 : i32
      scf.if %cond3A_110 {
        %add3A_156 = arith.constant 4 : i32
        %add3A_157 = arith.addi %scan3A_102, %add3A_156 : i32
        %jit3A_158 = arith.constant 8 : i32
        %eq3A_159 = arith.constant 0 : i32
        %eq3A_160 = arith.cmpi eq, %jit3A_158, %eq3A_159 : i32
        %jit3A_161 = arith.constant 1 : i32
        %select_n3A_162 = arith.select %eq3A_160, %jit3A_161, %jit3A_158 : i32
        %rem3A_163 = arith.remsi %add3A_157, %select_n3A_162 : i32
        %ne3A_164 = arith.constant 0 : i32
        %ne3A_165 = arith.cmpi ne, %rem3A_163, %ne3A_164 : i32
        %lt3A_166 = arith.constant 0 : i32
        %lt3A_167 = arith.cmpi slt, %rem3A_163, %lt3A_166 : i32
        %lt3A_168 = arith.constant 0 : i32
        %lt3A_169 = arith.cmpi slt, %select_n3A_162, %lt3A_168 : i32
        %ne3A_170 = arith.xori %lt3A_167, %lt3A_169 : i1
        %and3A_171 = arith.andi %ne3A_170, %ne3A_165 : i1
        %add3A_172 = arith.addi %rem3A_163, %select_n3A_162 : i32
        %select_n3A_173 = arith.select %and3A_171, %add3A_172, %rem3A_163 : i32
        %mul3A_174 = arith.constant 80 : i32
        %mul3A_175 = arith.muli %add3A_157, %mul3A_174 : i32
        %add3A_176 = arith.addi %add3A, %mul3A_175 : i32
        %dma_start3A_177 = arith.constant 0 : i32
        %dma_start3A_178 = tpu.memref_slice %arg6[%select_n3A_173, %dma_start3A_177] : memref<8x80xi32, #tpu.memory_space<vmem>> -> memref<1x80xi32, #tpu.memory_space<vmem>>
        %dma_start3A_179 = tpu.memref_squeeze %dma_start3A_178 : memref<1x80xi32, #tpu.memory_space<vmem>> -> memref<80xi32, #tpu.memory_space<vmem>>
        %dma_start3A_180 = tpu.memref_slice %arg2[%add3A_176] : memref<640000xi32, #tpu.memory_space<hbm>> -> memref<80xi32, #tpu.memory_space<hbm>>
        %dma_start3A_181 = tpu.memref_slice %arg9[%select_n3A_173] : memref<8x!tpu.dma_semaphore, #tpu.memory_space<semaphore_mem>> -> memref<1x!tpu.dma_semaphore, #tpu.memory_space<semaphore_mem>>
        %dma_start3A_182 = tpu.memref_squeeze %dma_start3A_181 : memref<1x!tpu.dma_semaphore, #tpu.memory_space<semaphore_mem>> -> memref<!tpu.dma_semaphore, #tpu.memory_space<semaphore_mem>>
        %dma_start3A_183 = arith.constant 0 : i32
        %dma_start3A_184 = tpu.memref_slice %arg6[%select_n3A_173, %dma_start3A_183] : memref<8x80xi32, #tpu.memory_space<vmem>> -> memref<1x80xi32, #tpu.memory_space<vmem>>
        %dma_start3A_185 = tpu.memref_squeeze %dma_start3A_184 : memref<1x80xi32, #tpu.memory_space<vmem>> -> memref<80xi32, #tpu.memory_space<vmem>>
        %dma_start3A_186 = tpu.memref_slice %arg2[%add3A_176] : memref<640000xi32, #tpu.memory_space<hbm>> -> memref<80xi32, #tpu.memory_space<hbm>>
        tpu.enqueue_dma source(%dma_start3A_186 : memref<80xi32, #tpu.memory_space<hbm>>) target(%dma_start3A_185 : memref<80xi32, #tpu.memory_space<vmem>>) target_semaphore(%dma_start3A_182 : memref<!tpu.dma_semaphore, #tpu.memory_space<semaphore_mem>>)
      } else {
      }
      %jit3A = arith.constant 8 : i32
      %eq3A = arith.constant 0 : i32
      %eq3A_111 = arith.cmpi eq, %jit3A, %eq3A : i32
      %jit3A_112 = arith.constant 1 : i32
      %select_n3A = arith.select %eq3A_111, %jit3A_112, %jit3A : i32
      %rem3A = arith.remsi %scan3A_102, %select_n3A : i32
      %ne3A = arith.constant 0 : i32
      %ne3A_113 = arith.cmpi ne, %rem3A, %ne3A : i32
      %lt3A_114 = arith.constant 0 : i32
      %lt3A_115 = arith.cmpi slt, %rem3A, %lt3A_114 : i32
      %lt3A_116 = arith.constant 0 : i32
      %lt3A_117 = arith.cmpi slt, %select_n3A, %lt3A_116 : i32
      %ne3A_118 = arith.xori %lt3A_115, %lt3A_117 : i1
      %and3A = arith.andi %ne3A_118, %ne3A_113 : i1
      %add3A_119 = arith.addi %rem3A, %select_n3A : i32
      %select_n3A_120 = arith.select %and3A, %add3A_119, %rem3A : i32
      %mul3A_121 = arith.constant 80 : i32
      %mul3A_122 = arith.muli %scan3A_102, %mul3A_121 : i32
      %add3A_123 = arith.addi %add3A, %mul3A_122 : i32
      %dma_wait3A_124 = arith.constant 0 : i32
      %dma_wait3A_125 = tpu.memref_slice %arg6[%select_n3A_120, %dma_wait3A_124] : memref<8x80xi32, #tpu.memory_space<vmem>> -> memref<1x80xi32, #tpu.memory_space<vmem>>
      %dma_wait3A_126 = tpu.memref_squeeze %dma_wait3A_125 : memref<1x80xi32, #tpu.memory_space<vmem>> -> memref<80xi32, #tpu.memory_space<vmem>>
      %dma_wait3A_127 = tpu.memref_slice %arg2[%add3A_123] : memref<640000xi32, #tpu.memory_space<hbm>> -> memref<80xi32, #tpu.memory_space<hbm>>
      %dma_wait3A_128 = tpu.memref_slice %arg9[%select_n3A_120] : memref<8x!tpu.dma_semaphore, #tpu.memory_space<semaphore_mem>> -> memref<1x!tpu.dma_semaphore, #tpu.memory_space<semaphore_mem>>
      %dma_wait3A_129 = tpu.memref_squeeze %dma_wait3A_128 : memref<1x!tpu.dma_semaphore, #tpu.memory_space<semaphore_mem>> -> memref<!tpu.dma_semaphore, #tpu.memory_space<semaphore_mem>>
      %dma_wait3A_130 = arith.constant 0 : i32
      %dma_wait3A_131 = tpu.memref_slice %arg6[%select_n3A_120, %dma_wait3A_130] : memref<8x80xi32, #tpu.memory_space<vmem>> -> memref<1x80xi32, #tpu.memory_space<vmem>>
      %dma_wait3A_132 = tpu.memref_squeeze %dma_wait3A_131 : memref<1x80xi32, #tpu.memory_space<vmem>> -> memref<80xi32, #tpu.memory_space<vmem>>
      %dma_wait3A_133 = tpu.memref_slice %arg2[%add3A_123] : memref<640000xi32, #tpu.memory_space<hbm>> -> memref<80xi32, #tpu.memory_space<hbm>>
      tpu.wait_dma2 semaphore(%dma_wait3A_129 : memref<!tpu.dma_semaphore, #tpu.memory_space<semaphore_mem>>) src(%dma_wait3A_133 : memref<80xi32, #tpu.memory_space<hbm>>) dst(%dma_wait3A_132 : memref<80xi32, #tpu.memory_space<vmem>>)
      %jit3A_134 = arith.constant 8 : i32
      %eq3A_135 = arith.constant 0 : i32
      %eq3A_136 = arith.cmpi eq, %jit3A_134, %eq3A_135 : i32
      %jit3A_137 = arith.constant 1 : i32
      %select_n3A_138 = arith.select %eq3A_136, %jit3A_137, %jit3A_134 : i32
      %rem3A_139 = arith.remsi %scan3A_102, %select_n3A_138 : i32
      %ne3A_140 = arith.constant 0 : i32
      %ne3A_141 = arith.cmpi ne, %rem3A_139, %ne3A_140 : i32
      %lt3A_142 = arith.constant 0 : i32
      %lt3A_143 = arith.cmpi slt, %rem3A_139, %lt3A_142 : i32
      %lt3A_144 = arith.constant 0 : i32
      %lt3A_145 = arith.cmpi slt, %select_n3A_138, %lt3A_144 : i32
      %ne3A_146 = arith.xori %lt3A_143, %lt3A_145 : i1
      %and3A_147 = arith.andi %ne3A_146, %ne3A_141 : i1
      %add3A_148 = arith.addi %rem3A_139, %select_n3A_138 : i32
      %select_n3A_149 = arith.select %and3A_147, %add3A_148, %rem3A_139 : i32
      %dma_start3A_150 = arith.constant 0 : i32
      %dma_start3A_151 = tpu.memref_slice %arg6[%select_n3A_149, %dma_start3A_150] : memref<8x80xi32, #tpu.memory_space<vmem>> -> memref<1x80xi32, #tpu.memory_space<vmem>>
      %dma_start3A_152 = tpu.memref_squeeze %dma_start3A_151 : memref<1x80xi32, #tpu.memory_space<vmem>> -> memref<80xi32, #tpu.memory_space<vmem>>
      %dma_start3A_153 = arith.constant 0 : i32
      %dma_start3A_154 = arith.constant 0 : i32
      %dma_start3A_155 = tpu.memref_slice %arg8[%dma_start3A_153, %dma_start3A_154] : memref<10000x16xf32, #tpu.memory_space<vmem_shared>> -> memref<10000x16xf32, #tpu.memory_space<vmem_shared>>
      tpu.enqueue_indirect_dma source(%arg7 : memref<80x16xf32, #tpu.memory_space<vmem>>) target(%dma_start3A_155 : memref<10000x16xf32, #tpu.memory_space<vmem_shared>>) offsets(%dma_start3A_152 : memref<80xi32, #tpu.memory_space<vmem>>) semaphore(%arg10 : memref<!tpu.dma_semaphore, #tpu.memory_space<semaphore_mem>>) {add = true}
    }
    %scan3A_66 = arith.constant 250 : i32
    %dma_wait3A = arith.constant 6 : i32
    %dma_wait3A_67 = arith.constant 0 : i32
    %dma_wait3A_68 = tpu.memref_slice %arg6[%dma_wait3A, %dma_wait3A_67] : memref<8x80xi32, #tpu.memory_space<vmem>> -> memref<1x80xi32, #tpu.memory_space<vmem>>
    %dma_wait3A_69 = tpu.memref_squeeze %dma_wait3A_68 : memref<1x80xi32, #tpu.memory_space<vmem>> -> memref<80xi32, #tpu.memory_space<vmem>>
    %dma_wait3A_70 = arith.constant 0 : i32
    %dma_wait3A_71 = arith.constant 0 : i32
    %dma_wait3A_72 = tpu.memref_slice %arg8[%dma_wait3A_70, %dma_wait3A_71] : memref<10000x16xf32, #tpu.memory_space<vmem_shared>> -> memref<10000x16xf32, #tpu.memory_space<vmem_shared>>
    tpu.wait_indirect_dma semaphore(%arg10 : memref<!tpu.dma_semaphore, #tpu.memory_space<semaphore_mem>>) src(%arg7 : memref<80x16xf32, #tpu.memory_space<vmem>>) dst(%dma_wait3A_72 : memref<10000x16xf32, #tpu.memory_space<vmem_shared>>)
    %dma_wait3A_73 = arith.constant 7 : i32
    %dma_wait3A_74 = arith.constant 0 : i32
    %dma_wait3A_75 = tpu.memref_slice %arg6[%dma_wait3A_73, %dma_wait3A_74] : memref<8x80xi32, #tpu.memory_space<vmem>> -> memref<1x80xi32, #tpu.memory_space<vmem>>
    %dma_wait3A_76 = tpu.memref_squeeze %dma_wait3A_75 : memref<1x80xi32, #tpu.memory_space<vmem>> -> memref<80xi32, #tpu.memory_space<vmem>>
    %dma_wait3A_77 = arith.constant 0 : i32
    %dma_wait3A_78 = arith.constant 0 : i32
    %dma_wait3A_79 = tpu.memref_slice %arg8[%dma_wait3A_77, %dma_wait3A_78] : memref<10000x16xf32, #tpu.memory_space<vmem_shared>> -> memref<10000x16xf32, #tpu.memory_space<vmem_shared>>
    tpu.wait_indirect_dma semaphore(%arg10 : memref<!tpu.dma_semaphore, #tpu.memory_space<semaphore_mem>>) src(%arg7 : memref<80x16xf32, #tpu.memory_space<vmem>>) dst(%dma_wait3A_79 : memref<10000x16xf32, #tpu.memory_space<vmem_shared>>)
    %dma_wait3A_80 = arith.constant 0 : i32
    %dma_wait3A_81 = arith.constant 0 : i32
    %dma_wait3A_82 = tpu.memref_slice %arg6[%dma_wait3A_80, %dma_wait3A_81] : memref<8x80xi32, #tpu.memory_space<vmem>> -> memref<1x80xi32, #tpu.memory_space<vmem>>
    %dma_wait3A_83 = tpu.memref_squeeze %dma_wait3A_82 : memref<1x80xi32, #tpu.memory_space<vmem>> -> memref<80xi32, #tpu.memory_space<vmem>>
    %dma_wait3A_84 = arith.constant 0 : i32
    %dma_wait3A_85 = arith.constant 0 : i32
    %dma_wait3A_86 = tpu.memref_slice %arg8[%dma_wait3A_84, %dma_wait3A_85] : memref<10000x16xf32, #tpu.memory_space<vmem_shared>> -> memref<10000x16xf32, #tpu.memory_space<vmem_shared>>
    tpu.wait_indirect_dma semaphore(%arg10 : memref<!tpu.dma_semaphore, #tpu.memory_space<semaphore_mem>>) src(%arg7 : memref<80x16xf32, #tpu.memory_space<vmem>>) dst(%dma_wait3A_86 : memref<10000x16xf32, #tpu.memory_space<vmem_shared>>)
    %dma_wait3A_87 = arith.constant 1 : i32
    %dma_wait3A_88 = arith.constant 0 : i32
    %dma_wait3A_89 = tpu.memref_slice %arg6[%dma_wait3A_87, %dma_wait3A_88] : memref<8x80xi32, #tpu.memory_space<vmem>> -> memref<1x80xi32, #tpu.memory_space<vmem>>
    %dma_wait3A_90 = tpu.memref_squeeze %dma_wait3A_89 : memref<1x80xi32, #tpu.memory_space<vmem>> -> memref<80xi32, #tpu.memory_space<vmem>>
    %dma_wait3A_91 = arith.constant 0 : i32
    %dma_wait3A_92 = arith.constant 0 : i32
    %dma_wait3A_93 = tpu.memref_slice %arg8[%dma_wait3A_91, %dma_wait3A_92] : memref<10000x16xf32, #tpu.memory_space<vmem_shared>> -> memref<10000x16xf32, #tpu.memory_space<vmem_shared>>
    tpu.wait_indirect_dma semaphore(%arg10 : memref<!tpu.dma_semaphore, #tpu.memory_space<semaphore_mem>>) src(%arg7 : memref<80x16xf32, #tpu.memory_space<vmem>>) dst(%dma_wait3A_93 : memref<10000x16xf32, #tpu.memory_space<vmem_shared>>)
    %barrier3A_94 = arith.constant 0 : index
    tpu.barrier barrier_id(%barrier3A_94)
    %mul3A_95 = arith.constant 625 : i32
    %mul3A_96 = arith.muli %arg1, %mul3A_95 : i32
    %mul3A_97 = arith.constant 10000 : i32
    %mul3A_98 = arith.muli %arg0, %mul3A_97 : i32
    %mul3A_99 = arith.constant 625 : i32
    %mul3A_100 = arith.muli %arg1, %mul3A_99 : i32
    %add3A_101 = arith.addi %mul3A_98, %mul3A_100 : i32
    "tpu.region"() ({
      %run_scoped3A = tpu.sem_alloc : memref<!tpu.dma_semaphore, #tpu.memory_space<semaphore_mem>>
      %dma_start3A_102 = arith.constant 0 : i32
      %dma_start3A_103 = tpu.memref_slice %arg5[%add3A_101, %dma_start3A_102] : memref<20000x16xf32, #tpu.memory_space<hbm>> -> memref<625x16xf32, #tpu.memory_space<hbm>>
      %dma_start3A_104 = arith.constant 0 : i32
      %dma_start3A_105 = tpu.memref_slice %arg8[%mul3A_96, %dma_start3A_104] : memref<10000x16xf32, #tpu.memory_space<vmem_shared>> -> memref<625x16xf32, #tpu.memory_space<vmem_shared>>
      tpu.enqueue_dma source(%dma_start3A_105 : memref<625x16xf32, #tpu.memory_space<vmem_shared>>) target(%dma_start3A_103 : memref<625x16xf32, #tpu.memory_space<hbm>>) target_semaphore(%run_scoped3A : memref<!tpu.dma_semaphore, #tpu.memory_space<semaphore_mem>>)
      %dma_wait3A_106 = arith.constant 0 : i32
      %dma_wait3A_107 = tpu.memref_slice %arg5[%add3A_101, %dma_wait3A_106] : memref<20000x16xf32, #tpu.memory_space<hbm>> -> memref<625x16xf32, #tpu.memory_space<hbm>>
      %dma_wait3A_108 = arith.constant 0 : i32
      %dma_wait3A_109 = tpu.memref_slice %arg8[%mul3A_96, %dma_wait3A_108] : memref<10000x16xf32, #tpu.memory_space<vmem_shared>> -> memref<625x16xf32, #tpu.memory_space<vmem_shared>>
      tpu.wait_dma2 semaphore(%run_scoped3A : memref<!tpu.dma_semaphore, #tpu.memory_space<semaphore_mem>>) src(%dma_wait3A_109 : memref<625x16xf32, #tpu.memory_space<vmem_shared>>) dst(%dma_wait3A_107 : memref<625x16xf32, #tpu.memory_space<hbm>>)
      tpu.yield
    }) : () -> ()
    return
  }
}

#map = affine_map<(d0, d1) -> (0, 0)>
#map1 = affine_map<(d0, d1) -> (0)>
module attributes {stable_mosaic.version = 14 : i64} {
  func.func @_sc_scatter(%arg0: i32, %arg1: i32, %arg2: memref<20000x64xbf16, #tpu.memory_space<hbm>>, %arg3: memref<640000xi32, #tpu.memory_space<hbm>>, %arg4: memref<640000xi32, #tpu.memory_space<hbm>>, %arg5: memref<10000x64xbf16, #tpu.memory_space<hbm>>, %arg6: memref<20000x64xbf16, #tpu.memory_space<hbm>>, %arg7: memref<8x80xi32, #tpu.memory_space<vmem>>, %arg8: memref<8x80xi32, #tpu.memory_space<vmem>>, %arg9: memref<4x80x64xbf16, #tpu.memory_space<vmem>>, %arg10: memref<10000x64xbf16, #tpu.memory_space<vmem_shared>>, %arg11: memref<8x!tpu.dma_semaphore, #tpu.memory_space<semaphore_mem>>, %arg12: memref<4x!tpu.dma_semaphore, #tpu.memory_space<semaphore_mem>>, %arg13: memref<4x!tpu.dma_semaphore, #tpu.memory_space<semaphore_mem>>) attributes {dimension_semantics = [#tpu.dimension_semantics<core_parallel>, #tpu.dimension_semantics<subcore_parallel>], iteration_bounds = array<i64: 2, 16>, scalar_prefetch = 0 : i64, scratch_operands = 7 : i64, tpu.core_type = #tpu.core_type<sc_vector_subcore>, window_params = [{transform_indices = #map}, {transform_indices = #map1}, {transform_indices = #map1}, {transform_indices = #map}, {transform_indices = #map}]} {
    %mul3A = arith.constant 320000 : i32
    %mul3A_0 = arith.muli %arg0, %mul3A : i32
    %mul3A_1 = arith.constant 20000 : i32
    %mul3A_2 = arith.muli %arg1, %mul3A_1 : i32
    %add3A = arith.addi %mul3A_0, %mul3A_2 : i32
    %mul3A_3 = arith.constant 10000 : i32
    %mul3A_4 = arith.muli %arg0, %mul3A_3 : i32
    %broadcast_in_dim3A = vector.broadcast %mul3A_4 : i32 to vector<16xi32>
    %mul3A_5 = arith.constant 625 : i32
    %mul3A_6 = arith.muli %arg1, %mul3A_5 : i32
    %mul3A_7 = arith.constant 625 : i32
    %mul3A_8 = arith.muli %arg1, %mul3A_7 : i32
    "tpu.region"() ({
      %run_scoped3A = tpu.sem_alloc : memref<!tpu.dma_semaphore, #tpu.memory_space<semaphore_mem>>
      %dma_start3A_396 = arith.constant 0 : i32
      %dma_start3A_397 = tpu.memref_slice %arg10[%mul3A_8, %dma_start3A_396] : memref<10000x64xbf16, #tpu.memory_space<vmem_shared>> -> memref<625x64xbf16, #tpu.memory_space<vmem_shared>>
      %dma_start3A_398 = arith.constant 0 : i32
      %dma_start3A_399 = tpu.memref_slice %arg5[%mul3A_6, %dma_start3A_398] : memref<10000x64xbf16, #tpu.memory_space<hbm>> -> memref<625x64xbf16, #tpu.memory_space<hbm>>
      tpu.enqueue_dma source(%dma_start3A_399 : memref<625x64xbf16, #tpu.memory_space<hbm>>) target(%dma_start3A_397 : memref<625x64xbf16, #tpu.memory_space<vmem_shared>>) target_semaphore(%run_scoped3A : memref<!tpu.dma_semaphore, #tpu.memory_space<semaphore_mem>>)
      %dma_wait3A_400 = arith.constant 0 : i32
      %dma_wait3A_401 = tpu.memref_slice %arg10[%mul3A_8, %dma_wait3A_400] : memref<10000x64xbf16, #tpu.memory_space<vmem_shared>> -> memref<625x64xbf16, #tpu.memory_space<vmem_shared>>
      %dma_wait3A_402 = arith.constant 0 : i32
      %dma_wait3A_403 = tpu.memref_slice %arg5[%mul3A_6, %dma_wait3A_402] : memref<10000x64xbf16, #tpu.memory_space<hbm>> -> memref<625x64xbf16, #tpu.memory_space<hbm>>
      tpu.wait_dma2 semaphore(%run_scoped3A : memref<!tpu.dma_semaphore, #tpu.memory_space<semaphore_mem>>) src(%dma_wait3A_403 : memref<625x64xbf16, #tpu.memory_space<hbm>>) dst(%dma_wait3A_401 : memref<625x64xbf16, #tpu.memory_space<vmem_shared>>)
      tpu.yield
    }) : () -> ()
    %barrier3A = arith.constant 0 : index
    tpu.barrier barrier_id(%barrier3A)
    %add3A_9 = arith.constant 0 : i32
    %add3A_10 = arith.addi %add3A, %add3A_9 : i32
    %dma_start3A = arith.constant 0 : i32
    %dma_start3A_11 = arith.constant 0 : i32
    %dma_start3A_12 = arith.constant 0 : i32
    %dma_start3A_13 = tpu.memref_slice %arg7[%dma_start3A, %dma_start3A_12] : memref<8x80xi32, #tpu.memory_space<vmem>> -> memref<1x80xi32, #tpu.memory_space<vmem>>
    %dma_start3A_14 = tpu.memref_squeeze %dma_start3A_13 : memref<1x80xi32, #tpu.memory_space<vmem>> -> memref<80xi32, #tpu.memory_space<vmem>>
    %dma_start3A_15 = tpu.memref_slice %arg3[%add3A_10] : memref<640000xi32, #tpu.memory_space<hbm>> -> memref<80xi32, #tpu.memory_space<hbm>>
    %dma_start3A_16 = tpu.memref_slice %arg11[%dma_start3A_11] : memref<8x!tpu.dma_semaphore, #tpu.memory_space<semaphore_mem>> -> memref<1x!tpu.dma_semaphore, #tpu.memory_space<semaphore_mem>>
    %dma_start3A_17 = tpu.memref_squeeze %dma_start3A_16 : memref<1x!tpu.dma_semaphore, #tpu.memory_space<semaphore_mem>> -> memref<!tpu.dma_semaphore, #tpu.memory_space<semaphore_mem>>
    %dma_start3A_18 = arith.constant 0 : i32
    %dma_start3A_19 = tpu.memref_slice %arg7[%dma_start3A, %dma_start3A_18] : memref<8x80xi32, #tpu.memory_space<vmem>> -> memref<1x80xi32, #tpu.memory_space<vmem>>
    %dma_start3A_20 = tpu.memref_squeeze %dma_start3A_19 : memref<1x80xi32, #tpu.memory_space<vmem>> -> memref<80xi32, #tpu.memory_space<vmem>>
    %dma_start3A_21 = tpu.memref_slice %arg3[%add3A_10] : memref<640000xi32, #tpu.memory_space<hbm>> -> memref<80xi32, #tpu.memory_space<hbm>>
    tpu.enqueue_dma source(%dma_start3A_21 : memref<80xi32, #tpu.memory_space<hbm>>) target(%dma_start3A_20 : memref<80xi32, #tpu.memory_space<vmem>>) target_semaphore(%dma_start3A_17 : memref<!tpu.dma_semaphore, #tpu.memory_space<semaphore_mem>>)
    %add3A_22 = arith.constant 0 : i32
    %add3A_23 = arith.addi %add3A, %add3A_22 : i32
    %dma_start3A_24 = arith.constant 0 : i32
    %dma_start3A_25 = arith.constant 0 : i32
    %dma_start3A_26 = arith.constant 0 : i32
    %dma_start3A_27 = tpu.memref_slice %arg8[%dma_start3A_24, %dma_start3A_26] : memref<8x80xi32, #tpu.memory_space<vmem>> -> memref<1x80xi32, #tpu.memory_space<vmem>>
    %dma_start3A_28 = tpu.memref_squeeze %dma_start3A_27 : memref<1x80xi32, #tpu.memory_space<vmem>> -> memref<80xi32, #tpu.memory_space<vmem>>
    %dma_start3A_29 = tpu.memref_slice %arg4[%add3A_23] : memref<640000xi32, #tpu.memory_space<hbm>> -> memref<80xi32, #tpu.memory_space<hbm>>
    %dma_start3A_30 = tpu.memref_slice %arg11[%dma_start3A_25] : memref<8x!tpu.dma_semaphore, #tpu.memory_space<semaphore_mem>> -> memref<1x!tpu.dma_semaphore, #tpu.memory_space<semaphore_mem>>
    %dma_start3A_31 = tpu.memref_squeeze %dma_start3A_30 : memref<1x!tpu.dma_semaphore, #tpu.memory_space<semaphore_mem>> -> memref<!tpu.dma_semaphore, #tpu.memory_space<semaphore_mem>>
    %dma_start3A_32 = arith.constant 0 : i32
    %dma_start3A_33 = tpu.memref_slice %arg8[%dma_start3A_24, %dma_start3A_32] : memref<8x80xi32, #tpu.memory_space<vmem>> -> memref<1x80xi32, #tpu.memory_space<vmem>>
    %dma_start3A_34 = tpu.memref_squeeze %dma_start3A_33 : memref<1x80xi32, #tpu.memory_space<vmem>> -> memref<80xi32, #tpu.memory_space<vmem>>
    %dma_start3A_35 = tpu.memref_slice %arg4[%add3A_23] : memref<640000xi32, #tpu.memory_space<hbm>> -> memref<80xi32, #tpu.memory_space<hbm>>
    tpu.enqueue_dma source(%dma_start3A_35 : memref<80xi32, #tpu.memory_space<hbm>>) target(%dma_start3A_34 : memref<80xi32, #tpu.memory_space<vmem>>) target_semaphore(%dma_start3A_31 : memref<!tpu.dma_semaphore, #tpu.memory_space<semaphore_mem>>)
    %add3A_36 = arith.constant 80 : i32
    %add3A_37 = arith.addi %add3A, %add3A_36 : i32
    %dma_start3A_38 = arith.constant 1 : i32
    %dma_start3A_39 = arith.constant 1 : i32
    %dma_start3A_40 = arith.constant 0 : i32
    %dma_start3A_41 = tpu.memref_slice %arg7[%dma_start3A_38, %dma_start3A_40] : memref<8x80xi32, #tpu.memory_space<vmem>> -> memref<1x80xi32, #tpu.memory_space<vmem>>
    %dma_start3A_42 = tpu.memref_squeeze %dma_start3A_41 : memref<1x80xi32, #tpu.memory_space<vmem>> -> memref<80xi32, #tpu.memory_space<vmem>>
    %dma_start3A_43 = tpu.memref_slice %arg3[%add3A_37] : memref<640000xi32, #tpu.memory_space<hbm>> -> memref<80xi32, #tpu.memory_space<hbm>>
    %dma_start3A_44 = tpu.memref_slice %arg11[%dma_start3A_39] : memref<8x!tpu.dma_semaphore, #tpu.memory_space<semaphore_mem>> -> memref<1x!tpu.dma_semaphore, #tpu.memory_space<semaphore_mem>>
    %dma_start3A_45 = tpu.memref_squeeze %dma_start3A_44 : memref<1x!tpu.dma_semaphore, #tpu.memory_space<semaphore_mem>> -> memref<!tpu.dma_semaphore, #tpu.memory_space<semaphore_mem>>
    %dma_start3A_46 = arith.constant 0 : i32
    %dma_start3A_47 = tpu.memref_slice %arg7[%dma_start3A_38, %dma_start3A_46] : memref<8x80xi32, #tpu.memory_space<vmem>> -> memref<1x80xi32, #tpu.memory_space<vmem>>
    %dma_start3A_48 = tpu.memref_squeeze %dma_start3A_47 : memref<1x80xi32, #tpu.memory_space<vmem>> -> memref<80xi32, #tpu.memory_space<vmem>>
    %dma_start3A_49 = tpu.memref_slice %arg3[%add3A_37] : memref<640000xi32, #tpu.memory_space<hbm>> -> memref<80xi32, #tpu.memory_space<hbm>>
    tpu.enqueue_dma source(%dma_start3A_49 : memref<80xi32, #tpu.memory_space<hbm>>) target(%dma_start3A_48 : memref<80xi32, #tpu.memory_space<vmem>>) target_semaphore(%dma_start3A_45 : memref<!tpu.dma_semaphore, #tpu.memory_space<semaphore_mem>>)
    %add3A_50 = arith.constant 80 : i32
    %add3A_51 = arith.addi %add3A, %add3A_50 : i32
    %dma_start3A_52 = arith.constant 1 : i32
    %dma_start3A_53 = arith.constant 1 : i32
    %dma_start3A_54 = arith.constant 0 : i32
    %dma_start3A_55 = tpu.memref_slice %arg8[%dma_start3A_52, %dma_start3A_54] : memref<8x80xi32, #tpu.memory_space<vmem>> -> memref<1x80xi32, #tpu.memory_space<vmem>>
    %dma_start3A_56 = tpu.memref_squeeze %dma_start3A_55 : memref<1x80xi32, #tpu.memory_space<vmem>> -> memref<80xi32, #tpu.memory_space<vmem>>
    %dma_start3A_57 = tpu.memref_slice %arg4[%add3A_51] : memref<640000xi32, #tpu.memory_space<hbm>> -> memref<80xi32, #tpu.memory_space<hbm>>
    %dma_start3A_58 = tpu.memref_slice %arg11[%dma_start3A_53] : memref<8x!tpu.dma_semaphore, #tpu.memory_space<semaphore_mem>> -> memref<1x!tpu.dma_semaphore, #tpu.memory_space<semaphore_mem>>
    %dma_start3A_59 = tpu.memref_squeeze %dma_start3A_58 : memref<1x!tpu.dma_semaphore, #tpu.memory_space<semaphore_mem>> -> memref<!tpu.dma_semaphore, #tpu.memory_space<semaphore_mem>>
    %dma_start3A_60 = arith.constant 0 : i32
    %dma_start3A_61 = tpu.memref_slice %arg8[%dma_start3A_52, %dma_start3A_60] : memref<8x80xi32, #tpu.memory_space<vmem>> -> memref<1x80xi32, #tpu.memory_space<vmem>>
    %dma_start3A_62 = tpu.memref_squeeze %dma_start3A_61 : memref<1x80xi32, #tpu.memory_space<vmem>> -> memref<80xi32, #tpu.memory_space<vmem>>
    %dma_start3A_63 = tpu.memref_slice %arg4[%add3A_51] : memref<640000xi32, #tpu.memory_space<hbm>> -> memref<80xi32, #tpu.memory_space<hbm>>
    tpu.enqueue_dma source(%dma_start3A_63 : memref<80xi32, #tpu.memory_space<hbm>>) target(%dma_start3A_62 : memref<80xi32, #tpu.memory_space<vmem>>) target_semaphore(%dma_start3A_59 : memref<!tpu.dma_semaphore, #tpu.memory_space<semaphore_mem>>)
    %add3A_64 = arith.constant 160 : i32
    %add3A_65 = arith.addi %add3A, %add3A_64 : i32
    %dma_start3A_66 = arith.constant 2 : i32
    %dma_start3A_67 = arith.constant 2 : i32
    %dma_start3A_68 = arith.constant 0 : i32
    %dma_start3A_69 = tpu.memref_slice %arg7[%dma_start3A_66, %dma_start3A_68] : memref<8x80xi32, #tpu.memory_space<vmem>> -> memref<1x80xi32, #tpu.memory_space<vmem>>
    %dma_start3A_70 = tpu.memref_squeeze %dma_start3A_69 : memref<1x80xi32, #tpu.memory_space<vmem>> -> memref<80xi32, #tpu.memory_space<vmem>>
    %dma_start3A_71 = tpu.memref_slice %arg3[%add3A_65] : memref<640000xi32, #tpu.memory_space<hbm>> -> memref<80xi32, #tpu.memory_space<hbm>>
    %dma_start3A_72 = tpu.memref_slice %arg11[%dma_start3A_67] : memref<8x!tpu.dma_semaphore, #tpu.memory_space<semaphore_mem>> -> memref<1x!tpu.dma_semaphore, #tpu.memory_space<semaphore_mem>>
    %dma_start3A_73 = tpu.memref_squeeze %dma_start3A_72 : memref<1x!tpu.dma_semaphore, #tpu.memory_space<semaphore_mem>> -> memref<!tpu.dma_semaphore, #tpu.memory_space<semaphore_mem>>
    %dma_start3A_74 = arith.constant 0 : i32
    %dma_start3A_75 = tpu.memref_slice %arg7[%dma_start3A_66, %dma_start3A_74] : memref<8x80xi32, #tpu.memory_space<vmem>> -> memref<1x80xi32, #tpu.memory_space<vmem>>
    %dma_start3A_76 = tpu.memref_squeeze %dma_start3A_75 : memref<1x80xi32, #tpu.memory_space<vmem>> -> memref<80xi32, #tpu.memory_space<vmem>>
    %dma_start3A_77 = tpu.memref_slice %arg3[%add3A_65] : memref<640000xi32, #tpu.memory_space<hbm>> -> memref<80xi32, #tpu.memory_space<hbm>>
    tpu.enqueue_dma source(%dma_start3A_77 : memref<80xi32, #tpu.memory_space<hbm>>) target(%dma_start3A_76 : memref<80xi32, #tpu.memory_space<vmem>>) target_semaphore(%dma_start3A_73 : memref<!tpu.dma_semaphore, #tpu.memory_space<semaphore_mem>>)
    %add3A_78 = arith.constant 160 : i32
    %add3A_79 = arith.addi %add3A, %add3A_78 : i32
    %dma_start3A_80 = arith.constant 2 : i32
    %dma_start3A_81 = arith.constant 2 : i32
    %dma_start3A_82 = arith.constant 0 : i32
    %dma_start3A_83 = tpu.memref_slice %arg8[%dma_start3A_80, %dma_start3A_82] : memref<8x80xi32, #tpu.memory_space<vmem>> -> memref<1x80xi32, #tpu.memory_space<vmem>>
    %dma_start3A_84 = tpu.memref_squeeze %dma_start3A_83 : memref<1x80xi32, #tpu.memory_space<vmem>> -> memref<80xi32, #tpu.memory_space<vmem>>
    %dma_start3A_85 = tpu.memref_slice %arg4[%add3A_79] : memref<640000xi32, #tpu.memory_space<hbm>> -> memref<80xi32, #tpu.memory_space<hbm>>
    %dma_start3A_86 = tpu.memref_slice %arg11[%dma_start3A_81] : memref<8x!tpu.dma_semaphore, #tpu.memory_space<semaphore_mem>> -> memref<1x!tpu.dma_semaphore, #tpu.memory_space<semaphore_mem>>
    %dma_start3A_87 = tpu.memref_squeeze %dma_start3A_86 : memref<1x!tpu.dma_semaphore, #tpu.memory_space<semaphore_mem>> -> memref<!tpu.dma_semaphore, #tpu.memory_space<semaphore_mem>>
    %dma_start3A_88 = arith.constant 0 : i32
    %dma_start3A_89 = tpu.memref_slice %arg8[%dma_start3A_80, %dma_start3A_88] : memref<8x80xi32, #tpu.memory_space<vmem>> -> memref<1x80xi32, #tpu.memory_space<vmem>>
    %dma_start3A_90 = tpu.memref_squeeze %dma_start3A_89 : memref<1x80xi32, #tpu.memory_space<vmem>> -> memref<80xi32, #tpu.memory_space<vmem>>
    %dma_start3A_91 = tpu.memref_slice %arg4[%add3A_79] : memref<640000xi32, #tpu.memory_space<hbm>> -> memref<80xi32, #tpu.memory_space<hbm>>
    tpu.enqueue_dma source(%dma_start3A_91 : memref<80xi32, #tpu.memory_space<hbm>>) target(%dma_start3A_90 : memref<80xi32, #tpu.memory_space<vmem>>) target_semaphore(%dma_start3A_87 : memref<!tpu.dma_semaphore, #tpu.memory_space<semaphore_mem>>)
    %add3A_92 = arith.constant 240 : i32
    %add3A_93 = arith.addi %add3A, %add3A_92 : i32
    %dma_start3A_94 = arith.constant 3 : i32
    %dma_start3A_95 = arith.constant 3 : i32
    %dma_start3A_96 = arith.constant 0 : i32
    %dma_start3A_97 = tpu.memref_slice %arg7[%dma_start3A_94, %dma_start3A_96] : memref<8x80xi32, #tpu.memory_space<vmem>> -> memref<1x80xi32, #tpu.memory_space<vmem>>
    %dma_start3A_98 = tpu.memref_squeeze %dma_start3A_97 : memref<1x80xi32, #tpu.memory_space<vmem>> -> memref<80xi32, #tpu.memory_space<vmem>>
    %dma_start3A_99 = tpu.memref_slice %arg3[%add3A_93] : memref<640000xi32, #tpu.memory_space<hbm>> -> memref<80xi32, #tpu.memory_space<hbm>>
    %dma_start3A_100 = tpu.memref_slice %arg11[%dma_start3A_95] : memref<8x!tpu.dma_semaphore, #tpu.memory_space<semaphore_mem>> -> memref<1x!tpu.dma_semaphore, #tpu.memory_space<semaphore_mem>>
    %dma_start3A_101 = tpu.memref_squeeze %dma_start3A_100 : memref<1x!tpu.dma_semaphore, #tpu.memory_space<semaphore_mem>> -> memref<!tpu.dma_semaphore, #tpu.memory_space<semaphore_mem>>
    %dma_start3A_102 = arith.constant 0 : i32
    %dma_start3A_103 = tpu.memref_slice %arg7[%dma_start3A_94, %dma_start3A_102] : memref<8x80xi32, #tpu.memory_space<vmem>> -> memref<1x80xi32, #tpu.memory_space<vmem>>
    %dma_start3A_104 = tpu.memref_squeeze %dma_start3A_103 : memref<1x80xi32, #tpu.memory_space<vmem>> -> memref<80xi32, #tpu.memory_space<vmem>>
    %dma_start3A_105 = tpu.memref_slice %arg3[%add3A_93] : memref<640000xi32, #tpu.memory_space<hbm>> -> memref<80xi32, #tpu.memory_space<hbm>>
    tpu.enqueue_dma source(%dma_start3A_105 : memref<80xi32, #tpu.memory_space<hbm>>) target(%dma_start3A_104 : memref<80xi32, #tpu.memory_space<vmem>>) target_semaphore(%dma_start3A_101 : memref<!tpu.dma_semaphore, #tpu.memory_space<semaphore_mem>>)
    %add3A_106 = arith.constant 240 : i32
    %add3A_107 = arith.addi %add3A, %add3A_106 : i32
    %dma_start3A_108 = arith.constant 3 : i32
    %dma_start3A_109 = arith.constant 3 : i32
    %dma_start3A_110 = arith.constant 0 : i32
    %dma_start3A_111 = tpu.memref_slice %arg8[%dma_start3A_108, %dma_start3A_110] : memref<8x80xi32, #tpu.memory_space<vmem>> -> memref<1x80xi32, #tpu.memory_space<vmem>>
    %dma_start3A_112 = tpu.memref_squeeze %dma_start3A_111 : memref<1x80xi32, #tpu.memory_space<vmem>> -> memref<80xi32, #tpu.memory_space<vmem>>
    %dma_start3A_113 = tpu.memref_slice %arg4[%add3A_107] : memref<640000xi32, #tpu.memory_space<hbm>> -> memref<80xi32, #tpu.memory_space<hbm>>
    %dma_start3A_114 = tpu.memref_slice %arg11[%dma_start3A_109] : memref<8x!tpu.dma_semaphore, #tpu.memory_space<semaphore_mem>> -> memref<1x!tpu.dma_semaphore, #tpu.memory_space<semaphore_mem>>
    %dma_start3A_115 = tpu.memref_squeeze %dma_start3A_114 : memref<1x!tpu.dma_semaphore, #tpu.memory_space<semaphore_mem>> -> memref<!tpu.dma_semaphore, #tpu.memory_space<semaphore_mem>>
    %dma_start3A_116 = arith.constant 0 : i32
    %dma_start3A_117 = tpu.memref_slice %arg8[%dma_start3A_108, %dma_start3A_116] : memref<8x80xi32, #tpu.memory_space<vmem>> -> memref<1x80xi32, #tpu.memory_space<vmem>>
    %dma_start3A_118 = tpu.memref_squeeze %dma_start3A_117 : memref<1x80xi32, #tpu.memory_space<vmem>> -> memref<80xi32, #tpu.memory_space<vmem>>
    %dma_start3A_119 = tpu.memref_slice %arg4[%add3A_107] : memref<640000xi32, #tpu.memory_space<hbm>> -> memref<80xi32, #tpu.memory_space<hbm>>
    tpu.enqueue_dma source(%dma_start3A_119 : memref<80xi32, #tpu.memory_space<hbm>>) target(%dma_start3A_118 : memref<80xi32, #tpu.memory_space<vmem>>) target_semaphore(%dma_start3A_115 : memref<!tpu.dma_semaphore, #tpu.memory_space<semaphore_mem>>)
    %add3A_120 = arith.constant 0 : i32
    %add3A_121 = arith.addi %add3A, %add3A_120 : i32
    %dma_wait3A = arith.constant 0 : i32
    %dma_wait3A_122 = arith.constant 0 : i32
    %dma_wait3A_123 = arith.constant 0 : i32
    %dma_wait3A_124 = tpu.memref_slice %arg7[%dma_wait3A, %dma_wait3A_123] : memref<8x80xi32, #tpu.memory_space<vmem>> -> memref<1x80xi32, #tpu.memory_space<vmem>>
    %dma_wait3A_125 = tpu.memref_squeeze %dma_wait3A_124 : memref<1x80xi32, #tpu.memory_space<vmem>> -> memref<80xi32, #tpu.memory_space<vmem>>
    %dma_wait3A_126 = tpu.memref_slice %arg3[%add3A_121] : memref<640000xi32, #tpu.memory_space<hbm>> -> memref<80xi32, #tpu.memory_space<hbm>>
    %dma_wait3A_127 = tpu.memref_slice %arg11[%dma_wait3A_122] : memref<8x!tpu.dma_semaphore, #tpu.memory_space<semaphore_mem>> -> memref<1x!tpu.dma_semaphore, #tpu.memory_space<semaphore_mem>>
    %dma_wait3A_128 = tpu.memref_squeeze %dma_wait3A_127 : memref<1x!tpu.dma_semaphore, #tpu.memory_space<semaphore_mem>> -> memref<!tpu.dma_semaphore, #tpu.memory_space<semaphore_mem>>
    %dma_wait3A_129 = arith.constant 0 : i32
    %dma_wait3A_130 = tpu.memref_slice %arg7[%dma_wait3A, %dma_wait3A_129] : memref<8x80xi32, #tpu.memory_space<vmem>> -> memref<1x80xi32, #tpu.memory_space<vmem>>
    %dma_wait3A_131 = tpu.memref_squeeze %dma_wait3A_130 : memref<1x80xi32, #tpu.memory_space<vmem>> -> memref<80xi32, #tpu.memory_space<vmem>>
    %dma_wait3A_132 = tpu.memref_slice %arg3[%add3A_121] : memref<640000xi32, #tpu.memory_space<hbm>> -> memref<80xi32, #tpu.memory_space<hbm>>
    tpu.wait_dma2 semaphore(%dma_wait3A_128 : memref<!tpu.dma_semaphore, #tpu.memory_space<semaphore_mem>>) src(%dma_wait3A_132 : memref<80xi32, #tpu.memory_space<hbm>>) dst(%dma_wait3A_131 : memref<80xi32, #tpu.memory_space<vmem>>)
    %add3A_133 = arith.constant 0 : i32
    %add3A_134 = arith.addi %add3A, %add3A_133 : i32
    %dma_wait3A_135 = arith.constant 0 : i32
    %dma_wait3A_136 = arith.constant 0 : i32
    %dma_wait3A_137 = arith.constant 0 : i32
    %dma_wait3A_138 = tpu.memref_slice %arg8[%dma_wait3A_135, %dma_wait3A_137] : memref<8x80xi32, #tpu.memory_space<vmem>> -> memref<1x80xi32, #tpu.memory_space<vmem>>
    %dma_wait3A_139 = tpu.memref_squeeze %dma_wait3A_138 : memref<1x80xi32, #tpu.memory_space<vmem>> -> memref<80xi32, #tpu.memory_space<vmem>>
    %dma_wait3A_140 = tpu.memref_slice %arg4[%add3A_134] : memref<640000xi32, #tpu.memory_space<hbm>> -> memref<80xi32, #tpu.memory_space<hbm>>
    %dma_wait3A_141 = tpu.memref_slice %arg11[%dma_wait3A_136] : memref<8x!tpu.dma_semaphore, #tpu.memory_space<semaphore_mem>> -> memref<1x!tpu.dma_semaphore, #tpu.memory_space<semaphore_mem>>
    %dma_wait3A_142 = tpu.memref_squeeze %dma_wait3A_141 : memref<1x!tpu.dma_semaphore, #tpu.memory_space<semaphore_mem>> -> memref<!tpu.dma_semaphore, #tpu.memory_space<semaphore_mem>>
    %dma_wait3A_143 = arith.constant 0 : i32
    %dma_wait3A_144 = tpu.memref_slice %arg8[%dma_wait3A_135, %dma_wait3A_143] : memref<8x80xi32, #tpu.memory_space<vmem>> -> memref<1x80xi32, #tpu.memory_space<vmem>>
    %dma_wait3A_145 = tpu.memref_squeeze %dma_wait3A_144 : memref<1x80xi32, #tpu.memory_space<vmem>> -> memref<80xi32, #tpu.memory_space<vmem>>
    %dma_wait3A_146 = tpu.memref_slice %arg4[%add3A_134] : memref<640000xi32, #tpu.memory_space<hbm>> -> memref<80xi32, #tpu.memory_space<hbm>>
    tpu.wait_dma2 semaphore(%dma_wait3A_142 : memref<!tpu.dma_semaphore, #tpu.memory_space<semaphore_mem>>) src(%dma_wait3A_146 : memref<80xi32, #tpu.memory_space<hbm>>) dst(%dma_wait3A_145 : memref<80xi32, #tpu.memory_space<vmem>>)
    %get3A = arith.constant 0 : i32
    %get3A_147 = arith.index_cast %get3A : i32 to index
    %get3A_148 = arith.constant 0 : index
    %get3A_149 = tpu.vector_load %arg7[%get3A_147, %get3A_148] {strides = array<i32>} : memref<8x80xi32, #tpu.memory_space<vmem>>, vector<1x16xi32>,
    %get3A_150 = vector.shape_cast %get3A_149 : vector<1x16xi32> to vector<16xi32>
    %add3A_151 = arith.addi %get3A_150, %broadcast_in_dim3A : vector<16xi32>
    %swap3A = arith.constant 0 : i32
    %swap3A_152 = arith.index_cast %swap3A : i32 to index
    %swap3A_153 = arith.constant 0 : index
    %swap3A_154 = tpu.vector_load %arg7[%swap3A_152, %swap3A_153] {strides = array<i32>} : memref<8x80xi32, #tpu.memory_space<vmem>>, vector<1x16xi32>,
    %swap3A_155 = vector.shape_cast %swap3A_154 : vector<1x16xi32> to vector<16xi32>
    %swap3A_156 = vector.shape_cast %add3A_151 : vector<16xi32> to vector<1x16xi32>
    tpu.vector_store %arg7[%swap3A_152, %swap3A_153], %swap3A_156 {strides = array<i32>} : memref<8x80xi32, #tpu.memory_space<vmem>>, vector<1x16xi32>,
    %get3A_157 = arith.constant 0 : i32
    %get3A_158 = arith.index_cast %get3A_157 : i32 to index
    %get3A_159 = arith.constant 16 : index
    %get3A_160 = tpu.vector_load %arg7[%get3A_158, %get3A_159] {strides = array<i32>} : memref<8x80xi32, #tpu.memory_space<vmem>>, vector<1x16xi32>,
    %get3A_161 = vector.shape_cast %get3A_160 : vector<1x16xi32> to vector<16xi32>
    %add3A_162 = arith.addi %get3A_161, %broadcast_in_dim3A : vector<16xi32>
    %swap3A_163 = arith.constant 0 : i32
    %swap3A_164 = arith.index_cast %swap3A_163 : i32 to index
    %swap3A_165 = arith.constant 16 : index
    %swap3A_166 = tpu.vector_load %arg7[%swap3A_164, %swap3A_165] {strides = array<i32>} : memref<8x80xi32, #tpu.memory_space<vmem>>, vector<1x16xi32>,
    %swap3A_167 = vector.shape_cast %swap3A_166 : vector<1x16xi32> to vector<16xi32>
    %swap3A_168 = vector.shape_cast %add3A_162 : vector<16xi32> to vector<1x16xi32>
    tpu.vector_store %arg7[%swap3A_164, %swap3A_165], %swap3A_168 {strides = array<i32>} : memref<8x80xi32, #tpu.memory_space<vmem>>, vector<1x16xi32>,
    %get3A_169 = arith.constant 0 : i32
    %get3A_170 = arith.index_cast %get3A_169 : i32 to index
    %get3A_171 = arith.constant 32 : index
    %get3A_172 = tpu.vector_load %arg7[%get3A_170, %get3A_171] {strides = array<i32>} : memref<8x80xi32, #tpu.memory_space<vmem>>, vector<1x16xi32>,
    %get3A_173 = vector.shape_cast %get3A_172 : vector<1x16xi32> to vector<16xi32>
    %add3A_174 = arith.addi %get3A_173, %broadcast_in_dim3A : vector<16xi32>
    %swap3A_175 = arith.constant 0 : i32
    %swap3A_176 = arith.index_cast %swap3A_175 : i32 to index
    %swap3A_177 = arith.constant 32 : index
    %swap3A_178 = tpu.vector_load %arg7[%swap3A_176, %swap3A_177] {strides = array<i32>} : memref<8x80xi32, #tpu.memory_space<vmem>>, vector<1x16xi32>,
    %swap3A_179 = vector.shape_cast %swap3A_178 : vector<1x16xi32> to vector<16xi32>
    %swap3A_180 = vector.shape_cast %add3A_174 : vector<16xi32> to vector<1x16xi32>
    tpu.vector_store %arg7[%swap3A_176, %swap3A_177], %swap3A_180 {strides = array<i32>} : memref<8x80xi32, #tpu.memory_space<vmem>>, vector<1x16xi32>,
    %get3A_181 = arith.constant 0 : i32
    %get3A_182 = arith.index_cast %get3A_181 : i32 to index
    %get3A_183 = arith.constant 48 : index
    %get3A_184 = tpu.vector_load %arg7[%get3A_182, %get3A_183] {strides = array<i32>} : memref<8x80xi32, #tpu.memory_space<vmem>>, vector<1x16xi32>,
    %get3A_185 = vector.shape_cast %get3A_184 : vector<1x16xi32> to vector<16xi32>
    %add3A_186 = arith.addi %get3A_185, %broadcast_in_dim3A : vector<16xi32>
    %swap3A_187 = arith.constant 0 : i32
    %swap3A_188 = arith.index_cast %swap3A_187 : i32 to index
    %swap3A_189 = arith.constant 48 : index
    %swap3A_190 = tpu.vector_load %arg7[%swap3A_188, %swap3A_189] {strides = array<i32>} : memref<8x80xi32, #tpu.memory_space<vmem>>, vector<1x16xi32>,
    %swap3A_191 = vector.shape_cast %swap3A_190 : vector<1x16xi32> to vector<16xi32>
    %swap3A_192 = vector.shape_cast %add3A_186 : vector<16xi32> to vector<1x16xi32>
    tpu.vector_store %arg7[%swap3A_188, %swap3A_189], %swap3A_192 {strides = array<i32>} : memref<8x80xi32, #tpu.memory_space<vmem>>, vector<1x16xi32>,
    %get3A_193 = arith.constant 0 : i32
    %get3A_194 = arith.index_cast %get3A_193 : i32 to index
    %get3A_195 = arith.constant 64 : index
    %get3A_196 = tpu.vector_load %arg7[%get3A_194, %get3A_195] {strides = array<i32>} : memref<8x80xi32, #tpu.memory_space<vmem>>, vector<1x16xi32>,
    %get3A_197 = vector.shape_cast %get3A_196 : vector<1x16xi32> to vector<16xi32>
    %add3A_198 = arith.addi %get3A_197, %broadcast_in_dim3A : vector<16xi32>
    %swap3A_199 = arith.constant 0 : i32
    %swap3A_200 = arith.index_cast %swap3A_199 : i32 to index
    %swap3A_201 = arith.constant 64 : index
    %swap3A_202 = tpu.vector_load %arg7[%swap3A_200, %swap3A_201] {strides = array<i32>} : memref<8x80xi32, #tpu.memory_space<vmem>>, vector<1x16xi32>,
    %swap3A_203 = vector.shape_cast %swap3A_202 : vector<1x16xi32> to vector<16xi32>
    %swap3A_204 = vector.shape_cast %add3A_198 : vector<16xi32> to vector<1x16xi32>
    tpu.vector_store %arg7[%swap3A_200, %swap3A_201], %swap3A_204 {strides = array<i32>} : memref<8x80xi32, #tpu.memory_space<vmem>>, vector<1x16xi32>,
    %dma_start3A_205 = arith.constant 0 : i32
    %dma_start3A_206 = arith.constant 0 : i32
    %dma_start3A_207 = arith.constant 0 : i32
    %dma_start3A_208 = arith.constant 0 : i32
    %dma_start3A_209 = arith.constant 0 : i32
    %dma_start3A_210 = tpu.memref_slice %arg9[%dma_start3A_206, %dma_start3A_208, %dma_start3A_209] : memref<4x80x64xbf16, #tpu.memory_space<vmem>> -> memref<1x80x64xbf16, #tpu.memory_space<vmem>>
    %dma_start3A_211 = tpu.memref_squeeze %dma_start3A_210 : memref<1x80x64xbf16, #tpu.memory_space<vmem>> -> memref<80x64xbf16, #tpu.memory_space<vmem>>
    %dma_start3A_212 = arith.constant 0 : i32
    %dma_start3A_213 = tpu.memref_slice %arg7[%dma_start3A_205, %dma_start3A_212] : memref<8x80xi32, #tpu.memory_space<vmem>> -> memref<1x80xi32, #tpu.memory_space<vmem>>
    %dma_start3A_214 = tpu.memref_squeeze %dma_start3A_213 : memref<1x80xi32, #tpu.memory_space<vmem>> -> memref<80xi32, #tpu.memory_space<vmem>>
    %dma_start3A_215 = arith.constant 0 : i32
    %dma_start3A_216 = arith.constant 0 : i32
    %dma_start3A_217 = tpu.memref_slice %arg2[%dma_start3A_215, %dma_start3A_216] : memref<20000x64xbf16, #tpu.memory_space<hbm>> -> memref<20000x64xbf16, #tpu.memory_space<hbm>>
    %dma_start3A_218 = tpu.memref_slice %arg12[%dma_start3A_207] : memref<4x!tpu.dma_semaphore, #tpu.memory_space<semaphore_mem>> -> memref<1x!tpu.dma_semaphore, #tpu.memory_space<semaphore_mem>>
    %dma_start3A_219 = tpu.memref_squeeze %dma_start3A_218 : memref<1x!tpu.dma_semaphore, #tpu.memory_space<semaphore_mem>> -> memref<!tpu.dma_semaphore, #tpu.memory_space<semaphore_mem>>
    tpu.enqueue_indirect_dma source(%dma_start3A_217 : memref<20000x64xbf16, #tpu.memory_space<hbm>>) target(%dma_start3A_211 : memref<80x64xbf16, #tpu.memory_space<vmem>>) offsets(%dma_start3A_214 : memref<80xi32, #tpu.memory_space<vmem>>) semaphore(%dma_start3A_219 : memref<!tpu.dma_semaphore, #tpu.memory_space<semaphore_mem>>)
    %add3A_220 = arith.constant 80 : i32
    %add3A_221 = arith.addi %add3A, %add3A_220 : i32
    %dma_wait3A_222 = arith.constant 1 : i32
    %dma_wait3A_223 = arith.constant 1 : i32
    %dma_wait3A_224 = arith.constant 0 : i32
    %dma_wait3A_225 = tpu.memref_slice %arg7[%dma_wait3A_222, %dma_wait3A_224] : memref<8x80xi32, #tpu.memory_space<vmem>> -> memref<1x80xi32, #tpu.memory_space<vmem>>
    %dma_wait3A_226 = tpu.memref_squeeze %dma_wait3A_225 : memref<1x80xi32, #tpu.memory_space<vmem>> -> memref<80xi32, #tpu.memory_space<vmem>>
    %dma_wait3A_227 = tpu.memref_slice %arg3[%add3A_221] : memref<640000xi32, #tpu.memory_space<hbm>> -> memref<80xi32, #tpu.memory_space<hbm>>
    %dma_wait3A_228 = tpu.memref_slice %arg11[%dma_wait3A_223] : memref<8x!tpu.dma_semaphore, #tpu.memory_space<semaphore_mem>> -> memref<1x!tpu.dma_semaphore, #tpu.memory_space<semaphore_mem>>
    %dma_wait3A_229 = tpu.memref_squeeze %dma_wait3A_228 : memref<1x!tpu.dma_semaphore, #tpu.memory_space<semaphore_mem>> -> memref<!tpu.dma_semaphore, #tpu.memory_space<semaphore_mem>>
    %dma_wait3A_230 = arith.constant 0 : i32
    %dma_wait3A_231 = tpu.memref_slice %arg7[%dma_wait3A_222, %dma_wait3A_230] : memref<8x80xi32, #tpu.memory_space<vmem>> -> memref<1x80xi32, #tpu.memory_space<vmem>>
    %dma_wait3A_232 = tpu.memref_squeeze %dma_wait3A_231 : memref<1x80xi32, #tpu.memory_space<vmem>> -> memref<80xi32, #tpu.memory_space<vmem>>
    %dma_wait3A_233 = tpu.memref_slice %arg3[%add3A_221] : memref<640000xi32, #tpu.memory_space<hbm>> -> memref<80xi32, #tpu.memory_space<hbm>>
    tpu.wait_dma2 semaphore(%dma_wait3A_229 : memref<!tpu.dma_semaphore, #tpu.memory_space<semaphore_mem>>) src(%dma_wait3A_233 : memref<80xi32, #tpu.memory_space<hbm>>) dst(%dma_wait3A_232 : memref<80xi32, #tpu.memory_space<vmem>>)
    %add3A_234 = arith.constant 80 : i32
    %add3A_235 = arith.addi %add3A, %add3A_234 : i32
    %dma_wait3A_236 = arith.constant 1 : i32
    %dma_wait3A_237 = arith.constant 1 : i32
    %dma_wait3A_238 = arith.constant 0 : i32
    %dma_wait3A_239 = tpu.memref_slice %arg8[%dma_wait3A_236, %dma_wait3A_238] : memref<8x80xi32, #tpu.memory_space<vmem>> -> memref<1x80xi32, #tpu.memory_space<vmem>>
    %dma_wait3A_240 = tpu.memref_squeeze %dma_wait3A_239 : memref<1x80xi32, #tpu.memory_space<vmem>> -> memref<80xi32, #tpu.memory_space<vmem>>
    %dma_wait3A_241 = tpu.memref_slice %arg4[%add3A_235] : memref<640000xi32, #tpu.memory_space<hbm>> -> memref<80xi32, #tpu.memory_space<hbm>>
    %dma_wait3A_242 = tpu.memref_slice %arg11[%dma_wait3A_237] : memref<8x!tpu.dma_semaphore, #tpu.memory_space<semaphore_mem>> -> memref<1x!tpu.dma_semaphore, #tpu.memory_space<semaphore_mem>>
    %dma_wait3A_243 = tpu.memref_squeeze %dma_wait3A_242 : memref<1x!tpu.dma_semaphore, #tpu.memory_space<semaphore_mem>> -> memref<!tpu.dma_semaphore, #tpu.memory_space<semaphore_mem>>
    %dma_wait3A_244 = arith.constant 0 : i32
    %dma_wait3A_245 = tpu.memref_slice %arg8[%dma_wait3A_236, %dma_wait3A_244] : memref<8x80xi32, #tpu.memory_space<vmem>> -> memref<1x80xi32, #tpu.memory_space<vmem>>
    %dma_wait3A_246 = tpu.memref_squeeze %dma_wait3A_245 : memref<1x80xi32, #tpu.memory_space<vmem>> -> memref<80xi32, #tpu.memory_space<vmem>>
    %dma_wait3A_247 = tpu.memref_slice %arg4[%add3A_235] : memref<640000xi32, #tpu.memory_space<hbm>> -> memref<80xi32, #tpu.memory_space<hbm>>
    tpu.wait_dma2 semaphore(%dma_wait3A_243 : memref<!tpu.dma_semaphore, #tpu.memory_space<semaphore_mem>>) src(%dma_wait3A_247 : memref<80xi32, #tpu.memory_space<hbm>>) dst(%dma_wait3A_246 : memref<80xi32, #tpu.memory_space<vmem>>)
    %get3A_248 = arith.constant 1 : i32
    %get3A_249 = arith.index_cast %get3A_248 : i32 to index
    %get3A_250 = arith.constant 0 : index
    %get3A_251 = tpu.vector_load %arg7[%get3A_249, %get3A_250] {strides = array<i32>} : memref<8x80xi32, #tpu.memory_space<vmem>>, vector<1x16xi32>,
    %get3A_252 = vector.shape_cast %get3A_251 : vector<1x16xi32> to vector<16xi32>
    %add3A_253 = arith.addi %get3A_252, %broadcast_in_dim3A : vector<16xi32>
    %swap3A_254 = arith.constant 1 : i32
    %swap3A_255 = arith.index_cast %swap3A_254 : i32 to index
    %swap3A_256 = arith.constant 0 : index
    %swap3A_257 = tpu.vector_load %arg7[%swap3A_255, %swap3A_256] {strides = array<i32>} : memref<8x80xi32, #tpu.memory_space<vmem>>, vector<1x16xi32>,
    %swap3A_258 = vector.shape_cast %swap3A_257 : vector<1x16xi32> to vector<16xi32>
    %swap3A_259 = vector.shape_cast %add3A_253 : vector<16xi32> to vector<1x16xi32>
    tpu.vector_store %arg7[%swap3A_255, %swap3A_256], %swap3A_259 {strides = array<i32>} : memref<8x80xi32, #tpu.memory_space<vmem>>, vector<1x16xi32>,
    %get3A_260 = arith.constant 1 : i32
    %get3A_261 = arith.index_cast %get3A_260 : i32 to index
    %get3A_262 = arith.constant 16 : index
    %get3A_263 = tpu.vector_load %arg7[%get3A_261, %get3A_262] {strides = array<i32>} : memref<8x80xi32, #tpu.memory_space<vmem>>, vector<1x16xi32>,
    %get3A_264 = vector.shape_cast %get3A_263 : vector<1x16xi32> to vector<16xi32>
    %add3A_265 = arith.addi %get3A_264, %broadcast_in_dim3A : vector<16xi32>
    %swap3A_266 = arith.constant 1 : i32
    %swap3A_267 = arith.index_cast %swap3A_266 : i32 to index
    %swap3A_268 = arith.constant 16 : index
    %swap3A_269 = tpu.vector_load %arg7[%swap3A_267, %swap3A_268] {strides = array<i32>} : memref<8x80xi32, #tpu.memory_space<vmem>>, vector<1x16xi32>,
    %swap3A_270 = vector.shape_cast %swap3A_269 : vector<1x16xi32> to vector<16xi32>
    %swap3A_271 = vector.shape_cast %add3A_265 : vector<16xi32> to vector<1x16xi32>
    tpu.vector_store %arg7[%swap3A_267, %swap3A_268], %swap3A_271 {strides = array<i32>} : memref<8x80xi32, #tpu.memory_space<vmem>>, vector<1x16xi32>,
    %get3A_272 = arith.constant 1 : i32
    %get3A_273 = arith.index_cast %get3A_272 : i32 to index
    %get3A_274 = arith.constant 32 : index
    %get3A_275 = tpu.vector_load %arg7[%get3A_273, %get3A_274] {strides = array<i32>} : memref<8x80xi32, #tpu.memory_space<vmem>>, vector<1x16xi32>,
    %get3A_276 = vector.shape_cast %get3A_275 : vector<1x16xi32> to vector<16xi32>
    %add3A_277 = arith.addi %get3A_276, %broadcast_in_dim3A : vector<16xi32>
    %swap3A_278 = arith.constant 1 : i32
    %swap3A_279 = arith.index_cast %swap3A_278 : i32 to index
    %swap3A_280 = arith.constant 32 : index
    %swap3A_281 = tpu.vector_load %arg7[%swap3A_279, %swap3A_280] {strides = array<i32>} : memref<8x80xi32, #tpu.memory_space<vmem>>, vector<1x16xi32>,
    %swap3A_282 = vector.shape_cast %swap3A_281 : vector<1x16xi32> to vector<16xi32>
    %swap3A_283 = vector.shape_cast %add3A_277 : vector<16xi32> to vector<1x16xi32>
    tpu.vector_store %arg7[%swap3A_279, %swap3A_280], %swap3A_283 {strides = array<i32>} : memref<8x80xi32, #tpu.memory_space<vmem>>, vector<1x16xi32>,
    %get3A_284 = arith.constant 1 : i32
    %get3A_285 = arith.index_cast %get3A_284 : i32 to index
    %get3A_286 = arith.constant 48 : index
    %get3A_287 = tpu.vector_load %arg7[%get3A_285, %get3A_286] {strides = array<i32>} : memref<8x80xi32, #tpu.memory_space<vmem>>, vector<1x16xi32>,
    %get3A_288 = vector.shape_cast %get3A_287 : vector<1x16xi32> to vector<16xi32>
    %add3A_289 = arith.addi %get3A_288, %broadcast_in_dim3A : vector<16xi32>
    %swap3A_290 = arith.constant 1 : i32
    %swap3A_291 = arith.index_cast %swap3A_290 : i32 to index
    %swap3A_292 = arith.constant 48 : index
    %swap3A_293 = tpu.vector_load %arg7[%swap3A_291, %swap3A_292] {strides = array<i32>} : memref<8x80xi32, #tpu.memory_space<vmem>>, vector<1x16xi32>,
    %swap3A_294 = vector.shape_cast %swap3A_293 : vector<1x16xi32> to vector<16xi32>
    %swap3A_295 = vector.shape_cast %add3A_289 : vector<16xi32> to vector<1x16xi32>
    tpu.vector_store %arg7[%swap3A_291, %swap3A_292], %swap3A_295 {strides = array<i32>} : memref<8x80xi32, #tpu.memory_space<vmem>>, vector<1x16xi32>,
    %get3A_296 = arith.constant 1 : i32
    %get3A_297 = arith.index_cast %get3A_296 : i32 to index
    %get3A_298 = arith.constant 64 : index
    %get3A_299 = tpu.vector_load %arg7[%get3A_297, %get3A_298] {strides = array<i32>} : memref<8x80xi32, #tpu.memory_space<vmem>>, vector<1x16xi32>,
    %get3A_300 = vector.shape_cast %get3A_299 : vector<1x16xi32> to vector<16xi32>
    %add3A_301 = arith.addi %get3A_300, %broadcast_in_dim3A : vector<16xi32>
    %swap3A_302 = arith.constant 1 : i32
    %swap3A_303 = arith.index_cast %swap3A_302 : i32 to index
    %swap3A_304 = arith.constant 64 : index
    %swap3A_305 = tpu.vector_load %arg7[%swap3A_303, %swap3A_304] {strides = array<i32>} : memref<8x80xi32, #tpu.memory_space<vmem>>, vector<1x16xi32>,
    %swap3A_306 = vector.shape_cast %swap3A_305 : vector<1x16xi32> to vector<16xi32>
    %swap3A_307 = vector.shape_cast %add3A_301 : vector<16xi32> to vector<1x16xi32>
    tpu.vector_store %arg7[%swap3A_303, %swap3A_304], %swap3A_307 {strides = array<i32>} : memref<8x80xi32, #tpu.memory_space<vmem>>, vector<1x16xi32>,
    %dma_start3A_308 = arith.constant 1 : i32
    %dma_start3A_309 = arith.constant 1 : i32
    %dma_start3A_310 = arith.constant 1 : i32
    %dma_start3A_311 = arith.constant 0 : i32
    %dma_start3A_312 = arith.constant 0 : i32
    %dma_start3A_313 = tpu.memref_slice %arg9[%dma_start3A_309, %dma_start3A_311, %dma_start3A_312] : memref<4x80x64xbf16, #tpu.memory_space<vmem>> -> memref<1x80x64xbf16, #tpu.memory_space<vmem>>
    %dma_start3A_314 = tpu.memref_squeeze %dma_start3A_313 : memref<1x80x64xbf16, #tpu.memory_space<vmem>> -> memref<80x64xbf16, #tpu.memory_space<vmem>>
    %dma_start3A_315 = arith.constant 0 : i32
    %dma_start3A_316 = tpu.memref_slice %arg7[%dma_start3A_308, %dma_start3A_315] : memref<8x80xi32, #tpu.memory_space<vmem>> -> memref<1x80xi32, #tpu.memory_space<vmem>>
    %dma_start3A_317 = tpu.memref_squeeze %dma_start3A_316 : memref<1x80xi32, #tpu.memory_space<vmem>> -> memref<80xi32, #tpu.memory_space<vmem>>
    %dma_start3A_318 = arith.constant 0 : i32
    %dma_start3A_319 = arith.constant 0 : i32
    %dma_start3A_320 = tpu.memref_slice %arg2[%dma_start3A_318, %dma_start3A_319] : memref<20000x64xbf16, #tpu.memory_space<hbm>> -> memref<20000x64xbf16, #tpu.memory_space<hbm>>
    %dma_start3A_321 = tpu.memref_slice %arg12[%dma_start3A_310] : memref<4x!tpu.dma_semaphore, #tpu.memory_space<semaphore_mem>> -> memref<1x!tpu.dma_semaphore, #tpu.memory_space<semaphore_mem>>
    %dma_start3A_322 = tpu.memref_squeeze %dma_start3A_321 : memref<1x!tpu.dma_semaphore, #tpu.memory_space<semaphore_mem>> -> memref<!tpu.dma_semaphore, #tpu.memory_space<semaphore_mem>>
    tpu.enqueue_indirect_dma source(%dma_start3A_320 : memref<20000x64xbf16, #tpu.memory_space<hbm>>) target(%dma_start3A_314 : memref<80x64xbf16, #tpu.memory_space<vmem>>) offsets(%dma_start3A_317 : memref<80xi32, #tpu.memory_space<vmem>>) semaphore(%dma_start3A_322 : memref<!tpu.dma_semaphore, #tpu.memory_space<semaphore_mem>>)
    %scan3A = arith.constant 0 : i32
    %scan3A_323 = arith.constant 0 : i32
    %scan3A_324 = arith.constant 250 : i32
    %scan3A_325 = arith.addi %scan3A_323, %scan3A_324 : i32
    %scan3A_326 = arith.constant 1 : i32
    scf.for %scan3A_396 = %scan3A_323 to %scan3A_325 step %scan3A_326  : i32 {
      %add3A_397 = arith.constant 4 : i32
      %add3A_398 = arith.addi %scan3A_396, %add3A_397 : i32
      %lt3A = arith.constant 250 : i32
      %lt3A_399 = arith.cmpi slt, %add3A_398, %lt3A : i32
      %convert_element_type3A = arith.extui %lt3A_399 : i1 to i32
      %cond3A = arith.constant 0 : i32
      %cond3A_400 = arith.cmpi ne, %convert_element_type3A, %cond3A : i32
      scf.if %cond3A_400 {
        %add3A_490 = arith.constant 4 : i32
        %add3A_491 = arith.addi %scan3A_396, %add3A_490 : i32
        %jit3A_492 = arith.constant 8 : i32
        %eq3A_493 = arith.constant 0 : i32
        %eq3A_494 = arith.cmpi eq, %jit3A_492, %eq3A_493 : i32
        %jit3A_495 = arith.constant 1 : i32
        %select_n3A_496 = arith.select %eq3A_494, %jit3A_495, %jit3A_492 : i32
        %rem3A_497 = arith.remsi %add3A_491, %select_n3A_496 : i32
        %ne3A_498 = arith.constant 0 : i32
        %ne3A_499 = arith.cmpi ne, %rem3A_497, %ne3A_498 : i32
        %lt3A_500 = arith.constant 0 : i32
        %lt3A_501 = arith.cmpi slt, %rem3A_497, %lt3A_500 : i32
        %lt3A_502 = arith.constant 0 : i32
        %lt3A_503 = arith.cmpi slt, %select_n3A_496, %lt3A_502 : i32
        %ne3A_504 = arith.xori %lt3A_501, %lt3A_503 : i1
        %and3A_505 = arith.andi %ne3A_504, %ne3A_499 : i1
        %add3A_506 = arith.addi %rem3A_497, %select_n3A_496 : i32
        %select_n3A_507 = arith.select %and3A_505, %add3A_506, %rem3A_497 : i32
        %mul3A_508 = arith.constant 80 : i32
        %mul3A_509 = arith.muli %add3A_491, %mul3A_508 : i32
        %add3A_510 = arith.addi %add3A, %mul3A_509 : i32
        %dma_start3A_511 = arith.constant 0 : i32
        %dma_start3A_512 = tpu.memref_slice %arg7[%select_n3A_507, %dma_start3A_511] : memref<8x80xi32, #tpu.memory_space<vmem>> -> memref<1x80xi32, #tpu.memory_space<vmem>>
        %dma_start3A_513 = tpu.memref_squeeze %dma_start3A_512 : memref<1x80xi32, #tpu.memory_space<vmem>> -> memref<80xi32, #tpu.memory_space<vmem>>
        %dma_start3A_514 = tpu.memref_slice %arg3[%add3A_510] : memref<640000xi32, #tpu.memory_space<hbm>> -> memref<80xi32, #tpu.memory_space<hbm>>
        %dma_start3A_515 = tpu.memref_slice %arg11[%select_n3A_507] : memref<8x!tpu.dma_semaphore, #tpu.memory_space<semaphore_mem>> -> memref<1x!tpu.dma_semaphore, #tpu.memory_space<semaphore_mem>>
        %dma_start3A_516 = tpu.memref_squeeze %dma_start3A_515 : memref<1x!tpu.dma_semaphore, #tpu.memory_space<semaphore_mem>> -> memref<!tpu.dma_semaphore, #tpu.memory_space<semaphore_mem>>
        %dma_start3A_517 = arith.constant 0 : i32
        %dma_start3A_518 = tpu.memref_slice %arg7[%select_n3A_507, %dma_start3A_517] : memref<8x80xi32, #tpu.memory_space<vmem>> -> memref<1x80xi32, #tpu.memory_space<vmem>>
        %dma_start3A_519 = tpu.memref_squeeze %dma_start3A_518 : memref<1x80xi32, #tpu.memory_space<vmem>> -> memref<80xi32, #tpu.memory_space<vmem>>
        %dma_start3A_520 = tpu.memref_slice %arg3[%add3A_510] : memref<640000xi32, #tpu.memory_space<hbm>> -> memref<80xi32, #tpu.memory_space<hbm>>
        tpu.enqueue_dma source(%dma_start3A_520 : memref<80xi32, #tpu.memory_space<hbm>>) target(%dma_start3A_519 : memref<80xi32, #tpu.memory_space<vmem>>) target_semaphore(%dma_start3A_516 : memref<!tpu.dma_semaphore, #tpu.memory_space<semaphore_mem>>)
        %mul3A_521 = arith.constant 80 : i32
        %mul3A_522 = arith.muli %add3A_491, %mul3A_521 : i32
        %add3A_523 = arith.addi %add3A, %mul3A_522 : i32
        %dma_start3A_524 = arith.constant 0 : i32
        %dma_start3A_525 = tpu.memref_slice %arg8[%select_n3A_507, %dma_start3A_524] : memref<8x80xi32, #tpu.memory_space<vmem>> -> memref<1x80xi32, #tpu.memory_space<vmem>>
        %dma_start3A_526 = tpu.memref_squeeze %dma_start3A_525 : memref<1x80xi32, #tpu.memory_space<vmem>> -> memref<80xi32, #tpu.memory_space<vmem>>
        %dma_start3A_527 = tpu.memref_slice %arg4[%add3A_523] : memref<640000xi32, #tpu.memory_space<hbm>> -> memref<80xi32, #tpu.memory_space<hbm>>
        %dma_start3A_528 = tpu.memref_slice %arg11[%select_n3A_507] : memref<8x!tpu.dma_semaphore, #tpu.memory_space<semaphore_mem>> -> memref<1x!tpu.dma_semaphore, #tpu.memory_space<semaphore_mem>>
        %dma_start3A_529 = tpu.memref_squeeze %dma_start3A_528 : memref<1x!tpu.dma_semaphore, #tpu.memory_space<semaphore_mem>> -> memref<!tpu.dma_semaphore, #tpu.memory_space<semaphore_mem>>
        %dma_start3A_530 = arith.constant 0 : i32
        %dma_start3A_531 = tpu.memref_slice %arg8[%select_n3A_507, %dma_start3A_530] : memref<8x80xi32, #tpu.memory_space<vmem>> -> memref<1x80xi32, #tpu.memory_space<vmem>>
        %dma_start3A_532 = tpu.memref_squeeze %dma_start3A_531 : memref<1x80xi32, #tpu.memory_space<vmem>> -> memref<80xi32, #tpu.memory_space<vmem>>
        %dma_start3A_533 = tpu.memref_slice %arg4[%add3A_523] : memref<640000xi32, #tpu.memory_space<hbm>> -> memref<80xi32, #tpu.memory_space<hbm>>
        tpu.enqueue_dma source(%dma_start3A_533 : memref<80xi32, #tpu.memory_space<hbm>>) target(%dma_start3A_532 : memref<80xi32, #tpu.memory_space<vmem>>) target_semaphore(%dma_start3A_529 : memref<!tpu.dma_semaphore, #tpu.memory_space<semaphore_mem>>)
      } else {
      }
      %add3A_401 = arith.constant 2 : i32
      %add3A_402 = arith.addi %scan3A_396, %add3A_401 : i32
      %lt3A_403 = arith.constant 250 : i32
      %lt3A_404 = arith.cmpi slt, %add3A_402, %lt3A_403 : i32
      %convert_element_type3A_405 = arith.extui %lt3A_404 : i1 to i32
      %cond3A_406 = arith.constant 0 : i32
      %cond3A_407 = arith.cmpi ne, %convert_element_type3A_405, %cond3A_406 : i32
      scf.if %cond3A_407 {
        %add3A_490 = arith.constant 2 : i32
        %add3A_491 = arith.addi %scan3A_396, %add3A_490 : i32
        %jit3A_492 = arith.constant 8 : i32
        %eq3A_493 = arith.constant 0 : i32
        %eq3A_494 = arith.cmpi eq, %jit3A_492, %eq3A_493 : i32
        %jit3A_495 = arith.constant 1 : i32
        %select_n3A_496 = arith.select %eq3A_494, %jit3A_495, %jit3A_492 : i32
        %rem3A_497 = arith.remsi %add3A_491, %select_n3A_496 : i32
        %ne3A_498 = arith.constant 0 : i32
        %ne3A_499 = arith.cmpi ne, %rem3A_497, %ne3A_498 : i32
        %lt3A_500 = arith.constant 0 : i32
        %lt3A_501 = arith.cmpi slt, %rem3A_497, %lt3A_500 : i32
        %lt3A_502 = arith.constant 0 : i32
        %lt3A_503 = arith.cmpi slt, %select_n3A_496, %lt3A_502 : i32
        %ne3A_504 = arith.xori %lt3A_501, %lt3A_503 : i1
        %and3A_505 = arith.andi %ne3A_504, %ne3A_499 : i1
        %add3A_506 = arith.addi %rem3A_497, %select_n3A_496 : i32
        %select_n3A_507 = arith.select %and3A_505, %add3A_506, %rem3A_497 : i32
        %mul3A_508 = arith.constant 80 : i32
        %mul3A_509 = arith.muli %add3A_491, %mul3A_508 : i32
        %add3A_510 = arith.addi %add3A, %mul3A_509 : i32
        %dma_wait3A_511 = arith.constant 0 : i32
        %dma_wait3A_512 = tpu.memref_slice %arg7[%select_n3A_507, %dma_wait3A_511] : memref<8x80xi32, #tpu.memory_space<vmem>> -> memref<1x80xi32, #tpu.memory_space<vmem>>
        %dma_wait3A_513 = tpu.memref_squeeze %dma_wait3A_512 : memref<1x80xi32, #tpu.memory_space<vmem>> -> memref<80xi32, #tpu.memory_space<vmem>>
        %dma_wait3A_514 = tpu.memref_slice %arg3[%add3A_510] : memref<640000xi32, #tpu.memory_space<hbm>> -> memref<80xi32, #tpu.memory_space<hbm>>
        %dma_wait3A_515 = tpu.memref_slice %arg11[%select_n3A_507] : memref<8x!tpu.dma_semaphore, #tpu.memory_space<semaphore_mem>> -> memref<1x!tpu.dma_semaphore, #tpu.memory_space<semaphore_mem>>
        %dma_wait3A_516 = tpu.memref_squeeze %dma_wait3A_515 : memref<1x!tpu.dma_semaphore, #tpu.memory_space<semaphore_mem>> -> memref<!tpu.dma_semaphore, #tpu.memory_space<semaphore_mem>>
        %dma_wait3A_517 = arith.constant 0 : i32
        %dma_wait3A_518 = tpu.memref_slice %arg7[%select_n3A_507, %dma_wait3A_517] : memref<8x80xi32, #tpu.memory_space<vmem>> -> memref<1x80xi32, #tpu.memory_space<vmem>>
        %dma_wait3A_519 = tpu.memref_squeeze %dma_wait3A_518 : memref<1x80xi32, #tpu.memory_space<vmem>> -> memref<80xi32, #tpu.memory_space<vmem>>
        %dma_wait3A_520 = tpu.memref_slice %arg3[%add3A_510] : memref<640000xi32, #tpu.memory_space<hbm>> -> memref<80xi32, #tpu.memory_space<hbm>>
        tpu.wait_dma2 semaphore(%dma_wait3A_516 : memref<!tpu.dma_semaphore, #tpu.memory_space<semaphore_mem>>) src(%dma_wait3A_520 : memref<80xi32, #tpu.memory_space<hbm>>) dst(%dma_wait3A_519 : memref<80xi32, #tpu.memory_space<vmem>>)
        %mul3A_521 = arith.constant 80 : i32
        %mul3A_522 = arith.muli %add3A_491, %mul3A_521 : i32
        %add3A_523 = arith.addi %add3A, %mul3A_522 : i32
        %dma_wait3A_524 = arith.constant 0 : i32
        %dma_wait3A_525 = tpu.memref_slice %arg8[%select_n3A_507, %dma_wait3A_524] : memref<8x80xi32, #tpu.memory_space<vmem>> -> memref<1x80xi32, #tpu.memory_space<vmem>>
        %dma_wait3A_526 = tpu.memref_squeeze %dma_wait3A_525 : memref<1x80xi32, #tpu.memory_space<vmem>> -> memref<80xi32, #tpu.memory_space<vmem>>
        %dma_wait3A_527 = tpu.memref_slice %arg4[%add3A_523] : memref<640000xi32, #tpu.memory_space<hbm>> -> memref<80xi32, #tpu.memory_space<hbm>>
        %dma_wait3A_528 = tpu.memref_slice %arg11[%select_n3A_507] : memref<8x!tpu.dma_semaphore, #tpu.memory_space<semaphore_mem>> -> memref<1x!tpu.dma_semaphore, #tpu.memory_space<semaphore_mem>>
        %dma_wait3A_529 = tpu.memref_squeeze %dma_wait3A_528 : memref<1x!tpu.dma_semaphore, #tpu.memory_space<semaphore_mem>> -> memref<!tpu.dma_semaphore, #tpu.memory_space<semaphore_mem>>
        %dma_wait3A_530 = arith.constant 0 : i32
        %dma_wait3A_531 = tpu.memref_slice %arg8[%select_n3A_507, %dma_wait3A_530] : memref<8x80xi32, #tpu.memory_space<vmem>> -> memref<1x80xi32, #tpu.memory_space<vmem>>
        %dma_wait3A_532 = tpu.memref_squeeze %dma_wait3A_531 : memref<1x80xi32, #tpu.memory_space<vmem>> -> memref<80xi32, #tpu.memory_space<vmem>>
        %dma_wait3A_533 = tpu.memref_slice %arg4[%add3A_523] : memref<640000xi32, #tpu.memory_space<hbm>> -> memref<80xi32, #tpu.memory_space<hbm>>
        tpu.wait_dma2 semaphore(%dma_wait3A_529 : memref<!tpu.dma_semaphore, #tpu.memory_space<semaphore_mem>>) src(%dma_wait3A_533 : memref<80xi32, #tpu.memory_space<hbm>>) dst(%dma_wait3A_532 : memref<80xi32, #tpu.memory_space<vmem>>)
        %get3A_534 = arith.index_cast %select_n3A_507 : i32 to index
        %get3A_535 = arith.constant 0 : index
        %get3A_536 = tpu.vector_load %arg7[%get3A_534, %get3A_535] {strides = array<i32>} : memref<8x80xi32, #tpu.memory_space<vmem>>, vector<1x16xi32>,
        %get3A_537 = vector.shape_cast %get3A_536 : vector<1x16xi32> to vector<16xi32>
        %add3A_538 = arith.addi %get3A_537, %broadcast_in_dim3A : vector<16xi32>
        %swap3A_539 = arith.index_cast %select_n3A_507 : i32 to index
        %swap3A_540 = arith.constant 0 : index
        %swap3A_541 = tpu.vector_load %arg7[%swap3A_539, %swap3A_540] {strides = array<i32>} : memref<8x80xi32, #tpu.memory_space<vmem>>, vector<1x16xi32>,
        %swap3A_542 = vector.shape_cast %swap3A_541 : vector<1x16xi32> to vector<16xi32>
        %swap3A_543 = vector.shape_cast %add3A_538 : vector<16xi32> to vector<1x16xi32>
        tpu.vector_store %arg7[%swap3A_539, %swap3A_540], %swap3A_543 {strides = array<i32>} : memref<8x80xi32, #tpu.memory_space<vmem>>, vector<1x16xi32>,
        %get3A_544 = arith.index_cast %select_n3A_507 : i32 to index
        %get3A_545 = arith.constant 16 : index
        %get3A_546 = tpu.vector_load %arg7[%get3A_544, %get3A_545] {strides = array<i32>} : memref<8x80xi32, #tpu.memory_space<vmem>>, vector<1x16xi32>,
        %get3A_547 = vector.shape_cast %get3A_546 : vector<1x16xi32> to vector<16xi32>
        %add3A_548 = arith.addi %get3A_547, %broadcast_in_dim3A : vector<16xi32>
        %swap3A_549 = arith.index_cast %select_n3A_507 : i32 to index
        %swap3A_550 = arith.constant 16 : index
        %swap3A_551 = tpu.vector_load %arg7[%swap3A_549, %swap3A_550] {strides = array<i32>} : memref<8x80xi32, #tpu.memory_space<vmem>>, vector<1x16xi32>,
        %swap3A_552 = vector.shape_cast %swap3A_551 : vector<1x16xi32> to vector<16xi32>
        %swap3A_553 = vector.shape_cast %add3A_548 : vector<16xi32> to vector<1x16xi32>
        tpu.vector_store %arg7[%swap3A_549, %swap3A_550], %swap3A_553 {strides = array<i32>} : memref<8x80xi32, #tpu.memory_space<vmem>>, vector<1x16xi32>,
        %get3A_554 = arith.index_cast %select_n3A_507 : i32 to index
        %get3A_555 = arith.constant 32 : index
        %get3A_556 = tpu.vector_load %arg7[%get3A_554, %get3A_555] {strides = array<i32>} : memref<8x80xi32, #tpu.memory_space<vmem>>, vector<1x16xi32>,
        %get3A_557 = vector.shape_cast %get3A_556 : vector<1x16xi32> to vector<16xi32>
        %add3A_558 = arith.addi %get3A_557, %broadcast_in_dim3A : vector<16xi32>
        %swap3A_559 = arith.index_cast %select_n3A_507 : i32 to index
        %swap3A_560 = arith.constant 32 : index
        %swap3A_561 = tpu.vector_load %arg7[%swap3A_559, %swap3A_560] {strides = array<i32>} : memref<8x80xi32, #tpu.memory_space<vmem>>, vector<1x16xi32>,
        %swap3A_562 = vector.shape_cast %swap3A_561 : vector<1x16xi32> to vector<16xi32>
        %swap3A_563 = vector.shape_cast %add3A_558 : vector<16xi32> to vector<1x16xi32>
        tpu.vector_store %arg7[%swap3A_559, %swap3A_560], %swap3A_563 {strides = array<i32>} : memref<8x80xi32, #tpu.memory_space<vmem>>, vector<1x16xi32>,
        %get3A_564 = arith.index_cast %select_n3A_507 : i32 to index
        %get3A_565 = arith.constant 48 : index
        %get3A_566 = tpu.vector_load %arg7[%get3A_564, %get3A_565] {strides = array<i32>} : memref<8x80xi32, #tpu.memory_space<vmem>>, vector<1x16xi32>,
        %get3A_567 = vector.shape_cast %get3A_566 : vector<1x16xi32> to vector<16xi32>
        %add3A_568 = arith.addi %get3A_567, %broadcast_in_dim3A : vector<16xi32>
        %swap3A_569 = arith.index_cast %select_n3A_507 : i32 to index
        %swap3A_570 = arith.constant 48 : index
        %swap3A_571 = tpu.vector_load %arg7[%swap3A_569, %swap3A_570] {strides = array<i32>} : memref<8x80xi32, #tpu.memory_space<vmem>>, vector<1x16xi32>,
        %swap3A_572 = vector.shape_cast %swap3A_571 : vector<1x16xi32> to vector<16xi32>
        %swap3A_573 = vector.shape_cast %add3A_568 : vector<16xi32> to vector<1x16xi32>
        tpu.vector_store %arg7[%swap3A_569, %swap3A_570], %swap3A_573 {strides = array<i32>} : memref<8x80xi32, #tpu.memory_space<vmem>>, vector<1x16xi32>,
        %get3A_574 = arith.index_cast %select_n3A_507 : i32 to index
        %get3A_575 = arith.constant 64 : index
        %get3A_576 = tpu.vector_load %arg7[%get3A_574, %get3A_575] {strides = array<i32>} : memref<8x80xi32, #tpu.memory_space<vmem>>, vector<1x16xi32>,
        %get3A_577 = vector.shape_cast %get3A_576 : vector<1x16xi32> to vector<16xi32>
        %add3A_578 = arith.addi %get3A_577, %broadcast_in_dim3A : vector<16xi32>
        %swap3A_579 = arith.index_cast %select_n3A_507 : i32 to index
        %swap3A_580 = arith.constant 64 : index
        %swap3A_581 = tpu.vector_load %arg7[%swap3A_579, %swap3A_580] {strides = array<i32>} : memref<8x80xi32, #tpu.memory_space<vmem>>, vector<1x16xi32>,
        %swap3A_582 = vector.shape_cast %swap3A_581 : vector<1x16xi32> to vector<16xi32>
        %swap3A_583 = vector.shape_cast %add3A_578 : vector<16xi32> to vector<1x16xi32>
        tpu.vector_store %arg7[%swap3A_579, %swap3A_580], %swap3A_583 {strides = array<i32>} : memref<8x80xi32, #tpu.memory_space<vmem>>, vector<1x16xi32>,
        %add3A_584 = arith.constant 2 : i32
        %add3A_585 = arith.addi %scan3A_396, %add3A_584 : i32
        %ge3A = arith.constant 4 : i32
        %ge3A_586 = arith.cmpi sge, %add3A_585, %ge3A : i32
        %convert_element_type3A_587 = arith.extui %ge3A_586 : i1 to i32
        %cond3A_588 = arith.constant 0 : i32
        %cond3A_589 = arith.cmpi ne, %convert_element_type3A_587, %cond3A_588 : i32
        scf.if %cond3A_589 {
          %add3A_636 = arith.constant 2 : i32
          %add3A_637 = arith.addi %scan3A_396, %add3A_636 : i32
          %sub3A = arith.constant 4 : i32
          %sub3A_638 = arith.subi %add3A_637, %sub3A : i32
          %jit3A_639 = arith.constant 4 : i32
          %eq3A_640 = arith.constant 0 : i32
          %eq3A_641 = arith.cmpi eq, %jit3A_639, %eq3A_640 : i32
          %jit3A_642 = arith.constant 1 : i32
          %select_n3A_643 = arith.select %eq3A_641, %jit3A_642, %jit3A_639 : i32
          %rem3A_644 = arith.remsi %sub3A_638, %select_n3A_643 : i32
          %ne3A_645 = arith.constant 0 : i32
          %ne3A_646 = arith.cmpi ne, %rem3A_644, %ne3A_645 : i32
          %lt3A_647 = arith.constant 0 : i32
          %lt3A_648 = arith.cmpi slt, %rem3A_644, %lt3A_647 : i32
          %lt3A_649 = arith.constant 0 : i32
          %lt3A_650 = arith.cmpi slt, %select_n3A_643, %lt3A_649 : i32
          %ne3A_651 = arith.xori %lt3A_648, %lt3A_650 : i1
          %and3A_652 = arith.andi %ne3A_651, %ne3A_646 : i1
          %add3A_653 = arith.addi %rem3A_644, %select_n3A_643 : i32
          %select_n3A_654 = arith.select %and3A_652, %add3A_653, %rem3A_644 : i32
          %jit3A_655 = arith.constant 8 : i32
          %eq3A_656 = arith.constant 0 : i32
          %eq3A_657 = arith.cmpi eq, %jit3A_655, %eq3A_656 : i32
          %jit3A_658 = arith.constant 1 : i32
          %select_n3A_659 = arith.select %eq3A_657, %jit3A_658, %jit3A_655 : i32
          %rem3A_660 = arith.remsi %sub3A_638, %select_n3A_659 : i32
          %ne3A_661 = arith.constant 0 : i32
          %ne3A_662 = arith.cmpi ne, %rem3A_660, %ne3A_661 : i32
          %lt3A_663 = arith.constant 0 : i32
          %lt3A_664 = arith.cmpi slt, %rem3A_660, %lt3A_663 : i32
          %lt3A_665 = arith.constant 0 : i32
          %lt3A_666 = arith.cmpi slt, %select_n3A_659, %lt3A_665 : i32
          %ne3A_667 = arith.xori %lt3A_664, %lt3A_666 : i1
          %and3A_668 = arith.andi %ne3A_667, %ne3A_662 : i1
          %add3A_669 = arith.addi %rem3A_660, %select_n3A_659 : i32
          %select_n3A_670 = arith.select %and3A_668, %add3A_669, %rem3A_660 : i32
          %dma_wait3A_671 = arith.constant 0 : i32
          %dma_wait3A_672 = arith.constant 0 : i32
          %dma_wait3A_673 = tpu.memref_slice %arg9[%select_n3A_654, %dma_wait3A_671, %dma_wait3A_672] : memref<4x80x64xbf16, #tpu.memory_space<vmem>> -> memref<1x80x64xbf16, #tpu.memory_space<vmem>>
          %dma_wait3A_674 = tpu.memref_squeeze %dma_wait3A_673 : memref<1x80x64xbf16, #tpu.memory_space<vmem>> -> memref<80x64xbf16, #tpu.memory_space<vmem>>
          %dma_wait3A_675 = arith.constant 0 : i32
          %dma_wait3A_676 = tpu.memref_slice %arg8[%select_n3A_670, %dma_wait3A_675] : memref<8x80xi32, #tpu.memory_space<vmem>> -> memref<1x80xi32, #tpu.memory_space<vmem>>
          %dma_wait3A_677 = tpu.memref_squeeze %dma_wait3A_676 : memref<1x80xi32, #tpu.memory_space<vmem>> -> memref<80xi32, #tpu.memory_space<vmem>>
          %dma_wait3A_678 = arith.constant 0 : i32
          %dma_wait3A_679 = arith.constant 0 : i32
          %dma_wait3A_680 = tpu.memref_slice %arg10[%dma_wait3A_678, %dma_wait3A_679] : memref<10000x64xbf16, #tpu.memory_space<vmem_shared>> -> memref<10000x64xbf16, #tpu.memory_space<vmem_shared>>
          %dma_wait3A_681 = tpu.memref_slice %arg13[%select_n3A_654] : memref<4x!tpu.dma_semaphore, #tpu.memory_space<semaphore_mem>> -> memref<1x!tpu.dma_semaphore, #tpu.memory_space<semaphore_mem>>
          %dma_wait3A_682 = tpu.memref_squeeze %dma_wait3A_681 : memref<1x!tpu.dma_semaphore, #tpu.memory_space<semaphore_mem>> -> memref<!tpu.dma_semaphore, #tpu.memory_space<semaphore_mem>>
          tpu.wait_indirect_dma semaphore(%dma_wait3A_682 : memref<!tpu.dma_semaphore, #tpu.memory_space<semaphore_mem>>) src(%dma_wait3A_674 : memref<80x64xbf16, #tpu.memory_space<vmem>>) dst(%dma_wait3A_680 : memref<10000x64xbf16, #tpu.memory_space<vmem_shared>>)
        } else {
        }
        %add3A_590 = arith.constant 2 : i32
        %add3A_591 = arith.addi %scan3A_396, %add3A_590 : i32
        %jit3A_592 = arith.constant 4 : i32
        %eq3A_593 = arith.constant 0 : i32
        %eq3A_594 = arith.cmpi eq, %jit3A_592, %eq3A_593 : i32
        %jit3A_595 = arith.constant 1 : i32
        %select_n3A_596 = arith.select %eq3A_594, %jit3A_595, %jit3A_592 : i32
        %rem3A_597 = arith.remsi %add3A_591, %select_n3A_596 : i32
        %ne3A_598 = arith.constant 0 : i32
        %ne3A_599 = arith.cmpi ne, %rem3A_597, %ne3A_598 : i32
        %lt3A_600 = arith.constant 0 : i32
        %lt3A_601 = arith.cmpi slt, %rem3A_597, %lt3A_600 : i32
        %lt3A_602 = arith.constant 0 : i32
        %lt3A_603 = arith.cmpi slt, %select_n3A_596, %lt3A_602 : i32
        %ne3A_604 = arith.xori %lt3A_601, %lt3A_603 : i1
        %and3A_605 = arith.andi %ne3A_604, %ne3A_599 : i1
        %add3A_606 = arith.addi %rem3A_597, %select_n3A_596 : i32
        %select_n3A_607 = arith.select %and3A_605, %add3A_606, %rem3A_597 : i32
        %jit3A_608 = arith.constant 8 : i32
        %eq3A_609 = arith.constant 0 : i32
        %eq3A_610 = arith.cmpi eq, %jit3A_608, %eq3A_609 : i32
        %jit3A_611 = arith.constant 1 : i32
        %select_n3A_612 = arith.select %eq3A_610, %jit3A_611, %jit3A_608 : i32
        %rem3A_613 = arith.remsi %add3A_591, %select_n3A_612 : i32
        %ne3A_614 = arith.constant 0 : i32
        %ne3A_615 = arith.cmpi ne, %rem3A_613, %ne3A_614 : i32
        %lt3A_616 = arith.constant 0 : i32
        %lt3A_617 = arith.cmpi slt, %rem3A_613, %lt3A_616 : i32
        %lt3A_618 = arith.constant 0 : i32
        %lt3A_619 = arith.cmpi slt, %select_n3A_612, %lt3A_618 : i32
        %ne3A_620 = arith.xori %lt3A_617, %lt3A_619 : i1
        %and3A_621 = arith.andi %ne3A_620, %ne3A_615 : i1
        %add3A_622 = arith.addi %rem3A_613, %select_n3A_612 : i32
        %select_n3A_623 = arith.select %and3A_621, %add3A_622, %rem3A_613 : i32
        %dma_start3A_624 = arith.constant 0 : i32
        %dma_start3A_625 = arith.constant 0 : i32
        %dma_start3A_626 = tpu.memref_slice %arg9[%select_n3A_607, %dma_start3A_624, %dma_start3A_625] : memref<4x80x64xbf16, #tpu.memory_space<vmem>> -> memref<1x80x64xbf16, #tpu.memory_space<vmem>>
        %dma_start3A_627 = tpu.memref_squeeze %dma_start3A_626 : memref<1x80x64xbf16, #tpu.memory_space<vmem>> -> memref<80x64xbf16, #tpu.memory_space<vmem>>
        %dma_start3A_628 = arith.constant 0 : i32
        %dma_start3A_629 = tpu.memref_slice %arg7[%select_n3A_623, %dma_start3A_628] : memref<8x80xi32, #tpu.memory_space<vmem>> -> memref<1x80xi32, #tpu.memory_space<vmem>>
        %dma_start3A_630 = tpu.memref_squeeze %dma_start3A_629 : memref<1x80xi32, #tpu.memory_space<vmem>> -> memref<80xi32, #tpu.memory_space<vmem>>
        %dma_start3A_631 = arith.constant 0 : i32
        %dma_start3A_632 = arith.constant 0 : i32
        %dma_start3A_633 = tpu.memref_slice %arg2[%dma_start3A_631, %dma_start3A_632] : memref<20000x64xbf16, #tpu.memory_space<hbm>> -> memref<20000x64xbf16, #tpu.memory_space<hbm>>
        %dma_start3A_634 = tpu.memref_slice %arg12[%select_n3A_607] : memref<4x!tpu.dma_semaphore, #tpu.memory_space<semaphore_mem>> -> memref<1x!tpu.dma_semaphore, #tpu.memory_space<semaphore_mem>>
        %dma_start3A_635 = tpu.memref_squeeze %dma_start3A_634 : memref<1x!tpu.dma_semaphore, #tpu.memory_space<semaphore_mem>> -> memref<!tpu.dma_semaphore, #tpu.memory_space<semaphore_mem>>
        tpu.enqueue_indirect_dma source(%dma_start3A_633 : memref<20000x64xbf16, #tpu.memory_space<hbm>>) target(%dma_start3A_627 : memref<80x64xbf16, #tpu.memory_space<vmem>>) offsets(%dma_start3A_630 : memref<80xi32, #tpu.memory_space<vmem>>) semaphore(%dma_start3A_635 : memref<!tpu.dma_semaphore, #tpu.memory_space<semaphore_mem>>)
      } else {
      }
      %jit3A = arith.constant 4 : i32
      %eq3A = arith.constant 0 : i32
      %eq3A_408 = arith.cmpi eq, %jit3A, %eq3A : i32
      %jit3A_409 = arith.constant 1 : i32
      %select_n3A = arith.select %eq3A_408, %jit3A_409, %jit3A : i32
      %rem3A = arith.remsi %scan3A_396, %select_n3A : i32
      %ne3A = arith.constant 0 : i32
      %ne3A_410 = arith.cmpi ne, %rem3A, %ne3A : i32
      %lt3A_411 = arith.constant 0 : i32
      %lt3A_412 = arith.cmpi slt, %rem3A, %lt3A_411 : i32
      %lt3A_413 = arith.constant 0 : i32
      %lt3A_414 = arith.cmpi slt, %select_n3A, %lt3A_413 : i32
      %ne3A_415 = arith.xori %lt3A_412, %lt3A_414 : i1
      %and3A = arith.andi %ne3A_415, %ne3A_410 : i1
      %add3A_416 = arith.addi %rem3A, %select_n3A : i32
      %select_n3A_417 = arith.select %and3A, %add3A_416, %rem3A : i32
      %jit3A_418 = arith.constant 8 : i32
      %eq3A_419 = arith.constant 0 : i32
      %eq3A_420 = arith.cmpi eq, %jit3A_418, %eq3A_419 : i32
      %jit3A_421 = arith.constant 1 : i32
      %select_n3A_422 = arith.select %eq3A_420, %jit3A_421, %jit3A_418 : i32
      %rem3A_423 = arith.remsi %scan3A_396, %select_n3A_422 : i32
      %ne3A_424 = arith.constant 0 : i32
      %ne3A_425 = arith.cmpi ne, %rem3A_423, %ne3A_424 : i32
      %lt3A_426 = arith.constant 0 : i32
      %lt3A_427 = arith.cmpi slt, %rem3A_423, %lt3A_426 : i32
      %lt3A_428 = arith.constant 0 : i32
      %lt3A_429 = arith.cmpi slt, %select_n3A_422, %lt3A_428 : i32
      %ne3A_430 = arith.xori %lt3A_427, %lt3A_429 : i1
      %and3A_431 = arith.andi %ne3A_430, %ne3A_425 : i1
      %add3A_432 = arith.addi %rem3A_423, %select_n3A_422 : i32
      %select_n3A_433 = arith.select %and3A_431, %add3A_432, %rem3A_423 : i32
      %dma_wait3A_434 = arith.constant 0 : i32
      %dma_wait3A_435 = arith.constant 0 : i32
      %dma_wait3A_436 = tpu.memref_slice %arg9[%select_n3A_417, %dma_wait3A_434, %dma_wait3A_435] : memref<4x80x64xbf16, #tpu.memory_space<vmem>> -> memref<1x80x64xbf16, #tpu.memory_space<vmem>>
      %dma_wait3A_437 = tpu.memref_squeeze %dma_wait3A_436 : memref<1x80x64xbf16, #tpu.memory_space<vmem>> -> memref<80x64xbf16, #tpu.memory_space<vmem>>
      %dma_wait3A_438 = arith.constant 0 : i32
      %dma_wait3A_439 = tpu.memref_slice %arg7[%select_n3A_433, %dma_wait3A_438] : memref<8x80xi32, #tpu.memory_space<vmem>> -> memref<1x80xi32, #tpu.memory_space<vmem>>
      %dma_wait3A_440 = tpu.memref_squeeze %dma_wait3A_439 : memref<1x80xi32, #tpu.memory_space<vmem>> -> memref<80xi32, #tpu.memory_space<vmem>>
      %dma_wait3A_441 = arith.constant 0 : i32
      %dma_wait3A_442 = arith.constant 0 : i32
      %dma_wait3A_443 = tpu.memref_slice %arg2[%dma_wait3A_441, %dma_wait3A_442] : memref<20000x64xbf16, #tpu.memory_space<hbm>> -> memref<20000x64xbf16, #tpu.memory_space<hbm>>
      %dma_wait3A_444 = tpu.memref_slice %arg12[%select_n3A_417] : memref<4x!tpu.dma_semaphore, #tpu.memory_space<semaphore_mem>> -> memref<1x!tpu.dma_semaphore, #tpu.memory_space<semaphore_mem>>
      %dma_wait3A_445 = tpu.memref_squeeze %dma_wait3A_444 : memref<1x!tpu.dma_semaphore, #tpu.memory_space<semaphore_mem>> -> memref<!tpu.dma_semaphore, #tpu.memory_space<semaphore_mem>>
      tpu.wait_indirect_dma semaphore(%dma_wait3A_445 : memref<!tpu.dma_semaphore, #tpu.memory_space<semaphore_mem>>) src(%dma_wait3A_443 : memref<20000x64xbf16, #tpu.memory_space<hbm>>) dst(%dma_wait3A_437 : memref<80x64xbf16, #tpu.memory_space<vmem>>)
      %jit3A_446 = arith.constant 4 : i32
      %eq3A_447 = arith.constant 0 : i32
      %eq3A_448 = arith.cmpi eq, %jit3A_446, %eq3A_447 : i32
      %jit3A_449 = arith.constant 1 : i32
      %select_n3A_450 = arith.select %eq3A_448, %jit3A_449, %jit3A_446 : i32
      %rem3A_451 = arith.remsi %scan3A_396, %select_n3A_450 : i32
      %ne3A_452 = arith.constant 0 : i32
      %ne3A_453 = arith.cmpi ne, %rem3A_451, %ne3A_452 : i32
      %lt3A_454 = arith.constant 0 : i32
      %lt3A_455 = arith.cmpi slt, %rem3A_451, %lt3A_454 : i32
      %lt3A_456 = arith.constant 0 : i32
      %lt3A_457 = arith.cmpi slt, %select_n3A_450, %lt3A_456 : i32
      %ne3A_458 = arith.xori %lt3A_455, %lt3A_457 : i1
      %and3A_459 = arith.andi %ne3A_458, %ne3A_453 : i1
      %add3A_460 = arith.addi %rem3A_451, %select_n3A_450 : i32
      %select_n3A_461 = arith.select %and3A_459, %add3A_460, %rem3A_451 : i32
      %jit3A_462 = arith.constant 8 : i32
      %eq3A_463 = arith.constant 0 : i32
      %eq3A_464 = arith.cmpi eq, %jit3A_462, %eq3A_463 : i32
      %jit3A_465 = arith.constant 1 : i32
      %select_n3A_466 = arith.select %eq3A_464, %jit3A_465, %jit3A_462 : i32
      %rem3A_467 = arith.remsi %scan3A_396, %select_n3A_466 : i32
      %ne3A_468 = arith.constant 0 : i32
      %ne3A_469 = arith.cmpi ne, %rem3A_467, %ne3A_468 : i32
      %lt3A_470 = arith.constant 0 : i32
      %lt3A_471 = arith.cmpi slt, %rem3A_467, %lt3A_470 : i32
      %lt3A_472 = arith.constant 0 : i32
      %lt3A_473 = arith.cmpi slt, %select_n3A_466, %lt3A_472 : i32
      %ne3A_474 = arith.xori %lt3A_471, %lt3A_473 : i1
      %and3A_475 = arith.andi %ne3A_474, %ne3A_469 : i1
      %add3A_476 = arith.addi %rem3A_467, %select_n3A_466 : i32
      %select_n3A_477 = arith.select %and3A_475, %add3A_476, %rem3A_467 : i32
      %dma_start3A_478 = arith.constant 0 : i32
      %dma_start3A_479 = arith.constant 0 : i32
      %dma_start3A_480 = tpu.memref_slice %arg9[%select_n3A_461, %dma_start3A_478, %dma_start3A_479] : memref<4x80x64xbf16, #tpu.memory_space<vmem>> -> memref<1x80x64xbf16, #tpu.memory_space<vmem>>
      %dma_start3A_481 = tpu.memref_squeeze %dma_start3A_480 : memref<1x80x64xbf16, #tpu.memory_space<vmem>> -> memref<80x64xbf16, #tpu.memory_space<vmem>>
      %dma_start3A_482 = arith.constant 0 : i32
      %dma_start3A_483 = tpu.memref_slice %arg8[%select_n3A_477, %dma_start3A_482] : memref<8x80xi32, #tpu.memory_space<vmem>> -> memref<1x80xi32, #tpu.memory_space<vmem>>
      %dma_start3A_484 = tpu.memref_squeeze %dma_start3A_483 : memref<1x80xi32, #tpu.memory_space<vmem>> -> memref<80xi32, #tpu.memory_space<vmem>>
      %dma_start3A_485 = arith.constant 0 : i32
      %dma_start3A_486 = arith.constant 0 : i32
      %dma_start3A_487 = tpu.memref_slice %arg10[%dma_start3A_485, %dma_start3A_486] : memref<10000x64xbf16, #tpu.memory_space<vmem_shared>> -> memref<10000x64xbf16, #tpu.memory_space<vmem_shared>>
      %dma_start3A_488 = tpu.memref_slice %arg13[%select_n3A_461] : memref<4x!tpu.dma_semaphore, #tpu.memory_space<semaphore_mem>> -> memref<1x!tpu.dma_semaphore, #tpu.memory_space<semaphore_mem>>
      %dma_start3A_489 = tpu.memref_squeeze %dma_start3A_488 : memref<1x!tpu.dma_semaphore, #tpu.memory_space<semaphore_mem>> -> memref<!tpu.dma_semaphore, #tpu.memory_space<semaphore_mem>>
      tpu.enqueue_indirect_dma source(%dma_start3A_481 : memref<80x64xbf16, #tpu.memory_space<vmem>>) target(%dma_start3A_487 : memref<10000x64xbf16, #tpu.memory_space<vmem_shared>>) offsets(%dma_start3A_484 : memref<80xi32, #tpu.memory_space<vmem>>) semaphore(%dma_start3A_489 : memref<!tpu.dma_semaphore, #tpu.memory_space<semaphore_mem>>) {add = true}
    }
    %scan3A_327 = arith.constant 250 : i32
    %dma_wait3A_328 = arith.constant 2 : i32
    %dma_wait3A_329 = arith.constant 6 : i32
    %dma_wait3A_330 = arith.constant 2 : i32
    %dma_wait3A_331 = arith.constant 0 : i32
    %dma_wait3A_332 = arith.constant 0 : i32
    %dma_wait3A_333 = tpu.memref_slice %arg9[%dma_wait3A_328, %dma_wait3A_331, %dma_wait3A_332] : memref<4x80x64xbf16, #tpu.memory_space<vmem>> -> memref<1x80x64xbf16, #tpu.memory_space<vmem>>
    %dma_wait3A_334 = tpu.memref_squeeze %dma_wait3A_333 : memref<1x80x64xbf16, #tpu.memory_space<vmem>> -> memref<80x64xbf16, #tpu.memory_space<vmem>>
    %dma_wait3A_335 = arith.constant 0 : i32
    %dma_wait3A_336 = tpu.memref_slice %arg8[%dma_wait3A_329, %dma_wait3A_335] : memref<8x80xi32, #tpu.memory_space<vmem>> -> memref<1x80xi32, #tpu.memory_space<vmem>>
    %dma_wait3A_337 = tpu.memref_squeeze %dma_wait3A_336 : memref<1x80xi32, #tpu.memory_space<vmem>> -> memref<80xi32, #tpu.memory_space<vmem>>
    %dma_wait3A_338 = arith.constant 0 : i32
    %dma_wait3A_339 = arith.constant 0 : i32
    %dma_wait3A_340 = tpu.memref_slice %arg10[%dma_wait3A_338, %dma_wait3A_339] : memref<10000x64xbf16, #tpu.memory_space<vmem_shared>> -> memref<10000x64xbf16, #tpu.memory_space<vmem_shared>>
    %dma_wait3A_341 = tpu.memref_slice %arg13[%dma_wait3A_330] : memref<4x!tpu.dma_semaphore, #tpu.memory_space<semaphore_mem>> -> memref<1x!tpu.dma_semaphore, #tpu.memory_space<semaphore_mem>>
    %dma_wait3A_342 = tpu.memref_squeeze %dma_wait3A_341 : memref<1x!tpu.dma_semaphore, #tpu.memory_space<semaphore_mem>> -> memref<!tpu.dma_semaphore, #tpu.memory_space<semaphore_mem>>
    tpu.wait_indirect_dma semaphore(%dma_wait3A_342 : memref<!tpu.dma_semaphore, #tpu.memory_space<semaphore_mem>>) src(%dma_wait3A_334 : memref<80x64xbf16, #tpu.memory_space<vmem>>) dst(%dma_wait3A_340 : memref<10000x64xbf16, #tpu.memory_space<vmem_shared>>)
    %dma_wait3A_343 = arith.constant 3 : i32
    %dma_wait3A_344 = arith.constant 7 : i32
    %dma_wait3A_345 = arith.constant 3 : i32
    %dma_wait3A_346 = arith.constant 0 : i32
    %dma_wait3A_347 = arith.constant 0 : i32
    %dma_wait3A_348 = tpu.memref_slice %arg9[%dma_wait3A_343, %dma_wait3A_346, %dma_wait3A_347] : memref<4x80x64xbf16, #tpu.memory_space<vmem>> -> memref<1x80x64xbf16, #tpu.memory_space<vmem>>
    %dma_wait3A_349 = tpu.memref_squeeze %dma_wait3A_348 : memref<1x80x64xbf16, #tpu.memory_space<vmem>> -> memref<80x64xbf16, #tpu.memory_space<vmem>>
    %dma_wait3A_350 = arith.constant 0 : i32
    %dma_wait3A_351 = tpu.memref_slice %arg8[%dma_wait3A_344, %dma_wait3A_350] : memref<8x80xi32, #tpu.memory_space<vmem>> -> memref<1x80xi32, #tpu.memory_space<vmem>>
    %dma_wait3A_352 = tpu.memref_squeeze %dma_wait3A_351 : memref<1x80xi32, #tpu.memory_space<vmem>> -> memref<80xi32, #tpu.memory_space<vmem>>
    %dma_wait3A_353 = arith.constant 0 : i32
    %dma_wait3A_354 = arith.constant 0 : i32
    %dma_wait3A_355 = tpu.memref_slice %arg10[%dma_wait3A_353, %dma_wait3A_354] : memref<10000x64xbf16, #tpu.memory_space<vmem_shared>> -> memref<10000x64xbf16, #tpu.memory_space<vmem_shared>>
    %dma_wait3A_356 = tpu.memref_slice %arg13[%dma_wait3A_345] : memref<4x!tpu.dma_semaphore, #tpu.memory_space<semaphore_mem>> -> memref<1x!tpu.dma_semaphore, #tpu.memory_space<semaphore_mem>>
    %dma_wait3A_357 = tpu.memref_squeeze %dma_wait3A_356 : memref<1x!tpu.dma_semaphore, #tpu.memory_space<semaphore_mem>> -> memref<!tpu.dma_semaphore, #tpu.memory_space<semaphore_mem>>
    tpu.wait_indirect_dma semaphore(%dma_wait3A_357 : memref<!tpu.dma_semaphore, #tpu.memory_space<semaphore_mem>>) src(%dma_wait3A_349 : memref<80x64xbf16, #tpu.memory_space<vmem>>) dst(%dma_wait3A_355 : memref<10000x64xbf16, #tpu.memory_space<vmem_shared>>)
    %dma_wait3A_358 = arith.constant 0 : i32
    %dma_wait3A_359 = arith.constant 0 : i32
    %dma_wait3A_360 = arith.constant 0 : i32
    %dma_wait3A_361 = arith.constant 0 : i32
    %dma_wait3A_362 = arith.constant 0 : i32
    %dma_wait3A_363 = tpu.memref_slice %arg9[%dma_wait3A_358, %dma_wait3A_361, %dma_wait3A_362] : memref<4x80x64xbf16, #tpu.memory_space<vmem>> -> memref<1x80x64xbf16, #tpu.memory_space<vmem>>
    %dma_wait3A_364 = tpu.memref_squeeze %dma_wait3A_363 : memref<1x80x64xbf16, #tpu.memory_space<vmem>> -> memref<80x64xbf16, #tpu.memory_space<vmem>>
    %dma_wait3A_365 = arith.constant 0 : i32
    %dma_wait3A_366 = tpu.memref_slice %arg8[%dma_wait3A_359, %dma_wait3A_365] : memref<8x80xi32, #tpu.memory_space<vmem>> -> memref<1x80xi32, #tpu.memory_space<vmem>>
    %dma_wait3A_367 = tpu.memref_squeeze %dma_wait3A_366 : memref<1x80xi32, #tpu.memory_space<vmem>> -> memref<80xi32, #tpu.memory_space<vmem>>
    %dma_wait3A_368 = arith.constant 0 : i32
    %dma_wait3A_369 = arith.constant 0 : i32
    %dma_wait3A_370 = tpu.memref_slice %arg10[%dma_wait3A_368, %dma_wait3A_369] : memref<10000x64xbf16, #tpu.memory_space<vmem_shared>> -> memref<10000x64xbf16, #tpu.memory_space<vmem_shared>>
    %dma_wait3A_371 = tpu.memref_slice %arg13[%dma_wait3A_360] : memref<4x!tpu.dma_semaphore, #tpu.memory_space<semaphore_mem>> -> memref<1x!tpu.dma_semaphore, #tpu.memory_space<semaphore_mem>>
    %dma_wait3A_372 = tpu.memref_squeeze %dma_wait3A_371 : memref<1x!tpu.dma_semaphore, #tpu.memory_space<semaphore_mem>> -> memref<!tpu.dma_semaphore, #tpu.memory_space<semaphore_mem>>
    tpu.wait_indirect_dma semaphore(%dma_wait3A_372 : memref<!tpu.dma_semaphore, #tpu.memory_space<semaphore_mem>>) src(%dma_wait3A_364 : memref<80x64xbf16, #tpu.memory_space<vmem>>) dst(%dma_wait3A_370 : memref<10000x64xbf16, #tpu.memory_space<vmem_shared>>)
    %dma_wait3A_373 = arith.constant 1 : i32
    %dma_wait3A_374 = arith.constant 1 : i32
    %dma_wait3A_375 = arith.constant 1 : i32
    %dma_wait3A_376 = arith.constant 0 : i32
    %dma_wait3A_377 = arith.constant 0 : i32
    %dma_wait3A_378 = tpu.memref_slice %arg9[%dma_wait3A_373, %dma_wait3A_376, %dma_wait3A_377] : memref<4x80x64xbf16, #tpu.memory_space<vmem>> -> memref<1x80x64xbf16, #tpu.memory_space<vmem>>
    %dma_wait3A_379 = tpu.memref_squeeze %dma_wait3A_378 : memref<1x80x64xbf16, #tpu.memory_space<vmem>> -> memref<80x64xbf16, #tpu.memory_space<vmem>>
    %dma_wait3A_380 = arith.constant 0 : i32
    %dma_wait3A_381 = tpu.memref_slice %arg8[%dma_wait3A_374, %dma_wait3A_380] : memref<8x80xi32, #tpu.memory_space<vmem>> -> memref<1x80xi32, #tpu.memory_space<vmem>>
    %dma_wait3A_382 = tpu.memref_squeeze %dma_wait3A_381 : memref<1x80xi32, #tpu.memory_space<vmem>> -> memref<80xi32, #tpu.memory_space<vmem>>
    %dma_wait3A_383 = arith.constant 0 : i32
    %dma_wait3A_384 = arith.constant 0 : i32
    %dma_wait3A_385 = tpu.memref_slice %arg10[%dma_wait3A_383, %dma_wait3A_384] : memref<10000x64xbf16, #tpu.memory_space<vmem_shared>> -> memref<10000x64xbf16, #tpu.memory_space<vmem_shared>>
    %dma_wait3A_386 = tpu.memref_slice %arg13[%dma_wait3A_375] : memref<4x!tpu.dma_semaphore, #tpu.memory_space<semaphore_mem>> -> memref<1x!tpu.dma_semaphore, #tpu.memory_space<semaphore_mem>>
    %dma_wait3A_387 = tpu.memref_squeeze %dma_wait3A_386 : memref<1x!tpu.dma_semaphore, #tpu.memory_space<semaphore_mem>> -> memref<!tpu.dma_semaphore, #tpu.memory_space<semaphore_mem>>
    tpu.wait_indirect_dma semaphore(%dma_wait3A_387 : memref<!tpu.dma_semaphore, #tpu.memory_space<semaphore_mem>>) src(%dma_wait3A_379 : memref<80x64xbf16, #tpu.memory_space<vmem>>) dst(%dma_wait3A_385 : memref<10000x64xbf16, #tpu.memory_space<vmem_shared>>)
    %barrier3A_388 = arith.constant 0 : index
    tpu.barrier barrier_id(%barrier3A_388)
    %mul3A_389 = arith.constant 625 : i32
    %mul3A_390 = arith.muli %arg1, %mul3A_389 : i32
    %mul3A_391 = arith.constant 10000 : i32
    %mul3A_392 = arith.muli %arg0, %mul3A_391 : i32
    %mul3A_393 = arith.constant 625 : i32
    %mul3A_394 = arith.muli %arg1, %mul3A_393 : i32
    %add3A_395 = arith.addi %mul3A_392, %mul3A_394 : i32
    "tpu.region"() ({
      %run_scoped3A = tpu.sem_alloc : memref<!tpu.dma_semaphore, #tpu.memory_space<semaphore_mem>>
      %dma_start3A_396 = arith.constant 0 : i32
      %dma_start3A_397 = tpu.memref_slice %arg6[%add3A_395, %dma_start3A_396] : memref<20000x64xbf16, #tpu.memory_space<hbm>> -> memref<625x64xbf16, #tpu.memory_space<hbm>>
      %dma_start3A_398 = arith.constant 0 : i32
      %dma_start3A_399 = tpu.memref_slice %arg10[%mul3A_390, %dma_start3A_398] : memref<10000x64xbf16, #tpu.memory_space<vmem_shared>> -> memref<625x64xbf16, #tpu.memory_space<vmem_shared>>
      tpu.enqueue_dma source(%dma_start3A_399 : memref<625x64xbf16, #tpu.memory_space<vmem_shared>>) target(%dma_start3A_397 : memref<625x64xbf16, #tpu.memory_space<hbm>>) target_semaphore(%run_scoped3A : memref<!tpu.dma_semaphore, #tpu.memory_space<semaphore_mem>>)
      %dma_wait3A_400 = arith.constant 0 : i32
      %dma_wait3A_401 = tpu.memref_slice %arg6[%add3A_395, %dma_wait3A_400] : memref<20000x64xbf16, #tpu.memory_space<hbm>> -> memref<625x64xbf16, #tpu.memory_space<hbm>>
      %dma_wait3A_402 = arith.constant 0 : i32
      %dma_wait3A_403 = tpu.memref_slice %arg10[%mul3A_390, %dma_wait3A_402] : memref<10000x64xbf16, #tpu.memory_space<vmem_shared>> -> memref<625x64xbf16, #tpu.memory_space<vmem_shared>>
      tpu.wait_dma2 semaphore(%run_scoped3A : memref<!tpu.dma_semaphore, #tpu.memory_space<semaphore_mem>>) src(%dma_wait3A_403 : memref<625x64xbf16, #tpu.memory_space<vmem_shared>>) dst(%dma_wait3A_401 : memref<625x64xbf16, #tpu.memory_space<hbm>>)
      tpu.yield
    }) : () -> ()
    return
  }
}

#map = affine_map<(d0, d1) -> (0, 0)>
#map1 = affine_map<(d0, d1) -> (0)>
module attributes {stable_mosaic.version = 14 : i64} {
  func.func @_sc_scatter(%arg0: i32, %arg1: i32, %arg2: memref<20000x32xbf16, #tpu.memory_space<hbm>>, %arg3: memref<640000xi32, #tpu.memory_space<hbm>>, %arg4: memref<640000xi32, #tpu.memory_space<hbm>>, %arg5: memref<10000x32xbf16, #tpu.memory_space<hbm>>, %arg6: memref<20000x32xbf16, #tpu.memory_space<hbm>>, %arg7: memref<8x80xi32, #tpu.memory_space<vmem>>, %arg8: memref<8x80xi32, #tpu.memory_space<vmem>>, %arg9: memref<4x80x32xbf16, #tpu.memory_space<vmem>>, %arg10: memref<10000x32xbf16, #tpu.memory_space<vmem_shared>>, %arg11: memref<8x!tpu.dma_semaphore, #tpu.memory_space<semaphore_mem>>, %arg12: memref<4x!tpu.dma_semaphore, #tpu.memory_space<semaphore_mem>>, %arg13: memref<4x!tpu.dma_semaphore, #tpu.memory_space<semaphore_mem>>) attributes {dimension_semantics = [#tpu.dimension_semantics<core_parallel>, #tpu.dimension_semantics<subcore_parallel>], iteration_bounds = array<i64: 2, 16>, scalar_prefetch = 0 : i64, scratch_operands = 7 : i64, tpu.core_type = #tpu.core_type<sc_vector_subcore>, window_params = [{transform_indices = #map}, {transform_indices = #map1}, {transform_indices = #map1}, {transform_indices = #map}, {transform_indices = #map}]} {
    %mul3A = arith.constant 320000 : i32
    %mul3A_0 = arith.muli %arg0, %mul3A : i32
    %mul3A_1 = arith.constant 20000 : i32
    %mul3A_2 = arith.muli %arg1, %mul3A_1 : i32
    %add3A = arith.addi %mul3A_0, %mul3A_2 : i32
    %mul3A_3 = arith.constant 10000 : i32
    %mul3A_4 = arith.muli %arg0, %mul3A_3 : i32
    %broadcast_in_dim3A = vector.broadcast %mul3A_4 : i32 to vector<16xi32>
    %mul3A_5 = arith.constant 625 : i32
    %mul3A_6 = arith.muli %arg1, %mul3A_5 : i32
    %mul3A_7 = arith.constant 625 : i32
    %mul3A_8 = arith.muli %arg1, %mul3A_7 : i32
    "tpu.region"() ({
      %run_scoped3A = tpu.sem_alloc : memref<!tpu.dma_semaphore, #tpu.memory_space<semaphore_mem>>
      %dma_start3A_396 = arith.constant 0 : i32
      %dma_start3A_397 = tpu.memref_slice %arg10[%mul3A_8, %dma_start3A_396] : memref<10000x32xbf16, #tpu.memory_space<vmem_shared>> -> memref<625x32xbf16, #tpu.memory_space<vmem_shared>>
      %dma_start3A_398 = arith.constant 0 : i32
      %dma_start3A_399 = tpu.memref_slice %arg5[%mul3A_6, %dma_start3A_398] : memref<10000x32xbf16, #tpu.memory_space<hbm>> -> memref<625x32xbf16, #tpu.memory_space<hbm>>
      tpu.enqueue_dma source(%dma_start3A_399 : memref<625x32xbf16, #tpu.memory_space<hbm>>) target(%dma_start3A_397 : memref<625x32xbf16, #tpu.memory_space<vmem_shared>>) target_semaphore(%run_scoped3A : memref<!tpu.dma_semaphore, #tpu.memory_space<semaphore_mem>>)
      %dma_wait3A_400 = arith.constant 0 : i32
      %dma_wait3A_401 = tpu.memref_slice %arg10[%mul3A_8, %dma_wait3A_400] : memref<10000x32xbf16, #tpu.memory_space<vmem_shared>> -> memref<625x32xbf16, #tpu.memory_space<vmem_shared>>
      %dma_wait3A_402 = arith.constant 0 : i32
      %dma_wait3A_403 = tpu.memref_slice %arg5[%mul3A_6, %dma_wait3A_402] : memref<10000x32xbf16, #tpu.memory_space<hbm>> -> memref<625x32xbf16, #tpu.memory_space<hbm>>
      tpu.wait_dma2 semaphore(%run_scoped3A : memref<!tpu.dma_semaphore, #tpu.memory_space<semaphore_mem>>) src(%dma_wait3A_403 : memref<625x32xbf16, #tpu.memory_space<hbm>>) dst(%dma_wait3A_401 : memref<625x32xbf16, #tpu.memory_space<vmem_shared>>)
      tpu.yield
    }) : () -> ()
    %barrier3A = arith.constant 0 : index
    tpu.barrier barrier_id(%barrier3A)
    %add3A_9 = arith.constant 0 : i32
    %add3A_10 = arith.addi %add3A, %add3A_9 : i32
    %dma_start3A = arith.constant 0 : i32
    %dma_start3A_11 = arith.constant 0 : i32
    %dma_start3A_12 = arith.constant 0 : i32
    %dma_start3A_13 = tpu.memref_slice %arg7[%dma_start3A, %dma_start3A_12] : memref<8x80xi32, #tpu.memory_space<vmem>> -> memref<1x80xi32, #tpu.memory_space<vmem>>
    %dma_start3A_14 = tpu.memref_squeeze %dma_start3A_13 : memref<1x80xi32, #tpu.memory_space<vmem>> -> memref<80xi32, #tpu.memory_space<vmem>>
    %dma_start3A_15 = tpu.memref_slice %arg3[%add3A_10] : memref<640000xi32, #tpu.memory_space<hbm>> -> memref<80xi32, #tpu.memory_space<hbm>>
    %dma_start3A_16 = tpu.memref_slice %arg11[%dma_start3A_11] : memref<8x!tpu.dma_semaphore, #tpu.memory_space<semaphore_mem>> -> memref<1x!tpu.dma_semaphore, #tpu.memory_space<semaphore_mem>>
    %dma_start3A_17 = tpu.memref_squeeze %dma_start3A_16 : memref<1x!tpu.dma_semaphore, #tpu.memory_space<semaphore_mem>> -> memref<!tpu.dma_semaphore, #tpu.memory_space<semaphore_mem>>
    %dma_start3A_18 = arith.constant 0 : i32
    %dma_start3A_19 = tpu.memref_slice %arg7[%dma_start3A, %dma_start3A_18] : memref<8x80xi32, #tpu.memory_space<vmem>> -> memref<1x80xi32, #tpu.memory_space<vmem>>
    %dma_start3A_20 = tpu.memref_squeeze %dma_start3A_19 : memref<1x80xi32, #tpu.memory_space<vmem>> -> memref<80xi32, #tpu.memory_space<vmem>>
    %dma_start3A_21 = tpu.memref_slice %arg3[%add3A_10] : memref<640000xi32, #tpu.memory_space<hbm>> -> memref<80xi32, #tpu.memory_space<hbm>>
    tpu.enqueue_dma source(%dma_start3A_21 : memref<80xi32, #tpu.memory_space<hbm>>) target(%dma_start3A_20 : memref<80xi32, #tpu.memory_space<vmem>>) target_semaphore(%dma_start3A_17 : memref<!tpu.dma_semaphore, #tpu.memory_space<semaphore_mem>>)
    %add3A_22 = arith.constant 0 : i32
    %add3A_23 = arith.addi %add3A, %add3A_22 : i32
    %dma_start3A_24 = arith.constant 0 : i32
    %dma_start3A_25 = arith.constant 0 : i32
    %dma_start3A_26 = arith.constant 0 : i32
    %dma_start3A_27 = tpu.memref_slice %arg8[%dma_start3A_24, %dma_start3A_26] : memref<8x80xi32, #tpu.memory_space<vmem>> -> memref<1x80xi32, #tpu.memory_space<vmem>>
    %dma_start3A_28 = tpu.memref_squeeze %dma_start3A_27 : memref<1x80xi32, #tpu.memory_space<vmem>> -> memref<80xi32, #tpu.memory_space<vmem>>
    %dma_start3A_29 = tpu.memref_slice %arg4[%add3A_23] : memref<640000xi32, #tpu.memory_space<hbm>> -> memref<80xi32, #tpu.memory_space<hbm>>
    %dma_start3A_30 = tpu.memref_slice %arg11[%dma_start3A_25] : memref<8x!tpu.dma_semaphore, #tpu.memory_space<semaphore_mem>> -> memref<1x!tpu.dma_semaphore, #tpu.memory_space<semaphore_mem>>
    %dma_start3A_31 = tpu.memref_squeeze %dma_start3A_30 : memref<1x!tpu.dma_semaphore, #tpu.memory_space<semaphore_mem>> -> memref<!tpu.dma_semaphore, #tpu.memory_space<semaphore_mem>>
    %dma_start3A_32 = arith.constant 0 : i32
    %dma_start3A_33 = tpu.memref_slice %arg8[%dma_start3A_24, %dma_start3A_32] : memref<8x80xi32, #tpu.memory_space<vmem>> -> memref<1x80xi32, #tpu.memory_space<vmem>>
    %dma_start3A_34 = tpu.memref_squeeze %dma_start3A_33 : memref<1x80xi32, #tpu.memory_space<vmem>> -> memref<80xi32, #tpu.memory_space<vmem>>
    %dma_start3A_35 = tpu.memref_slice %arg4[%add3A_23] : memref<640000xi32, #tpu.memory_space<hbm>> -> memref<80xi32, #tpu.memory_space<hbm>>
    tpu.enqueue_dma source(%dma_start3A_35 : memref<80xi32, #tpu.memory_space<hbm>>) target(%dma_start3A_34 : memref<80xi32, #tpu.memory_space<vmem>>) target_semaphore(%dma_start3A_31 : memref<!tpu.dma_semaphore, #tpu.memory_space<semaphore_mem>>)
    %add3A_36 = arith.constant 80 : i32
    %add3A_37 = arith.addi %add3A, %add3A_36 : i32
    %dma_start3A_38 = arith.constant 1 : i32
    %dma_start3A_39 = arith.constant 1 : i32
    %dma_start3A_40 = arith.constant 0 : i32
    %dma_start3A_41 = tpu.memref_slice %arg7[%dma_start3A_38, %dma_start3A_40] : memref<8x80xi32, #tpu.memory_space<vmem>> -> memref<1x80xi32, #tpu.memory_space<vmem>>
    %dma_start3A_42 = tpu.memref_squeeze %dma_start3A_41 : memref<1x80xi32, #tpu.memory_space<vmem>> -> memref<80xi32, #tpu.memory_space<vmem>>
    %dma_start3A_43 = tpu.memref_slice %arg3[%add3A_37] : memref<640000xi32, #tpu.memory_space<hbm>> -> memref<80xi32, #tpu.memory_space<hbm>>
    %dma_start3A_44 = tpu.memref_slice %arg11[%dma_start3A_39] : memref<8x!tpu.dma_semaphore, #tpu.memory_space<semaphore_mem>> -> memref<1x!tpu.dma_semaphore, #tpu.memory_space<semaphore_mem>>
    %dma_start3A_45 = tpu.memref_squeeze %dma_start3A_44 : memref<1x!tpu.dma_semaphore, #tpu.memory_space<semaphore_mem>> -> memref<!tpu.dma_semaphore, #tpu.memory_space<semaphore_mem>>
    %dma_start3A_46 = arith.constant 0 : i32
    %dma_start3A_47 = tpu.memref_slice %arg7[%dma_start3A_38, %dma_start3A_46] : memref<8x80xi32, #tpu.memory_space<vmem>> -> memref<1x80xi32, #tpu.memory_space<vmem>>
    %dma_start3A_48 = tpu.memref_squeeze %dma_start3A_47 : memref<1x80xi32, #tpu.memory_space<vmem>> -> memref<80xi32, #tpu.memory_space<vmem>>
    %dma_start3A_49 = tpu.memref_slice %arg3[%add3A_37] : memref<640000xi32, #tpu.memory_space<hbm>> -> memref<80xi32, #tpu.memory_space<hbm>>
    tpu.enqueue_dma source(%dma_start3A_49 : memref<80xi32, #tpu.memory_space<hbm>>) target(%dma_start3A_48 : memref<80xi32, #tpu.memory_space<vmem>>) target_semaphore(%dma_start3A_45 : memref<!tpu.dma_semaphore, #tpu.memory_space<semaphore_mem>>)
    %add3A_50 = arith.constant 80 : i32
    %add3A_51 = arith.addi %add3A, %add3A_50 : i32
    %dma_start3A_52 = arith.constant 1 : i32
    %dma_start3A_53 = arith.constant 1 : i32
    %dma_start3A_54 = arith.constant 0 : i32
    %dma_start3A_55 = tpu.memref_slice %arg8[%dma_start3A_52, %dma_start3A_54] : memref<8x80xi32, #tpu.memory_space<vmem>> -> memref<1x80xi32, #tpu.memory_space<vmem>>
    %dma_start3A_56 = tpu.memref_squeeze %dma_start3A_55 : memref<1x80xi32, #tpu.memory_space<vmem>> -> memref<80xi32, #tpu.memory_space<vmem>>
    %dma_start3A_57 = tpu.memref_slice %arg4[%add3A_51] : memref<640000xi32, #tpu.memory_space<hbm>> -> memref<80xi32, #tpu.memory_space<hbm>>
    %dma_start3A_58 = tpu.memref_slice %arg11[%dma_start3A_53] : memref<8x!tpu.dma_semaphore, #tpu.memory_space<semaphore_mem>> -> memref<1x!tpu.dma_semaphore, #tpu.memory_space<semaphore_mem>>
    %dma_start3A_59 = tpu.memref_squeeze %dma_start3A_58 : memref<1x!tpu.dma_semaphore, #tpu.memory_space<semaphore_mem>> -> memref<!tpu.dma_semaphore, #tpu.memory_space<semaphore_mem>>
    %dma_start3A_60 = arith.constant 0 : i32
    %dma_start3A_61 = tpu.memref_slice %arg8[%dma_start3A_52, %dma_start3A_60] : memref<8x80xi32, #tpu.memory_space<vmem>> -> memref<1x80xi32, #tpu.memory_space<vmem>>
    %dma_start3A_62 = tpu.memref_squeeze %dma_start3A_61 : memref<1x80xi32, #tpu.memory_space<vmem>> -> memref<80xi32, #tpu.memory_space<vmem>>
    %dma_start3A_63 = tpu.memref_slice %arg4[%add3A_51] : memref<640000xi32, #tpu.memory_space<hbm>> -> memref<80xi32, #tpu.memory_space<hbm>>
    tpu.enqueue_dma source(%dma_start3A_63 : memref<80xi32, #tpu.memory_space<hbm>>) target(%dma_start3A_62 : memref<80xi32, #tpu.memory_space<vmem>>) target_semaphore(%dma_start3A_59 : memref<!tpu.dma_semaphore, #tpu.memory_space<semaphore_mem>>)
    %add3A_64 = arith.constant 160 : i32
    %add3A_65 = arith.addi %add3A, %add3A_64 : i32
    %dma_start3A_66 = arith.constant 2 : i32
    %dma_start3A_67 = arith.constant 2 : i32
    %dma_start3A_68 = arith.constant 0 : i32
    %dma_start3A_69 = tpu.memref_slice %arg7[%dma_start3A_66, %dma_start3A_68] : memref<8x80xi32, #tpu.memory_space<vmem>> -> memref<1x80xi32, #tpu.memory_space<vmem>>
    %dma_start3A_70 = tpu.memref_squeeze %dma_start3A_69 : memref<1x80xi32, #tpu.memory_space<vmem>> -> memref<80xi32, #tpu.memory_space<vmem>>
    %dma_start3A_71 = tpu.memref_slice %arg3[%add3A_65] : memref<640000xi32, #tpu.memory_space<hbm>> -> memref<80xi32, #tpu.memory_space<hbm>>
    %dma_start3A_72 = tpu.memref_slice %arg11[%dma_start3A_67] : memref<8x!tpu.dma_semaphore, #tpu.memory_space<semaphore_mem>> -> memref<1x!tpu.dma_semaphore, #tpu.memory_space<semaphore_mem>>
    %dma_start3A_73 = tpu.memref_squeeze %dma_start3A_72 : memref<1x!tpu.dma_semaphore, #tpu.memory_space<semaphore_mem>> -> memref<!tpu.dma_semaphore, #tpu.memory_space<semaphore_mem>>
    %dma_start3A_74 = arith.constant 0 : i32
    %dma_start3A_75 = tpu.memref_slice %arg7[%dma_start3A_66, %dma_start3A_74] : memref<8x80xi32, #tpu.memory_space<vmem>> -> memref<1x80xi32, #tpu.memory_space<vmem>>
    %dma_start3A_76 = tpu.memref_squeeze %dma_start3A_75 : memref<1x80xi32, #tpu.memory_space<vmem>> -> memref<80xi32, #tpu.memory_space<vmem>>
    %dma_start3A_77 = tpu.memref_slice %arg3[%add3A_65] : memref<640000xi32, #tpu.memory_space<hbm>> -> memref<80xi32, #tpu.memory_space<hbm>>
    tpu.enqueue_dma source(%dma_start3A_77 : memref<80xi32, #tpu.memory_space<hbm>>) target(%dma_start3A_76 : memref<80xi32, #tpu.memory_space<vmem>>) target_semaphore(%dma_start3A_73 : memref<!tpu.dma_semaphore, #tpu.memory_space<semaphore_mem>>)
    %add3A_78 = arith.constant 160 : i32
    %add3A_79 = arith.addi %add3A, %add3A_78 : i32
    %dma_start3A_80 = arith.constant 2 : i32
    %dma_start3A_81 = arith.constant 2 : i32
    %dma_start3A_82 = arith.constant 0 : i32
    %dma_start3A_83 = tpu.memref_slice %arg8[%dma_start3A_80, %dma_start3A_82] : memref<8x80xi32, #tpu.memory_space<vmem>> -> memref<1x80xi32, #tpu.memory_space<vmem>>
    %dma_start3A_84 = tpu.memref_squeeze %dma_start3A_83 : memref<1x80xi32, #tpu.memory_space<vmem>> -> memref<80xi32, #tpu.memory_space<vmem>>
    %dma_start3A_85 = tpu.memref_slice %arg4[%add3A_79] : memref<640000xi32, #tpu.memory_space<hbm>> -> memref<80xi32, #tpu.memory_space<hbm>>
    %dma_start3A_86 = tpu.memref_slice %arg11[%dma_start3A_81] : memref<8x!tpu.dma_semaphore, #tpu.memory_space<semaphore_mem>> -> memref<1x!tpu.dma_semaphore, #tpu.memory_space<semaphore_mem>>
    %dma_start3A_87 = tpu.memref_squeeze %dma_start3A_86 : memref<1x!tpu.dma_semaphore, #tpu.memory_space<semaphore_mem>> -> memref<!tpu.dma_semaphore, #tpu.memory_space<semaphore_mem>>
    %dma_start3A_88 = arith.constant 0 : i32
    %dma_start3A_89 = tpu.memref_slice %arg8[%dma_start3A_80, %dma_start3A_88] : memref<8x80xi32, #tpu.memory_space<vmem>> -> memref<1x80xi32, #tpu.memory_space<vmem>>
    %dma_start3A_90 = tpu.memref_squeeze %dma_start3A_89 : memref<1x80xi32, #tpu.memory_space<vmem>> -> memref<80xi32, #tpu.memory_space<vmem>>
    %dma_start3A_91 = tpu.memref_slice %arg4[%add3A_79] : memref<640000xi32, #tpu.memory_space<hbm>> -> memref<80xi32, #tpu.memory_space<hbm>>
    tpu.enqueue_dma source(%dma_start3A_91 : memref<80xi32, #tpu.memory_space<hbm>>) target(%dma_start3A_90 : memref<80xi32, #tpu.memory_space<vmem>>) target_semaphore(%dma_start3A_87 : memref<!tpu.dma_semaphore, #tpu.memory_space<semaphore_mem>>)
    %add3A_92 = arith.constant 240 : i32
    %add3A_93 = arith.addi %add3A, %add3A_92 : i32
    %dma_start3A_94 = arith.constant 3 : i32
    %dma_start3A_95 = arith.constant 3 : i32
    %dma_start3A_96 = arith.constant 0 : i32
    %dma_start3A_97 = tpu.memref_slice %arg7[%dma_start3A_94, %dma_start3A_96] : memref<8x80xi32, #tpu.memory_space<vmem>> -> memref<1x80xi32, #tpu.memory_space<vmem>>
    %dma_start3A_98 = tpu.memref_squeeze %dma_start3A_97 : memref<1x80xi32, #tpu.memory_space<vmem>> -> memref<80xi32, #tpu.memory_space<vmem>>
    %dma_start3A_99 = tpu.memref_slice %arg3[%add3A_93] : memref<640000xi32, #tpu.memory_space<hbm>> -> memref<80xi32, #tpu.memory_space<hbm>>
    %dma_start3A_100 = tpu.memref_slice %arg11[%dma_start3A_95] : memref<8x!tpu.dma_semaphore, #tpu.memory_space<semaphore_mem>> -> memref<1x!tpu.dma_semaphore, #tpu.memory_space<semaphore_mem>>
    %dma_start3A_101 = tpu.memref_squeeze %dma_start3A_100 : memref<1x!tpu.dma_semaphore, #tpu.memory_space<semaphore_mem>> -> memref<!tpu.dma_semaphore, #tpu.memory_space<semaphore_mem>>
    %dma_start3A_102 = arith.constant 0 : i32
    %dma_start3A_103 = tpu.memref_slice %arg7[%dma_start3A_94, %dma_start3A_102] : memref<8x80xi32, #tpu.memory_space<vmem>> -> memref<1x80xi32, #tpu.memory_space<vmem>>
    %dma_start3A_104 = tpu.memref_squeeze %dma_start3A_103 : memref<1x80xi32, #tpu.memory_space<vmem>> -> memref<80xi32, #tpu.memory_space<vmem>>
    %dma_start3A_105 = tpu.memref_slice %arg3[%add3A_93] : memref<640000xi32, #tpu.memory_space<hbm>> -> memref<80xi32, #tpu.memory_space<hbm>>
    tpu.enqueue_dma source(%dma_start3A_105 : memref<80xi32, #tpu.memory_space<hbm>>) target(%dma_start3A_104 : memref<80xi32, #tpu.memory_space<vmem>>) target_semaphore(%dma_start3A_101 : memref<!tpu.dma_semaphore, #tpu.memory_space<semaphore_mem>>)
    %add3A_106 = arith.constant 240 : i32
    %add3A_107 = arith.addi %add3A, %add3A_106 : i32
    %dma_start3A_108 = arith.constant 3 : i32
    %dma_start3A_109 = arith.constant 3 : i32
    %dma_start3A_110 = arith.constant 0 : i32
    %dma_start3A_111 = tpu.memref_slice %arg8[%dma_start3A_108, %dma_start3A_110] : memref<8x80xi32, #tpu.memory_space<vmem>> -> memref<1x80xi32, #tpu.memory_space<vmem>>
    %dma_start3A_112 = tpu.memref_squeeze %dma_start3A_111 : memref<1x80xi32, #tpu.memory_space<vmem>> -> memref<80xi32, #tpu.memory_space<vmem>>
    %dma_start3A_113 = tpu.memref_slice %arg4[%add3A_107] : memref<640000xi32, #tpu.memory_space<hbm>> -> memref<80xi32, #tpu.memory_space<hbm>>
    %dma_start3A_114 = tpu.memref_slice %arg11[%dma_start3A_109] : memref<8x!tpu.dma_semaphore, #tpu.memory_space<semaphore_mem>> -> memref<1x!tpu.dma_semaphore, #tpu.memory_space<semaphore_mem>>
    %dma_start3A_115 = tpu.memref_squeeze %dma_start3A_114 : memref<1x!tpu.dma_semaphore, #tpu.memory_space<semaphore_mem>> -> memref<!tpu.dma_semaphore, #tpu.memory_space<semaphore_mem>>
    %dma_start3A_116 = arith.constant 0 : i32
    %dma_start3A_117 = tpu.memref_slice %arg8[%dma_start3A_108, %dma_start3A_116] : memref<8x80xi32, #tpu.memory_space<vmem>> -> memref<1x80xi32, #tpu.memory_space<vmem>>
    %dma_start3A_118 = tpu.memref_squeeze %dma_start3A_117 : memref<1x80xi32, #tpu.memory_space<vmem>> -> memref<80xi32, #tpu.memory_space<vmem>>
    %dma_start3A_119 = tpu.memref_slice %arg4[%add3A_107] : memref<640000xi32, #tpu.memory_space<hbm>> -> memref<80xi32, #tpu.memory_space<hbm>>
    tpu.enqueue_dma source(%dma_start3A_119 : memref<80xi32, #tpu.memory_space<hbm>>) target(%dma_start3A_118 : memref<80xi32, #tpu.memory_space<vmem>>) target_semaphore(%dma_start3A_115 : memref<!tpu.dma_semaphore, #tpu.memory_space<semaphore_mem>>)
    %add3A_120 = arith.constant 0 : i32
    %add3A_121 = arith.addi %add3A, %add3A_120 : i32
    %dma_wait3A = arith.constant 0 : i32
    %dma_wait3A_122 = arith.constant 0 : i32
    %dma_wait3A_123 = arith.constant 0 : i32
    %dma_wait3A_124 = tpu.memref_slice %arg7[%dma_wait3A, %dma_wait3A_123] : memref<8x80xi32, #tpu.memory_space<vmem>> -> memref<1x80xi32, #tpu.memory_space<vmem>>
    %dma_wait3A_125 = tpu.memref_squeeze %dma_wait3A_124 : memref<1x80xi32, #tpu.memory_space<vmem>> -> memref<80xi32, #tpu.memory_space<vmem>>
    %dma_wait3A_126 = tpu.memref_slice %arg3[%add3A_121] : memref<640000xi32, #tpu.memory_space<hbm>> -> memref<80xi32, #tpu.memory_space<hbm>>
    %dma_wait3A_127 = tpu.memref_slice %arg11[%dma_wait3A_122] : memref<8x!tpu.dma_semaphore, #tpu.memory_space<semaphore_mem>> -> memref<1x!tpu.dma_semaphore, #tpu.memory_space<semaphore_mem>>
    %dma_wait3A_128 = tpu.memref_squeeze %dma_wait3A_127 : memref<1x!tpu.dma_semaphore, #tpu.memory_space<semaphore_mem>> -> memref<!tpu.dma_semaphore, #tpu.memory_space<semaphore_mem>>
    %dma_wait3A_129 = arith.constant 0 : i32
    %dma_wait3A_130 = tpu.memref_slice %arg7[%dma_wait3A, %dma_wait3A_129] : memref<8x80xi32, #tpu.memory_space<vmem>> -> memref<1x80xi32, #tpu.memory_space<vmem>>
    %dma_wait3A_131 = tpu.memref_squeeze %dma_wait3A_130 : memref<1x80xi32, #tpu.memory_space<vmem>> -> memref<80xi32, #tpu.memory_space<vmem>>
    %dma_wait3A_132 = tpu.memref_slice %arg3[%add3A_121] : memref<640000xi32, #tpu.memory_space<hbm>> -> memref<80xi32, #tpu.memory_space<hbm>>
    tpu.wait_dma2 semaphore(%dma_wait3A_128 : memref<!tpu.dma_semaphore, #tpu.memory_space<semaphore_mem>>) src(%dma_wait3A_132 : memref<80xi32, #tpu.memory_space<hbm>>) dst(%dma_wait3A_131 : memref<80xi32, #tpu.memory_space<vmem>>)
    %add3A_133 = arith.constant 0 : i32
    %add3A_134 = arith.addi %add3A, %add3A_133 : i32
    %dma_wait3A_135 = arith.constant 0 : i32
    %dma_wait3A_136 = arith.constant 0 : i32
    %dma_wait3A_137 = arith.constant 0 : i32
    %dma_wait3A_138 = tpu.memref_slice %arg8[%dma_wait3A_135, %dma_wait3A_137] : memref<8x80xi32, #tpu.memory_space<vmem>> -> memref<1x80xi32, #tpu.memory_space<vmem>>
    %dma_wait3A_139 = tpu.memref_squeeze %dma_wait3A_138 : memref<1x80xi32, #tpu.memory_space<vmem>> -> memref<80xi32, #tpu.memory_space<vmem>>
    %dma_wait3A_140 = tpu.memref_slice %arg4[%add3A_134] : memref<640000xi32, #tpu.memory_space<hbm>> -> memref<80xi32, #tpu.memory_space<hbm>>
    %dma_wait3A_141 = tpu.memref_slice %arg11[%dma_wait3A_136] : memref<8x!tpu.dma_semaphore, #tpu.memory_space<semaphore_mem>> -> memref<1x!tpu.dma_semaphore, #tpu.memory_space<semaphore_mem>>
    %dma_wait3A_142 = tpu.memref_squeeze %dma_wait3A_141 : memref<1x!tpu.dma_semaphore, #tpu.memory_space<semaphore_mem>> -> memref<!tpu.dma_semaphore, #tpu.memory_space<semaphore_mem>>
    %dma_wait3A_143 = arith.constant 0 : i32
    %dma_wait3A_144 = tpu.memref_slice %arg8[%dma_wait3A_135, %dma_wait3A_143] : memref<8x80xi32, #tpu.memory_space<vmem>> -> memref<1x80xi32, #tpu.memory_space<vmem>>
    %dma_wait3A_145 = tpu.memref_squeeze %dma_wait3A_144 : memref<1x80xi32, #tpu.memory_space<vmem>> -> memref<80xi32, #tpu.memory_space<vmem>>
    %dma_wait3A_146 = tpu.memref_slice %arg4[%add3A_134] : memref<640000xi32, #tpu.memory_space<hbm>> -> memref<80xi32, #tpu.memory_space<hbm>>
    tpu.wait_dma2 semaphore(%dma_wait3A_142 : memref<!tpu.dma_semaphore, #tpu.memory_space<semaphore_mem>>) src(%dma_wait3A_146 : memref<80xi32, #tpu.memory_space<hbm>>) dst(%dma_wait3A_145 : memref<80xi32, #tpu.memory_space<vmem>>)
    %get3A = arith.constant 0 : i32
    %get3A_147 = arith.index_cast %get3A : i32 to index
    %get3A_148 = arith.constant 0 : index
    %get3A_149 = tpu.vector_load %arg7[%get3A_147, %get3A_148] {strides = array<i32>} : memref<8x80xi32, #tpu.memory_space<vmem>>, vector<1x16xi32>,
    %get3A_150 = vector.shape_cast %get3A_149 : vector<1x16xi32> to vector<16xi32>
    %add3A_151 = arith.addi %get3A_150, %broadcast_in_dim3A : vector<16xi32>
    %swap3A = arith.constant 0 : i32
    %swap3A_152 = arith.index_cast %swap3A : i32 to index
    %swap3A_153 = arith.constant 0 : index
    %swap3A_154 = tpu.vector_load %arg7[%swap3A_152, %swap3A_153] {strides = array<i32>} : memref<8x80xi32, #tpu.memory_space<vmem>>, vector<1x16xi32>,
    %swap3A_155 = vector.shape_cast %swap3A_154 : vector<1x16xi32> to vector<16xi32>
    %swap3A_156 = vector.shape_cast %add3A_151 : vector<16xi32> to vector<1x16xi32>
    tpu.vector_store %arg7[%swap3A_152, %swap3A_153], %swap3A_156 {strides = array<i32>} : memref<8x80xi32, #tpu.memory_space<vmem>>, vector<1x16xi32>,
    %get3A_157 = arith.constant 0 : i32
    %get3A_158 = arith.index_cast %get3A_157 : i32 to index
    %get3A_159 = arith.constant 16 : index
    %get3A_160 = tpu.vector_load %arg7[%get3A_158, %get3A_159] {strides = array<i32>} : memref<8x80xi32, #tpu.memory_space<vmem>>, vector<1x16xi32>,
    %get3A_161 = vector.shape_cast %get3A_160 : vector<1x16xi32> to vector<16xi32>
    %add3A_162 = arith.addi %get3A_161, %broadcast_in_dim3A : vector<16xi32>
    %swap3A_163 = arith.constant 0 : i32
    %swap3A_164 = arith.index_cast %swap3A_163 : i32 to index
    %swap3A_165 = arith.constant 16 : index
    %swap3A_166 = tpu.vector_load %arg7[%swap3A_164, %swap3A_165] {strides = array<i32>} : memref<8x80xi32, #tpu.memory_space<vmem>>, vector<1x16xi32>,
    %swap3A_167 = vector.shape_cast %swap3A_166 : vector<1x16xi32> to vector<16xi32>
    %swap3A_168 = vector.shape_cast %add3A_162 : vector<16xi32> to vector<1x16xi32>
    tpu.vector_store %arg7[%swap3A_164, %swap3A_165], %swap3A_168 {strides = array<i32>} : memref<8x80xi32, #tpu.memory_space<vmem>>, vector<1x16xi32>,
    %get3A_169 = arith.constant 0 : i32
    %get3A_170 = arith.index_cast %get3A_169 : i32 to index
    %get3A_171 = arith.constant 32 : index
    %get3A_172 = tpu.vector_load %arg7[%get3A_170, %get3A_171] {strides = array<i32>} : memref<8x80xi32, #tpu.memory_space<vmem>>, vector<1x16xi32>,
    %get3A_173 = vector.shape_cast %get3A_172 : vector<1x16xi32> to vector<16xi32>
    %add3A_174 = arith.addi %get3A_173, %broadcast_in_dim3A : vector<16xi32>
    %swap3A_175 = arith.constant 0 : i32
    %swap3A_176 = arith.index_cast %swap3A_175 : i32 to index
    %swap3A_177 = arith.constant 32 : index
    %swap3A_178 = tpu.vector_load %arg7[%swap3A_176, %swap3A_177] {strides = array<i32>} : memref<8x80xi32, #tpu.memory_space<vmem>>, vector<1x16xi32>,
    %swap3A_179 = vector.shape_cast %swap3A_178 : vector<1x16xi32> to vector<16xi32>
    %swap3A_180 = vector.shape_cast %add3A_174 : vector<16xi32> to vector<1x16xi32>
    tpu.vector_store %arg7[%swap3A_176, %swap3A_177], %swap3A_180 {strides = array<i32>} : memref<8x80xi32, #tpu.memory_space<vmem>>, vector<1x16xi32>,
    %get3A_181 = arith.constant 0 : i32
    %get3A_182 = arith.index_cast %get3A_181 : i32 to index
    %get3A_183 = arith.constant 48 : index
    %get3A_184 = tpu.vector_load %arg7[%get3A_182, %get3A_183] {strides = array<i32>} : memref<8x80xi32, #tpu.memory_space<vmem>>, vector<1x16xi32>,
    %get3A_185 = vector.shape_cast %get3A_184 : vector<1x16xi32> to vector<16xi32>
    %add3A_186 = arith.addi %get3A_185, %broadcast_in_dim3A : vector<16xi32>
    %swap3A_187 = arith.constant 0 : i32
    %swap3A_188 = arith.index_cast %swap3A_187 : i32 to index
    %swap3A_189 = arith.constant 48 : index
    %swap3A_190 = tpu.vector_load %arg7[%swap3A_188, %swap3A_189] {strides = array<i32>} : memref<8x80xi32, #tpu.memory_space<vmem>>, vector<1x16xi32>,
    %swap3A_191 = vector.shape_cast %swap3A_190 : vector<1x16xi32> to vector<16xi32>
    %swap3A_192 = vector.shape_cast %add3A_186 : vector<16xi32> to vector<1x16xi32>
    tpu.vector_store %arg7[%swap3A_188, %swap3A_189], %swap3A_192 {strides = array<i32>} : memref<8x80xi32, #tpu.memory_space<vmem>>, vector<1x16xi32>,
    %get3A_193 = arith.constant 0 : i32
    %get3A_194 = arith.index_cast %get3A_193 : i32 to index
    %get3A_195 = arith.constant 64 : index
    %get3A_196 = tpu.vector_load %arg7[%get3A_194, %get3A_195] {strides = array<i32>} : memref<8x80xi32, #tpu.memory_space<vmem>>, vector<1x16xi32>,
    %get3A_197 = vector.shape_cast %get3A_196 : vector<1x16xi32> to vector<16xi32>
    %add3A_198 = arith.addi %get3A_197, %broadcast_in_dim3A : vector<16xi32>
    %swap3A_199 = arith.constant 0 : i32
    %swap3A_200 = arith.index_cast %swap3A_199 : i32 to index
    %swap3A_201 = arith.constant 64 : index
    %swap3A_202 = tpu.vector_load %arg7[%swap3A_200, %swap3A_201] {strides = array<i32>} : memref<8x80xi32, #tpu.memory_space<vmem>>, vector<1x16xi32>,
    %swap3A_203 = vector.shape_cast %swap3A_202 : vector<1x16xi32> to vector<16xi32>
    %swap3A_204 = vector.shape_cast %add3A_198 : vector<16xi32> to vector<1x16xi32>
    tpu.vector_store %arg7[%swap3A_200, %swap3A_201], %swap3A_204 {strides = array<i32>} : memref<8x80xi32, #tpu.memory_space<vmem>>, vector<1x16xi32>,
    %dma_start3A_205 = arith.constant 0 : i32
    %dma_start3A_206 = arith.constant 0 : i32
    %dma_start3A_207 = arith.constant 0 : i32
    %dma_start3A_208 = arith.constant 0 : i32
    %dma_start3A_209 = arith.constant 0 : i32
    %dma_start3A_210 = tpu.memref_slice %arg9[%dma_start3A_206, %dma_start3A_208, %dma_start3A_209] : memref<4x80x32xbf16, #tpu.memory_space<vmem>> -> memref<1x80x32xbf16, #tpu.memory_space<vmem>>
    %dma_start3A_211 = tpu.memref_squeeze %dma_start3A_210 : memref<1x80x32xbf16, #tpu.memory_space<vmem>> -> memref<80x32xbf16, #tpu.memory_space<vmem>>
    %dma_start3A_212 = arith.constant 0 : i32
    %dma_start3A_213 = tpu.memref_slice %arg7[%dma_start3A_205, %dma_start3A_212] : memref<8x80xi32, #tpu.memory_space<vmem>> -> memref<1x80xi32, #tpu.memory_space<vmem>>
    %dma_start3A_214 = tpu.memref_squeeze %dma_start3A_213 : memref<1x80xi32, #tpu.memory_space<vmem>> -> memref<80xi32, #tpu.memory_space<vmem>>
    %dma_start3A_215 = arith.constant 0 : i32
    %dma_start3A_216 = arith.constant 0 : i32
    %dma_start3A_217 = tpu.memref_slice %arg2[%dma_start3A_215, %dma_start3A_216] : memref<20000x32xbf16, #tpu.memory_space<hbm>> -> memref<20000x32xbf16, #tpu.memory_space<hbm>>
    %dma_start3A_218 = tpu.memref_slice %arg12[%dma_start3A_207] : memref<4x!tpu.dma_semaphore, #tpu.memory_space<semaphore_mem>> -> memref<1x!tpu.dma_semaphore, #tpu.memory_space<semaphore_mem>>
    %dma_start3A_219 = tpu.memref_squeeze %dma_start3A_218 : memref<1x!tpu.dma_semaphore, #tpu.memory_space<semaphore_mem>> -> memref<!tpu.dma_semaphore, #tpu.memory_space<semaphore_mem>>
    tpu.enqueue_indirect_dma source(%dma_start3A_217 : memref<20000x32xbf16, #tpu.memory_space<hbm>>) target(%dma_start3A_211 : memref<80x32xbf16, #tpu.memory_space<vmem>>) offsets(%dma_start3A_214 : memref<80xi32, #tpu.memory_space<vmem>>) semaphore(%dma_start3A_219 : memref<!tpu.dma_semaphore, #tpu.memory_space<semaphore_mem>>)
    %add3A_220 = arith.constant 80 : i32
    %add3A_221 = arith.addi %add3A, %add3A_220 : i32
    %dma_wait3A_222 = arith.constant 1 : i32
    %dma_wait3A_223 = arith.constant 1 : i32
    %dma_wait3A_224 = arith.constant 0 : i32
    %dma_wait3A_225 = tpu.memref_slice %arg7[%dma_wait3A_222, %dma_wait3A_224] : memref<8x80xi32, #tpu.memory_space<vmem>> -> memref<1x80xi32, #tpu.memory_space<vmem>>
    %dma_wait3A_226 = tpu.memref_squeeze %dma_wait3A_225 : memref<1x80xi32, #tpu.memory_space<vmem>> -> memref<80xi32, #tpu.memory_space<vmem>>
    %dma_wait3A_227 = tpu.memref_slice %arg3[%add3A_221] : memref<640000xi32, #tpu.memory_space<hbm>> -> memref<80xi32, #tpu.memory_space<hbm>>
    %dma_wait3A_228 = tpu.memref_slice %arg11[%dma_wait3A_223] : memref<8x!tpu.dma_semaphore, #tpu.memory_space<semaphore_mem>> -> memref<1x!tpu.dma_semaphore, #tpu.memory_space<semaphore_mem>>
    %dma_wait3A_229 = tpu.memref_squeeze %dma_wait3A_228 : memref<1x!tpu.dma_semaphore, #tpu.memory_space<semaphore_mem>> -> memref<!tpu.dma_semaphore, #tpu.memory_space<semaphore_mem>>
    %dma_wait3A_230 = arith.constant 0 : i32
    %dma_wait3A_231 = tpu.memref_slice %arg7[%dma_wait3A_222, %dma_wait3A_230] : memref<8x80xi32, #tpu.memory_space<vmem>> -> memref<1x80xi32, #tpu.memory_space<vmem>>
    %dma_wait3A_232 = tpu.memref_squeeze %dma_wait3A_231 : memref<1x80xi32, #tpu.memory_space<vmem>> -> memref<80xi32, #tpu.memory_space<vmem>>
    %dma_wait3A_233 = tpu.memref_slice %arg3[%add3A_221] : memref<640000xi32, #tpu.memory_space<hbm>> -> memref<80xi32, #tpu.memory_space<hbm>>
    tpu.wait_dma2 semaphore(%dma_wait3A_229 : memref<!tpu.dma_semaphore, #tpu.memory_space<semaphore_mem>>) src(%dma_wait3A_233 : memref<80xi32, #tpu.memory_space<hbm>>) dst(%dma_wait3A_232 : memref<80xi32, #tpu.memory_space<vmem>>)
    %add3A_234 = arith.constant 80 : i32
    %add3A_235 = arith.addi %add3A, %add3A_234 : i32
    %dma_wait3A_236 = arith.constant 1 : i32
    %dma_wait3A_237 = arith.constant 1 : i32
    %dma_wait3A_238 = arith.constant 0 : i32
    %dma_wait3A_239 = tpu.memref_slice %arg8[%dma_wait3A_236, %dma_wait3A_238] : memref<8x80xi32, #tpu.memory_space<vmem>> -> memref<1x80xi32, #tpu.memory_space<vmem>>
    %dma_wait3A_240 = tpu.memref_squeeze %dma_wait3A_239 : memref<1x80xi32, #tpu.memory_space<vmem>> -> memref<80xi32, #tpu.memory_space<vmem>>
    %dma_wait3A_241 = tpu.memref_slice %arg4[%add3A_235] : memref<640000xi32, #tpu.memory_space<hbm>> -> memref<80xi32, #tpu.memory_space<hbm>>
    %dma_wait3A_242 = tpu.memref_slice %arg11[%dma_wait3A_237] : memref<8x!tpu.dma_semaphore, #tpu.memory_space<semaphore_mem>> -> memref<1x!tpu.dma_semaphore, #tpu.memory_space<semaphore_mem>>
    %dma_wait3A_243 = tpu.memref_squeeze %dma_wait3A_242 : memref<1x!tpu.dma_semaphore, #tpu.memory_space<semaphore_mem>> -> memref<!tpu.dma_semaphore, #tpu.memory_space<semaphore_mem>>
    %dma_wait3A_244 = arith.constant 0 : i32
    %dma_wait3A_245 = tpu.memref_slice %arg8[%dma_wait3A_236, %dma_wait3A_244] : memref<8x80xi32, #tpu.memory_space<vmem>> -> memref<1x80xi32, #tpu.memory_space<vmem>>
    %dma_wait3A_246 = tpu.memref_squeeze %dma_wait3A_245 : memref<1x80xi32, #tpu.memory_space<vmem>> -> memref<80xi32, #tpu.memory_space<vmem>>
    %dma_wait3A_247 = tpu.memref_slice %arg4[%add3A_235] : memref<640000xi32, #tpu.memory_space<hbm>> -> memref<80xi32, #tpu.memory_space<hbm>>
    tpu.wait_dma2 semaphore(%dma_wait3A_243 : memref<!tpu.dma_semaphore, #tpu.memory_space<semaphore_mem>>) src(%dma_wait3A_247 : memref<80xi32, #tpu.memory_space<hbm>>) dst(%dma_wait3A_246 : memref<80xi32, #tpu.memory_space<vmem>>)
    %get3A_248 = arith.constant 1 : i32
    %get3A_249 = arith.index_cast %get3A_248 : i32 to index
    %get3A_250 = arith.constant 0 : index
    %get3A_251 = tpu.vector_load %arg7[%get3A_249, %get3A_250] {strides = array<i32>} : memref<8x80xi32, #tpu.memory_space<vmem>>, vector<1x16xi32>,
    %get3A_252 = vector.shape_cast %get3A_251 : vector<1x16xi32> to vector<16xi32>
    %add3A_253 = arith.addi %get3A_252, %broadcast_in_dim3A : vector<16xi32>
    %swap3A_254 = arith.constant 1 : i32
    %swap3A_255 = arith.index_cast %swap3A_254 : i32 to index
    %swap3A_256 = arith.constant 0 : index
    %swap3A_257 = tpu.vector_load %arg7[%swap3A_255, %swap3A_256] {strides = array<i32>} : memref<8x80xi32, #tpu.memory_space<vmem>>, vector<1x16xi32>,
    %swap3A_258 = vector.shape_cast %swap3A_257 : vector<1x16xi32> to vector<16xi32>
    %swap3A_259 = vector.shape_cast %add3A_253 : vector<16xi32> to vector<1x16xi32>
    tpu.vector_store %arg7[%swap3A_255, %swap3A_256], %swap3A_259 {strides = array<i32>} : memref<8x80xi32, #tpu.memory_space<vmem>>, vector<1x16xi32>,
    %get3A_260 = arith.constant 1 : i32
    %get3A_261 = arith.index_cast %get3A_260 : i32 to index
    %get3A_262 = arith.constant 16 : index
    %get3A_263 = tpu.vector_load %arg7[%get3A_261, %get3A_262] {strides = array<i32>} : memref<8x80xi32, #tpu.memory_space<vmem>>, vector<1x16xi32>,
    %get3A_264 = vector.shape_cast %get3A_263 : vector<1x16xi32> to vector<16xi32>
    %add3A_265 = arith.addi %get3A_264, %broadcast_in_dim3A : vector<16xi32>
    %swap3A_266 = arith.constant 1 : i32
    %swap3A_267 = arith.index_cast %swap3A_266 : i32 to index
    %swap3A_268 = arith.constant 16 : index
    %swap3A_269 = tpu.vector_load %arg7[%swap3A_267, %swap3A_268] {strides = array<i32>} : memref<8x80xi32, #tpu.memory_space<vmem>>, vector<1x16xi32>,
    %swap3A_270 = vector.shape_cast %swap3A_269 : vector<1x16xi32> to vector<16xi32>
    %swap3A_271 = vector.shape_cast %add3A_265 : vector<16xi32> to vector<1x16xi32>
    tpu.vector_store %arg7[%swap3A_267, %swap3A_268], %swap3A_271 {strides = array<i32>} : memref<8x80xi32, #tpu.memory_space<vmem>>, vector<1x16xi32>,
    %get3A_272 = arith.constant 1 : i32
    %get3A_273 = arith.index_cast %get3A_272 : i32 to index
    %get3A_274 = arith.constant 32 : index
    %get3A_275 = tpu.vector_load %arg7[%get3A_273, %get3A_274] {strides = array<i32>} : memref<8x80xi32, #tpu.memory_space<vmem>>, vector<1x16xi32>,
    %get3A_276 = vector.shape_cast %get3A_275 : vector<1x16xi32> to vector<16xi32>
    %add3A_277 = arith.addi %get3A_276, %broadcast_in_dim3A : vector<16xi32>
    %swap3A_278 = arith.constant 1 : i32
    %swap3A_279 = arith.index_cast %swap3A_278 : i32 to index
    %swap3A_280 = arith.constant 32 : index
    %swap3A_281 = tpu.vector_load %arg7[%swap3A_279, %swap3A_280] {strides = array<i32>} : memref<8x80xi32, #tpu.memory_space<vmem>>, vector<1x16xi32>,
    %swap3A_282 = vector.shape_cast %swap3A_281 : vector<1x16xi32> to vector<16xi32>
    %swap3A_283 = vector.shape_cast %add3A_277 : vector<16xi32> to vector<1x16xi32>
    tpu.vector_store %arg7[%swap3A_279, %swap3A_280], %swap3A_283 {strides = array<i32>} : memref<8x80xi32, #tpu.memory_space<vmem>>, vector<1x16xi32>,
    %get3A_284 = arith.constant 1 : i32
    %get3A_285 = arith.index_cast %get3A_284 : i32 to index
    %get3A_286 = arith.constant 48 : index
    %get3A_287 = tpu.vector_load %arg7[%get3A_285, %get3A_286] {strides = array<i32>} : memref<8x80xi32, #tpu.memory_space<vmem>>, vector<1x16xi32>,
    %get3A_288 = vector.shape_cast %get3A_287 : vector<1x16xi32> to vector<16xi32>
    %add3A_289 = arith.addi %get3A_288, %broadcast_in_dim3A : vector<16xi32>
    %swap3A_290 = arith.constant 1 : i32
    %swap3A_291 = arith.index_cast %swap3A_290 : i32 to index
    %swap3A_292 = arith.constant 48 : index
    %swap3A_293 = tpu.vector_load %arg7[%swap3A_291, %swap3A_292] {strides = array<i32>} : memref<8x80xi32, #tpu.memory_space<vmem>>, vector<1x16xi32>,
    %swap3A_294 = vector.shape_cast %swap3A_293 : vector<1x16xi32> to vector<16xi32>
    %swap3A_295 = vector.shape_cast %add3A_289 : vector<16xi32> to vector<1x16xi32>
    tpu.vector_store %arg7[%swap3A_291, %swap3A_292], %swap3A_295 {strides = array<i32>} : memref<8x80xi32, #tpu.memory_space<vmem>>, vector<1x16xi32>,
    %get3A_296 = arith.constant 1 : i32
    %get3A_297 = arith.index_cast %get3A_296 : i32 to index
    %get3A_298 = arith.constant 64 : index
    %get3A_299 = tpu.vector_load %arg7[%get3A_297, %get3A_298] {strides = array<i32>} : memref<8x80xi32, #tpu.memory_space<vmem>>, vector<1x16xi32>,
    %get3A_300 = vector.shape_cast %get3A_299 : vector<1x16xi32> to vector<16xi32>
    %add3A_301 = arith.addi %get3A_300, %broadcast_in_dim3A : vector<16xi32>
    %swap3A_302 = arith.constant 1 : i32
    %swap3A_303 = arith.index_cast %swap3A_302 : i32 to index
    %swap3A_304 = arith.constant 64 : index
    %swap3A_305 = tpu.vector_load %arg7[%swap3A_303, %swap3A_304] {strides = array<i32>} : memref<8x80xi32, #tpu.memory_space<vmem>>, vector<1x16xi32>,
    %swap3A_306 = vector.shape_cast %swap3A_305 : vector<1x16xi32> to vector<16xi32>
    %swap3A_307 = vector.shape_cast %add3A_301 : vector<16xi32> to vector<1x16xi32>
    tpu.vector_store %arg7[%swap3A_303, %swap3A_304], %swap3A_307 {strides = array<i32>} : memref<8x80xi32, #tpu.memory_space<vmem>>, vector<1x16xi32>,
    %dma_start3A_308 = arith.constant 1 : i32
    %dma_start3A_309 = arith.constant 1 : i32
    %dma_start3A_310 = arith.constant 1 : i32
    %dma_start3A_311 = arith.constant 0 : i32
    %dma_start3A_312 = arith.constant 0 : i32
    %dma_start3A_313 = tpu.memref_slice %arg9[%dma_start3A_309, %dma_start3A_311, %dma_start3A_312] : memref<4x80x32xbf16, #tpu.memory_space<vmem>> -> memref<1x80x32xbf16, #tpu.memory_space<vmem>>
    %dma_start3A_314 = tpu.memref_squeeze %dma_start3A_313 : memref<1x80x32xbf16, #tpu.memory_space<vmem>> -> memref<80x32xbf16, #tpu.memory_space<vmem>>
    %dma_start3A_315 = arith.constant 0 : i32
    %dma_start3A_316 = tpu.memref_slice %arg7[%dma_start3A_308, %dma_start3A_315] : memref<8x80xi32, #tpu.memory_space<vmem>> -> memref<1x80xi32, #tpu.memory_space<vmem>>
    %dma_start3A_317 = tpu.memref_squeeze %dma_start3A_316 : memref<1x80xi32, #tpu.memory_space<vmem>> -> memref<80xi32, #tpu.memory_space<vmem>>
    %dma_start3A_318 = arith.constant 0 : i32
    %dma_start3A_319 = arith.constant 0 : i32
    %dma_start3A_320 = tpu.memref_slice %arg2[%dma_start3A_318, %dma_start3A_319] : memref<20000x32xbf16, #tpu.memory_space<hbm>> -> memref<20000x32xbf16, #tpu.memory_space<hbm>>
    %dma_start3A_321 = tpu.memref_slice %arg12[%dma_start3A_310] : memref<4x!tpu.dma_semaphore, #tpu.memory_space<semaphore_mem>> -> memref<1x!tpu.dma_semaphore, #tpu.memory_space<semaphore_mem>>
    %dma_start3A_322 = tpu.memref_squeeze %dma_start3A_321 : memref<1x!tpu.dma_semaphore, #tpu.memory_space<semaphore_mem>> -> memref<!tpu.dma_semaphore, #tpu.memory_space<semaphore_mem>>
    tpu.enqueue_indirect_dma source(%dma_start3A_320 : memref<20000x32xbf16, #tpu.memory_space<hbm>>) target(%dma_start3A_314 : memref<80x32xbf16, #tpu.memory_space<vmem>>) offsets(%dma_start3A_317 : memref<80xi32, #tpu.memory_space<vmem>>) semaphore(%dma_start3A_322 : memref<!tpu.dma_semaphore, #tpu.memory_space<semaphore_mem>>)
    %scan3A = arith.constant 0 : i32
    %scan3A_323 = arith.constant 0 : i32
    %scan3A_324 = arith.constant 250 : i32
    %scan3A_325 = arith.addi %scan3A_323, %scan3A_324 : i32
    %scan3A_326 = arith.constant 1 : i32
    scf.for %scan3A_396 = %scan3A_323 to %scan3A_325 step %scan3A_326  : i32 {
      %add3A_397 = arith.constant 4 : i32
      %add3A_398 = arith.addi %scan3A_396, %add3A_397 : i32
      %lt3A = arith.constant 250 : i32
      %lt3A_399 = arith.cmpi slt, %add3A_398, %lt3A : i32
      %convert_element_type3A = arith.extui %lt3A_399 : i1 to i32
      %cond3A = arith.constant 0 : i32
      %cond3A_400 = arith.cmpi ne, %convert_element_type3A, %cond3A : i32
      scf.if %cond3A_400 {
        %add3A_490 = arith.constant 4 : i32
        %add3A_491 = arith.addi %scan3A_396, %add3A_490 : i32
        %jit3A_492 = arith.constant 8 : i32
        %eq3A_493 = arith.constant 0 : i32
        %eq3A_494 = arith.cmpi eq, %jit3A_492, %eq3A_493 : i32
        %jit3A_495 = arith.constant 1 : i32
        %select_n3A_496 = arith.select %eq3A_494, %jit3A_495, %jit3A_492 : i32
        %rem3A_497 = arith.remsi %add3A_491, %select_n3A_496 : i32
        %ne3A_498 = arith.constant 0 : i32
        %ne3A_499 = arith.cmpi ne, %rem3A_497, %ne3A_498 : i32
        %lt3A_500 = arith.constant 0 : i32
        %lt3A_501 = arith.cmpi slt, %rem3A_497, %lt3A_500 : i32
        %lt3A_502 = arith.constant 0 : i32
        %lt3A_503 = arith.cmpi slt, %select_n3A_496, %lt3A_502 : i32
        %ne3A_504 = arith.xori %lt3A_501, %lt3A_503 : i1
        %and3A_505 = arith.andi %ne3A_504, %ne3A_499 : i1
        %add3A_506 = arith.addi %rem3A_497, %select_n3A_496 : i32
        %select_n3A_507 = arith.select %and3A_505, %add3A_506, %rem3A_497 : i32
        %mul3A_508 = arith.constant 80 : i32
        %mul3A_509 = arith.muli %add3A_491, %mul3A_508 : i32
        %add3A_510 = arith.addi %add3A, %mul3A_509 : i32
        %dma_start3A_511 = arith.constant 0 : i32
        %dma_start3A_512 = tpu.memref_slice %arg7[%select_n3A_507, %dma_start3A_511] : memref<8x80xi32, #tpu.memory_space<vmem>> -> memref<1x80xi32, #tpu.memory_space<vmem>>
        %dma_start3A_513 = tpu.memref_squeeze %dma_start3A_512 : memref<1x80xi32, #tpu.memory_space<vmem>> -> memref<80xi32, #tpu.memory_space<vmem>>
        %dma_start3A_514 = tpu.memref_slice %arg3[%add3A_510] : memref<640000xi32, #tpu.memory_space<hbm>> -> memref<80xi32, #tpu.memory_space<hbm>>
        %dma_start3A_515 = tpu.memref_slice %arg11[%select_n3A_507] : memref<8x!tpu.dma_semaphore, #tpu.memory_space<semaphore_mem>> -> memref<1x!tpu.dma_semaphore, #tpu.memory_space<semaphore_mem>>
        %dma_start3A_516 = tpu.memref_squeeze %dma_start3A_515 : memref<1x!tpu.dma_semaphore, #tpu.memory_space<semaphore_mem>> -> memref<!tpu.dma_semaphore, #tpu.memory_space<semaphore_mem>>
        %dma_start3A_517 = arith.constant 0 : i32
        %dma_start3A_518 = tpu.memref_slice %arg7[%select_n3A_507, %dma_start3A_517] : memref<8x80xi32, #tpu.memory_space<vmem>> -> memref<1x80xi32, #tpu.memory_space<vmem>>
        %dma_start3A_519 = tpu.memref_squeeze %dma_start3A_518 : memref<1x80xi32, #tpu.memory_space<vmem>> -> memref<80xi32, #tpu.memory_space<vmem>>
        %dma_start3A_520 = tpu.memref_slice %arg3[%add3A_510] : memref<640000xi32, #tpu.memory_space<hbm>> -> memref<80xi32, #tpu.memory_space<hbm>>
        tpu.enqueue_dma source(%dma_start3A_520 : memref<80xi32, #tpu.memory_space<hbm>>) target(%dma_start3A_519 : memref<80xi32, #tpu.memory_space<vmem>>) target_semaphore(%dma_start3A_516 : memref<!tpu.dma_semaphore, #tpu.memory_space<semaphore_mem>>)
        %mul3A_521 = arith.constant 80 : i32
        %mul3A_522 = arith.muli %add3A_491, %mul3A_521 : i32
        %add3A_523 = arith.addi %add3A, %mul3A_522 : i32
        %dma_start3A_524 = arith.constant 0 : i32
        %dma_start3A_525 = tpu.memref_slice %arg8[%select_n3A_507, %dma_start3A_524] : memref<8x80xi32, #tpu.memory_space<vmem>> -> memref<1x80xi32, #tpu.memory_space<vmem>>
        %dma_start3A_526 = tpu.memref_squeeze %dma_start3A_525 : memref<1x80xi32, #tpu.memory_space<vmem>> -> memref<80xi32, #tpu.memory_space<vmem>>
        %dma_start3A_527 = tpu.memref_slice %arg4[%add3A_523] : memref<640000xi32, #tpu.memory_space<hbm>> -> memref<80xi32, #tpu.memory_space<hbm>>
        %dma_start3A_528 = tpu.memref_slice %arg11[%select_n3A_507] : memref<8x!tpu.dma_semaphore, #tpu.memory_space<semaphore_mem>> -> memref<1x!tpu.dma_semaphore, #tpu.memory_space<semaphore_mem>>
        %dma_start3A_529 = tpu.memref_squeeze %dma_start3A_528 : memref<1x!tpu.dma_semaphore, #tpu.memory_space<semaphore_mem>> -> memref<!tpu.dma_semaphore, #tpu.memory_space<semaphore_mem>>
        %dma_start3A_530 = arith.constant 0 : i32
        %dma_start3A_531 = tpu.memref_slice %arg8[%select_n3A_507, %dma_start3A_530] : memref<8x80xi32, #tpu.memory_space<vmem>> -> memref<1x80xi32, #tpu.memory_space<vmem>>
        %dma_start3A_532 = tpu.memref_squeeze %dma_start3A_531 : memref<1x80xi32, #tpu.memory_space<vmem>> -> memref<80xi32, #tpu.memory_space<vmem>>
        %dma_start3A_533 = tpu.memref_slice %arg4[%add3A_523] : memref<640000xi32, #tpu.memory_space<hbm>> -> memref<80xi32, #tpu.memory_space<hbm>>
        tpu.enqueue_dma source(%dma_start3A_533 : memref<80xi32, #tpu.memory_space<hbm>>) target(%dma_start3A_532 : memref<80xi32, #tpu.memory_space<vmem>>) target_semaphore(%dma_start3A_529 : memref<!tpu.dma_semaphore, #tpu.memory_space<semaphore_mem>>)
      } else {
      }
      %add3A_401 = arith.constant 2 : i32
      %add3A_402 = arith.addi %scan3A_396, %add3A_401 : i32
      %lt3A_403 = arith.constant 250 : i32
      %lt3A_404 = arith.cmpi slt, %add3A_402, %lt3A_403 : i32
      %convert_element_type3A_405 = arith.extui %lt3A_404 : i1 to i32
      %cond3A_406 = arith.constant 0 : i32
      %cond3A_407 = arith.cmpi ne, %convert_element_type3A_405, %cond3A_406 : i32
      scf.if %cond3A_407 {
        %add3A_490 = arith.constant 2 : i32
        %add3A_491 = arith.addi %scan3A_396, %add3A_490 : i32
        %jit3A_492 = arith.constant 8 : i32
        %eq3A_493 = arith.constant 0 : i32
        %eq3A_494 = arith.cmpi eq, %jit3A_492, %eq3A_493 : i32
        %jit3A_495 = arith.constant 1 : i32
        %select_n3A_496 = arith.select %eq3A_494, %jit3A_495, %jit3A_492 : i32
        %rem3A_497 = arith.remsi %add3A_491, %select_n3A_496 : i32
        %ne3A_498 = arith.constant 0 : i32
        %ne3A_499 = arith.cmpi ne, %rem3A_497, %ne3A_498 : i32
        %lt3A_500 = arith.constant 0 : i32
        %lt3A_501 = arith.cmpi slt, %rem3A_497, %lt3A_500 : i32
        %lt3A_502 = arith.constant 0 : i32
        %lt3A_503 = arith.cmpi slt, %select_n3A_496, %lt3A_502 : i32
        %ne3A_504 = arith.xori %lt3A_501, %lt3A_503 : i1
        %and3A_505 = arith.andi %ne3A_504, %ne3A_499 : i1
        %add3A_506 = arith.addi %rem3A_497, %select_n3A_496 : i32
        %select_n3A_507 = arith.select %and3A_505, %add3A_506, %rem3A_497 : i32
        %mul3A_508 = arith.constant 80 : i32
        %mul3A_509 = arith.muli %add3A_491, %mul3A_508 : i32
        %add3A_510 = arith.addi %add3A, %mul3A_509 : i32
        %dma_wait3A_511 = arith.constant 0 : i32
        %dma_wait3A_512 = tpu.memref_slice %arg7[%select_n3A_507, %dma_wait3A_511] : memref<8x80xi32, #tpu.memory_space<vmem>> -> memref<1x80xi32, #tpu.memory_space<vmem>>
        %dma_wait3A_513 = tpu.memref_squeeze %dma_wait3A_512 : memref<1x80xi32, #tpu.memory_space<vmem>> -> memref<80xi32, #tpu.memory_space<vmem>>
        %dma_wait3A_514 = tpu.memref_slice %arg3[%add3A_510] : memref<640000xi32, #tpu.memory_space<hbm>> -> memref<80xi32, #tpu.memory_space<hbm>>
        %dma_wait3A_515 = tpu.memref_slice %arg11[%select_n3A_507] : memref<8x!tpu.dma_semaphore, #tpu.memory_space<semaphore_mem>> -> memref<1x!tpu.dma_semaphore, #tpu.memory_space<semaphore_mem>>
        %dma_wait3A_516 = tpu.memref_squeeze %dma_wait3A_515 : memref<1x!tpu.dma_semaphore, #tpu.memory_space<semaphore_mem>> -> memref<!tpu.dma_semaphore, #tpu.memory_space<semaphore_mem>>
        %dma_wait3A_517 = arith.constant 0 : i32
        %dma_wait3A_518 = tpu.memref_slice %arg7[%select_n3A_507, %dma_wait3A_517] : memref<8x80xi32, #tpu.memory_space<vmem>> -> memref<1x80xi32, #tpu.memory_space<vmem>>
        %dma_wait3A_519 = tpu.memref_squeeze %dma_wait3A_518 : memref<1x80xi32, #tpu.memory_space<vmem>> -> memref<80xi32, #tpu.memory_space<vmem>>
        %dma_wait3A_520 = tpu.memref_slice %arg3[%add3A_510] : memref<640000xi32, #tpu.memory_space<hbm>> -> memref<80xi32, #tpu.memory_space<hbm>>
        tpu.wait_dma2 semaphore(%dma_wait3A_516 : memref<!tpu.dma_semaphore, #tpu.memory_space<semaphore_mem>>) src(%dma_wait3A_520 : memref<80xi32, #tpu.memory_space<hbm>>) dst(%dma_wait3A_519 : memref<80xi32, #tpu.memory_space<vmem>>)
        %mul3A_521 = arith.constant 80 : i32
        %mul3A_522 = arith.muli %add3A_491, %mul3A_521 : i32
        %add3A_523 = arith.addi %add3A, %mul3A_522 : i32
        %dma_wait3A_524 = arith.constant 0 : i32
        %dma_wait3A_525 = tpu.memref_slice %arg8[%select_n3A_507, %dma_wait3A_524] : memref<8x80xi32, #tpu.memory_space<vmem>> -> memref<1x80xi32, #tpu.memory_space<vmem>>
        %dma_wait3A_526 = tpu.memref_squeeze %dma_wait3A_525 : memref<1x80xi32, #tpu.memory_space<vmem>> -> memref<80xi32, #tpu.memory_space<vmem>>
        %dma_wait3A_527 = tpu.memref_slice %arg4[%add3A_523] : memref<640000xi32, #tpu.memory_space<hbm>> -> memref<80xi32, #tpu.memory_space<hbm>>
        %dma_wait3A_528 = tpu.memref_slice %arg11[%select_n3A_507] : memref<8x!tpu.dma_semaphore, #tpu.memory_space<semaphore_mem>> -> memref<1x!tpu.dma_semaphore, #tpu.memory_space<semaphore_mem>>
        %dma_wait3A_529 = tpu.memref_squeeze %dma_wait3A_528 : memref<1x!tpu.dma_semaphore, #tpu.memory_space<semaphore_mem>> -> memref<!tpu.dma_semaphore, #tpu.memory_space<semaphore_mem>>
        %dma_wait3A_530 = arith.constant 0 : i32
        %dma_wait3A_531 = tpu.memref_slice %arg8[%select_n3A_507, %dma_wait3A_530] : memref<8x80xi32, #tpu.memory_space<vmem>> -> memref<1x80xi32, #tpu.memory_space<vmem>>
        %dma_wait3A_532 = tpu.memref_squeeze %dma_wait3A_531 : memref<1x80xi32, #tpu.memory_space<vmem>> -> memref<80xi32, #tpu.memory_space<vmem>>
        %dma_wait3A_533 = tpu.memref_slice %arg4[%add3A_523] : memref<640000xi32, #tpu.memory_space<hbm>> -> memref<80xi32, #tpu.memory_space<hbm>>
        tpu.wait_dma2 semaphore(%dma_wait3A_529 : memref<!tpu.dma_semaphore, #tpu.memory_space<semaphore_mem>>) src(%dma_wait3A_533 : memref<80xi32, #tpu.memory_space<hbm>>) dst(%dma_wait3A_532 : memref<80xi32, #tpu.memory_space<vmem>>)
        %get3A_534 = arith.index_cast %select_n3A_507 : i32 to index
        %get3A_535 = arith.constant 0 : index
        %get3A_536 = tpu.vector_load %arg7[%get3A_534, %get3A_535] {strides = array<i32>} : memref<8x80xi32, #tpu.memory_space<vmem>>, vector<1x16xi32>,
        %get3A_537 = vector.shape_cast %get3A_536 : vector<1x16xi32> to vector<16xi32>
        %add3A_538 = arith.addi %get3A_537, %broadcast_in_dim3A : vector<16xi32>
        %swap3A_539 = arith.index_cast %select_n3A_507 : i32 to index
        %swap3A_540 = arith.constant 0 : index
        %swap3A_541 = tpu.vector_load %arg7[%swap3A_539, %swap3A_540] {strides = array<i32>} : memref<8x80xi32, #tpu.memory_space<vmem>>, vector<1x16xi32>,
        %swap3A_542 = vector.shape_cast %swap3A_541 : vector<1x16xi32> to vector<16xi32>
        %swap3A_543 = vector.shape_cast %add3A_538 : vector<16xi32> to vector<1x16xi32>
        tpu.vector_store %arg7[%swap3A_539, %swap3A_540], %swap3A_543 {strides = array<i32>} : memref<8x80xi32, #tpu.memory_space<vmem>>, vector<1x16xi32>,
        %get3A_544 = arith.index_cast %select_n3A_507 : i32 to index
        %get3A_545 = arith.constant 16 : index
        %get3A_546 = tpu.vector_load %arg7[%get3A_544, %get3A_545] {strides = array<i32>} : memref<8x80xi32, #tpu.memory_space<vmem>>, vector<1x16xi32>,
        %get3A_547 = vector.shape_cast %get3A_546 : vector<1x16xi32> to vector<16xi32>
        %add3A_548 = arith.addi %get3A_547, %broadcast_in_dim3A : vector<16xi32>
        %swap3A_549 = arith.index_cast %select_n3A_507 : i32 to index
        %swap3A_550 = arith.constant 16 : index
        %swap3A_551 = tpu.vector_load %arg7[%swap3A_549, %swap3A_550] {strides = array<i32>} : memref<8x80xi32, #tpu.memory_space<vmem>>, vector<1x16xi32>,
        %swap3A_552 = vector.shape_cast %swap3A_551 : vector<1x16xi32> to vector<16xi32>
        %swap3A_553 = vector.shape_cast %add3A_548 : vector<16xi32> to vector<1x16xi32>
        tpu.vector_store %arg7[%swap3A_549, %swap3A_550], %swap3A_553 {strides = array<i32>} : memref<8x80xi32, #tpu.memory_space<vmem>>, vector<1x16xi32>,
        %get3A_554 = arith.index_cast %select_n3A_507 : i32 to index
        %get3A_555 = arith.constant 32 : index
        %get3A_556 = tpu.vector_load %arg7[%get3A_554, %get3A_555] {strides = array<i32>} : memref<8x80xi32, #tpu.memory_space<vmem>>, vector<1x16xi32>,
        %get3A_557 = vector.shape_cast %get3A_556 : vector<1x16xi32> to vector<16xi32>
        %add3A_558 = arith.addi %get3A_557, %broadcast_in_dim3A : vector<16xi32>
        %swap3A_559 = arith.index_cast %select_n3A_507 : i32 to index
        %swap3A_560 = arith.constant 32 : index
        %swap3A_561 = tpu.vector_load %arg7[%swap3A_559, %swap3A_560] {strides = array<i32>} : memref<8x80xi32, #tpu.memory_space<vmem>>, vector<1x16xi32>,
        %swap3A_562 = vector.shape_cast %swap3A_561 : vector<1x16xi32> to vector<16xi32>
        %swap3A_563 = vector.shape_cast %add3A_558 : vector<16xi32> to vector<1x16xi32>
        tpu.vector_store %arg7[%swap3A_559, %swap3A_560], %swap3A_563 {strides = array<i32>} : memref<8x80xi32, #tpu.memory_space<vmem>>, vector<1x16xi32>,
        %get3A_564 = arith.index_cast %select_n3A_507 : i32 to index
        %get3A_565 = arith.constant 48 : index
        %get3A_566 = tpu.vector_load %arg7[%get3A_564, %get3A_565] {strides = array<i32>} : memref<8x80xi32, #tpu.memory_space<vmem>>, vector<1x16xi32>,
        %get3A_567 = vector.shape_cast %get3A_566 : vector<1x16xi32> to vector<16xi32>
        %add3A_568 = arith.addi %get3A_567, %broadcast_in_dim3A : vector<16xi32>
        %swap3A_569 = arith.index_cast %select_n3A_507 : i32 to index
        %swap3A_570 = arith.constant 48 : index
        %swap3A_571 = tpu.vector_load %arg7[%swap3A_569, %swap3A_570] {strides = array<i32>} : memref<8x80xi32, #tpu.memory_space<vmem>>, vector<1x16xi32>,
        %swap3A_572 = vector.shape_cast %swap3A_571 : vector<1x16xi32> to vector<16xi32>
        %swap3A_573 = vector.shape_cast %add3A_568 : vector<16xi32> to vector<1x16xi32>
        tpu.vector_store %arg7[%swap3A_569, %swap3A_570], %swap3A_573 {strides = array<i32>} : memref<8x80xi32, #tpu.memory_space<vmem>>, vector<1x16xi32>,
        %get3A_574 = arith.index_cast %select_n3A_507 : i32 to index
        %get3A_575 = arith.constant 64 : index
        %get3A_576 = tpu.vector_load %arg7[%get3A_574, %get3A_575] {strides = array<i32>} : memref<8x80xi32, #tpu.memory_space<vmem>>, vector<1x16xi32>,
        %get3A_577 = vector.shape_cast %get3A_576 : vector<1x16xi32> to vector<16xi32>
        %add3A_578 = arith.addi %get3A_577, %broadcast_in_dim3A : vector<16xi32>
        %swap3A_579 = arith.index_cast %select_n3A_507 : i32 to index
        %swap3A_580 = arith.constant 64 : index
        %swap3A_581 = tpu.vector_load %arg7[%swap3A_579, %swap3A_580] {strides = array<i32>} : memref<8x80xi32, #tpu.memory_space<vmem>>, vector<1x16xi32>,
        %swap3A_582 = vector.shape_cast %swap3A_581 : vector<1x16xi32> to vector<16xi32>
        %swap3A_583 = vector.shape_cast %add3A_578 : vector<16xi32> to vector<1x16xi32>
        tpu.vector_store %arg7[%swap3A_579, %swap3A_580], %swap3A_583 {strides = array<i32>} : memref<8x80xi32, #tpu.memory_space<vmem>>, vector<1x16xi32>,
        %add3A_584 = arith.constant 2 : i32
        %add3A_585 = arith.addi %scan3A_396, %add3A_584 : i32
        %ge3A = arith.constant 4 : i32
        %ge3A_586 = arith.cmpi sge, %add3A_585, %ge3A : i32
        %convert_element_type3A_587 = arith.extui %ge3A_586 : i1 to i32
        %cond3A_588 = arith.constant 0 : i32
        %cond3A_589 = arith.cmpi ne, %convert_element_type3A_587, %cond3A_588 : i32
        scf.if %cond3A_589 {
          %add3A_636 = arith.constant 2 : i32
          %add3A_637 = arith.addi %scan3A_396, %add3A_636 : i32
          %sub3A = arith.constant 4 : i32
          %sub3A_638 = arith.subi %add3A_637, %sub3A : i32
          %jit3A_639 = arith.constant 4 : i32
          %eq3A_640 = arith.constant 0 : i32
          %eq3A_641 = arith.cmpi eq, %jit3A_639, %eq3A_640 : i32
          %jit3A_642 = arith.constant 1 : i32
          %select_n3A_643 = arith.select %eq3A_641, %jit3A_642, %jit3A_639 : i32
          %rem3A_644 = arith.remsi %sub3A_638, %select_n3A_643 : i32
          %ne3A_645 = arith.constant 0 : i32
          %ne3A_646 = arith.cmpi ne, %rem3A_644, %ne3A_645 : i32
          %lt3A_647 = arith.constant 0 : i32
          %lt3A_648 = arith.cmpi slt, %rem3A_644, %lt3A_647 : i32
          %lt3A_649 = arith.constant 0 : i32
          %lt3A_650 = arith.cmpi slt, %select_n3A_643, %lt3A_649 : i32
          %ne3A_651 = arith.xori %lt3A_648, %lt3A_650 : i1
          %and3A_652 = arith.andi %ne3A_651, %ne3A_646 : i1
          %add3A_653 = arith.addi %rem3A_644, %select_n3A_643 : i32
          %select_n3A_654 = arith.select %and3A_652, %add3A_653, %rem3A_644 : i32
          %jit3A_655 = arith.constant 8 : i32
          %eq3A_656 = arith.constant 0 : i32
          %eq3A_657 = arith.cmpi eq, %jit3A_655, %eq3A_656 : i32
          %jit3A_658 = arith.constant 1 : i32
          %select_n3A_659 = arith.select %eq3A_657, %jit3A_658, %jit3A_655 : i32
          %rem3A_660 = arith.remsi %sub3A_638, %select_n3A_659 : i32
          %ne3A_661 = arith.constant 0 : i32
          %ne3A_662 = arith.cmpi ne, %rem3A_660, %ne3A_661 : i32
          %lt3A_663 = arith.constant 0 : i32
          %lt3A_664 = arith.cmpi slt, %rem3A_660, %lt3A_663 : i32
          %lt3A_665 = arith.constant 0 : i32
          %lt3A_666 = arith.cmpi slt, %select_n3A_659, %lt3A_665 : i32
          %ne3A_667 = arith.xori %lt3A_664, %lt3A_666 : i1
          %and3A_668 = arith.andi %ne3A_667, %ne3A_662 : i1
          %add3A_669 = arith.addi %rem3A_660, %select_n3A_659 : i32
          %select_n3A_670 = arith.select %and3A_668, %add3A_669, %rem3A_660 : i32
          %dma_wait3A_671 = arith.constant 0 : i32
          %dma_wait3A_672 = arith.constant 0 : i32
          %dma_wait3A_673 = tpu.memref_slice %arg9[%select_n3A_654, %dma_wait3A_671, %dma_wait3A_672] : memref<4x80x32xbf16, #tpu.memory_space<vmem>> -> memref<1x80x32xbf16, #tpu.memory_space<vmem>>
          %dma_wait3A_674 = tpu.memref_squeeze %dma_wait3A_673 : memref<1x80x32xbf16, #tpu.memory_space<vmem>> -> memref<80x32xbf16, #tpu.memory_space<vmem>>
          %dma_wait3A_675 = arith.constant 0 : i32
          %dma_wait3A_676 = tpu.memref_slice %arg8[%select_n3A_670, %dma_wait3A_675] : memref<8x80xi32, #tpu.memory_space<vmem>> -> memref<1x80xi32, #tpu.memory_space<vmem>>
          %dma_wait3A_677 = tpu.memref_squeeze %dma_wait3A_676 : memref<1x80xi32, #tpu.memory_space<vmem>> -> memref<80xi32, #tpu.memory_space<vmem>>
          %dma_wait3A_678 = arith.constant 0 : i32
          %dma_wait3A_679 = arith.constant 0 : i32
          %dma_wait3A_680 = tpu.memref_slice %arg10[%dma_wait3A_678, %dma_wait3A_679] : memref<10000x32xbf16, #tpu.memory_space<vmem_shared>> -> memref<10000x32xbf16, #tpu.memory_space<vmem_shared>>
          %dma_wait3A_681 = tpu.memref_slice %arg13[%select_n3A_654] : memref<4x!tpu.dma_semaphore, #tpu.memory_space<semaphore_mem>> -> memref<1x!tpu.dma_semaphore, #tpu.memory_space<semaphore_mem>>
          %dma_wait3A_682 = tpu.memref_squeeze %dma_wait3A_681 : memref<1x!tpu.dma_semaphore, #tpu.memory_space<semaphore_mem>> -> memref<!tpu.dma_semaphore, #tpu.memory_space<semaphore_mem>>
          tpu.wait_indirect_dma semaphore(%dma_wait3A_682 : memref<!tpu.dma_semaphore, #tpu.memory_space<semaphore_mem>>) src(%dma_wait3A_674 : memref<80x32xbf16, #tpu.memory_space<vmem>>) dst(%dma_wait3A_680 : memref<10000x32xbf16, #tpu.memory_space<vmem_shared>>)
        } else {
        }
        %add3A_590 = arith.constant 2 : i32
        %add3A_591 = arith.addi %scan3A_396, %add3A_590 : i32
        %jit3A_592 = arith.constant 4 : i32
        %eq3A_593 = arith.constant 0 : i32
        %eq3A_594 = arith.cmpi eq, %jit3A_592, %eq3A_593 : i32
        %jit3A_595 = arith.constant 1 : i32
        %select_n3A_596 = arith.select %eq3A_594, %jit3A_595, %jit3A_592 : i32
        %rem3A_597 = arith.remsi %add3A_591, %select_n3A_596 : i32
        %ne3A_598 = arith.constant 0 : i32
        %ne3A_599 = arith.cmpi ne, %rem3A_597, %ne3A_598 : i32
        %lt3A_600 = arith.constant 0 : i32
        %lt3A_601 = arith.cmpi slt, %rem3A_597, %lt3A_600 : i32
        %lt3A_602 = arith.constant 0 : i32
        %lt3A_603 = arith.cmpi slt, %select_n3A_596, %lt3A_602 : i32
        %ne3A_604 = arith.xori %lt3A_601, %lt3A_603 : i1
        %and3A_605 = arith.andi %ne3A_604, %ne3A_599 : i1
        %add3A_606 = arith.addi %rem3A_597, %select_n3A_596 : i32
        %select_n3A_607 = arith.select %and3A_605, %add3A_606, %rem3A_597 : i32
        %jit3A_608 = arith.constant 8 : i32
        %eq3A_609 = arith.constant 0 : i32
        %eq3A_610 = arith.cmpi eq, %jit3A_608, %eq3A_609 : i32
        %jit3A_611 = arith.constant 1 : i32
        %select_n3A_612 = arith.select %eq3A_610, %jit3A_611, %jit3A_608 : i32
        %rem3A_613 = arith.remsi %add3A_591, %select_n3A_612 : i32
        %ne3A_614 = arith.constant 0 : i32
        %ne3A_615 = arith.cmpi ne, %rem3A_613, %ne3A_614 : i32
        %lt3A_616 = arith.constant 0 : i32
        %lt3A_617 = arith.cmpi slt, %rem3A_613, %lt3A_616 : i32
        %lt3A_618 = arith.constant 0 : i32
        %lt3A_619 = arith.cmpi slt, %select_n3A_612, %lt3A_618 : i32
        %ne3A_620 = arith.xori %lt3A_617, %lt3A_619 : i1
        %and3A_621 = arith.andi %ne3A_620, %ne3A_615 : i1
        %add3A_622 = arith.addi %rem3A_613, %select_n3A_612 : i32
        %select_n3A_623 = arith.select %and3A_621, %add3A_622, %rem3A_613 : i32
        %dma_start3A_624 = arith.constant 0 : i32
        %dma_start3A_625 = arith.constant 0 : i32
        %dma_start3A_626 = tpu.memref_slice %arg9[%select_n3A_607, %dma_start3A_624, %dma_start3A_625] : memref<4x80x32xbf16, #tpu.memory_space<vmem>> -> memref<1x80x32xbf16, #tpu.memory_space<vmem>>
        %dma_start3A_627 = tpu.memref_squeeze %dma_start3A_626 : memref<1x80x32xbf16, #tpu.memory_space<vmem>> -> memref<80x32xbf16, #tpu.memory_space<vmem>>
        %dma_start3A_628 = arith.constant 0 : i32
        %dma_start3A_629 = tpu.memref_slice %arg7[%select_n3A_623, %dma_start3A_628] : memref<8x80xi32, #tpu.memory_space<vmem>> -> memref<1x80xi32, #tpu.memory_space<vmem>>
        %dma_start3A_630 = tpu.memref_squeeze %dma_start3A_629 : memref<1x80xi32, #tpu.memory_space<vmem>> -> memref<80xi32, #tpu.memory_space<vmem>>
        %dma_start3A_631 = arith.constant 0 : i32
        %dma_start3A_632 = arith.constant 0 : i32
        %dma_start3A_633 = tpu.memref_slice %arg2[%dma_start3A_631, %dma_start3A_632] : memref<20000x32xbf16, #tpu.memory_space<hbm>> -> memref<20000x32xbf16, #tpu.memory_space<hbm>>
        %dma_start3A_634 = tpu.memref_slice %arg12[%select_n3A_607] : memref<4x!tpu.dma_semaphore, #tpu.memory_space<semaphore_mem>> -> memref<1x!tpu.dma_semaphore, #tpu.memory_space<semaphore_mem>>
        %dma_start3A_635 = tpu.memref_squeeze %dma_start3A_634 : memref<1x!tpu.dma_semaphore, #tpu.memory_space<semaphore_mem>> -> memref<!tpu.dma_semaphore, #tpu.memory_space<semaphore_mem>>
        tpu.enqueue_indirect_dma source(%dma_start3A_633 : memref<20000x32xbf16, #tpu.memory_space<hbm>>) target(%dma_start3A_627 : memref<80x32xbf16, #tpu.memory_space<vmem>>) offsets(%dma_start3A_630 : memref<80xi32, #tpu.memory_space<vmem>>) semaphore(%dma_start3A_635 : memref<!tpu.dma_semaphore, #tpu.memory_space<semaphore_mem>>)
      } else {
      }
      %jit3A = arith.constant 4 : i32
      %eq3A = arith.constant 0 : i32
      %eq3A_408 = arith.cmpi eq, %jit3A, %eq3A : i32
      %jit3A_409 = arith.constant 1 : i32
      %select_n3A = arith.select %eq3A_408, %jit3A_409, %jit3A : i32
      %rem3A = arith.remsi %scan3A_396, %select_n3A : i32
      %ne3A = arith.constant 0 : i32
      %ne3A_410 = arith.cmpi ne, %rem3A, %ne3A : i32
      %lt3A_411 = arith.constant 0 : i32
      %lt3A_412 = arith.cmpi slt, %rem3A, %lt3A_411 : i32
      %lt3A_413 = arith.constant 0 : i32
      %lt3A_414 = arith.cmpi slt, %select_n3A, %lt3A_413 : i32
      %ne3A_415 = arith.xori %lt3A_412, %lt3A_414 : i1
      %and3A = arith.andi %ne3A_415, %ne3A_410 : i1
      %add3A_416 = arith.addi %rem3A, %select_n3A : i32
      %select_n3A_417 = arith.select %and3A, %add3A_416, %rem3A : i32
      %jit3A_418 = arith.constant 8 : i32
      %eq3A_419 = arith.constant 0 : i32
      %eq3A_420 = arith.cmpi eq, %jit3A_418, %eq3A_419 : i32
      %jit3A_421 = arith.constant 1 : i32
      %select_n3A_422 = arith.select %eq3A_420, %jit3A_421, %jit3A_418 : i32
      %rem3A_423 = arith.remsi %scan3A_396, %select_n3A_422 : i32
      %ne3A_424 = arith.constant 0 : i32
      %ne3A_425 = arith.cmpi ne, %rem3A_423, %ne3A_424 : i32
      %lt3A_426 = arith.constant 0 : i32
      %lt3A_427 = arith.cmpi slt, %rem3A_423, %lt3A_426 : i32
      %lt3A_428 = arith.constant 0 : i32
      %lt3A_429 = arith.cmpi slt, %select_n3A_422, %lt3A_428 : i32
      %ne3A_430 = arith.xori %lt3A_427, %lt3A_429 : i1
      %and3A_431 = arith.andi %ne3A_430, %ne3A_425 : i1
      %add3A_432 = arith.addi %rem3A_423, %select_n3A_422 : i32
      %select_n3A_433 = arith.select %and3A_431, %add3A_432, %rem3A_423 : i32
      %dma_wait3A_434 = arith.constant 0 : i32
      %dma_wait3A_435 = arith.constant 0 : i32
      %dma_wait3A_436 = tpu.memref_slice %arg9[%select_n3A_417, %dma_wait3A_434, %dma_wait3A_435] : memref<4x80x32xbf16, #tpu.memory_space<vmem>> -> memref<1x80x32xbf16, #tpu.memory_space<vmem>>
      %dma_wait3A_437 = tpu.memref_squeeze %dma_wait3A_436 : memref<1x80x32xbf16, #tpu.memory_space<vmem>> -> memref<80x32xbf16, #tpu.memory_space<vmem>>
      %dma_wait3A_438 = arith.constant 0 : i32
      %dma_wait3A_439 = tpu.memref_slice %arg7[%select_n3A_433, %dma_wait3A_438] : memref<8x80xi32, #tpu.memory_space<vmem>> -> memref<1x80xi32, #tpu.memory_space<vmem>>
      %dma_wait3A_440 = tpu.memref_squeeze %dma_wait3A_439 : memref<1x80xi32, #tpu.memory_space<vmem>> -> memref<80xi32, #tpu.memory_space<vmem>>
      %dma_wait3A_441 = arith.constant 0 : i32
      %dma_wait3A_442 = arith.constant 0 : i32
      %dma_wait3A_443 = tpu.memref_slice %arg2[%dma_wait3A_441, %dma_wait3A_442] : memref<20000x32xbf16, #tpu.memory_space<hbm>> -> memref<20000x32xbf16, #tpu.memory_space<hbm>>
      %dma_wait3A_444 = tpu.memref_slice %arg12[%select_n3A_417] : memref<4x!tpu.dma_semaphore, #tpu.memory_space<semaphore_mem>> -> memref<1x!tpu.dma_semaphore, #tpu.memory_space<semaphore_mem>>
      %dma_wait3A_445 = tpu.memref_squeeze %dma_wait3A_444 : memref<1x!tpu.dma_semaphore, #tpu.memory_space<semaphore_mem>> -> memref<!tpu.dma_semaphore, #tpu.memory_space<semaphore_mem>>
      tpu.wait_indirect_dma semaphore(%dma_wait3A_445 : memref<!tpu.dma_semaphore, #tpu.memory_space<semaphore_mem>>) src(%dma_wait3A_443 : memref<20000x32xbf16, #tpu.memory_space<hbm>>) dst(%dma_wait3A_437 : memref<80x32xbf16, #tpu.memory_space<vmem>>)
      %jit3A_446 = arith.constant 4 : i32
      %eq3A_447 = arith.constant 0 : i32
      %eq3A_448 = arith.cmpi eq, %jit3A_446, %eq3A_447 : i32
      %jit3A_449 = arith.constant 1 : i32
      %select_n3A_450 = arith.select %eq3A_448, %jit3A_449, %jit3A_446 : i32
      %rem3A_451 = arith.remsi %scan3A_396, %select_n3A_450 : i32
      %ne3A_452 = arith.constant 0 : i32
      %ne3A_453 = arith.cmpi ne, %rem3A_451, %ne3A_452 : i32
      %lt3A_454 = arith.constant 0 : i32
      %lt3A_455 = arith.cmpi slt, %rem3A_451, %lt3A_454 : i32
      %lt3A_456 = arith.constant 0 : i32
      %lt3A_457 = arith.cmpi slt, %select_n3A_450, %lt3A_456 : i32
      %ne3A_458 = arith.xori %lt3A_455, %lt3A_457 : i1
      %and3A_459 = arith.andi %ne3A_458, %ne3A_453 : i1
      %add3A_460 = arith.addi %rem3A_451, %select_n3A_450 : i32
      %select_n3A_461 = arith.select %and3A_459, %add3A_460, %rem3A_451 : i32
      %jit3A_462 = arith.constant 8 : i32
      %eq3A_463 = arith.constant 0 : i32
      %eq3A_464 = arith.cmpi eq, %jit3A_462, %eq3A_463 : i32
      %jit3A_465 = arith.constant 1 : i32
      %select_n3A_466 = arith.select %eq3A_464, %jit3A_465, %jit3A_462 : i32
      %rem3A_467 = arith.remsi %scan3A_396, %select_n3A_466 : i32
      %ne3A_468 = arith.constant 0 : i32
      %ne3A_469 = arith.cmpi ne, %rem3A_467, %ne3A_468 : i32
      %lt3A_470 = arith.constant 0 : i32
      %lt3A_471 = arith.cmpi slt, %rem3A_467, %lt3A_470 : i32
      %lt3A_472 = arith.constant 0 : i32
      %lt3A_473 = arith.cmpi slt, %select_n3A_466, %lt3A_472 : i32
      %ne3A_474 = arith.xori %lt3A_471, %lt3A_473 : i1
      %and3A_475 = arith.andi %ne3A_474, %ne3A_469 : i1
      %add3A_476 = arith.addi %rem3A_467, %select_n3A_466 : i32
      %select_n3A_477 = arith.select %and3A_475, %add3A_476, %rem3A_467 : i32
      %dma_start3A_478 = arith.constant 0 : i32
      %dma_start3A_479 = arith.constant 0 : i32
      %dma_start3A_480 = tpu.memref_slice %arg9[%select_n3A_461, %dma_start3A_478, %dma_start3A_479] : memref<4x80x32xbf16, #tpu.memory_space<vmem>> -> memref<1x80x32xbf16, #tpu.memory_space<vmem>>
      %dma_start3A_481 = tpu.memref_squeeze %dma_start3A_480 : memref<1x80x32xbf16, #tpu.memory_space<vmem>> -> memref<80x32xbf16, #tpu.memory_space<vmem>>
      %dma_start3A_482 = arith.constant 0 : i32
      %dma_start3A_483 = tpu.memref_slice %arg8[%select_n3A_477, %dma_start3A_482] : memref<8x80xi32, #tpu.memory_space<vmem>> -> memref<1x80xi32, #tpu.memory_space<vmem>>
      %dma_start3A_484 = tpu.memref_squeeze %dma_start3A_483 : memref<1x80xi32, #tpu.memory_space<vmem>> -> memref<80xi32, #tpu.memory_space<vmem>>
      %dma_start3A_485 = arith.constant 0 : i32
      %dma_start3A_486 = arith.constant 0 : i32
      %dma_start3A_487 = tpu.memref_slice %arg10[%dma_start3A_485, %dma_start3A_486] : memref<10000x32xbf16, #tpu.memory_space<vmem_shared>> -> memref<10000x32xbf16, #tpu.memory_space<vmem_shared>>
      %dma_start3A_488 = tpu.memref_slice %arg13[%select_n3A_461] : memref<4x!tpu.dma_semaphore, #tpu.memory_space<semaphore_mem>> -> memref<1x!tpu.dma_semaphore, #tpu.memory_space<semaphore_mem>>
      %dma_start3A_489 = tpu.memref_squeeze %dma_start3A_488 : memref<1x!tpu.dma_semaphore, #tpu.memory_space<semaphore_mem>> -> memref<!tpu.dma_semaphore, #tpu.memory_space<semaphore_mem>>
      tpu.enqueue_indirect_dma source(%dma_start3A_481 : memref<80x32xbf16, #tpu.memory_space<vmem>>) target(%dma_start3A_487 : memref<10000x32xbf16, #tpu.memory_space<vmem_shared>>) offsets(%dma_start3A_484 : memref<80xi32, #tpu.memory_space<vmem>>) semaphore(%dma_start3A_489 : memref<!tpu.dma_semaphore, #tpu.memory_space<semaphore_mem>>) {add = true}
    }
    %scan3A_327 = arith.constant 250 : i32
    %dma_wait3A_328 = arith.constant 2 : i32
    %dma_wait3A_329 = arith.constant 6 : i32
    %dma_wait3A_330 = arith.constant 2 : i32
    %dma_wait3A_331 = arith.constant 0 : i32
    %dma_wait3A_332 = arith.constant 0 : i32
    %dma_wait3A_333 = tpu.memref_slice %arg9[%dma_wait3A_328, %dma_wait3A_331, %dma_wait3A_332] : memref<4x80x32xbf16, #tpu.memory_space<vmem>> -> memref<1x80x32xbf16, #tpu.memory_space<vmem>>
    %dma_wait3A_334 = tpu.memref_squeeze %dma_wait3A_333 : memref<1x80x32xbf16, #tpu.memory_space<vmem>> -> memref<80x32xbf16, #tpu.memory_space<vmem>>
    %dma_wait3A_335 = arith.constant 0 : i32
    %dma_wait3A_336 = tpu.memref_slice %arg8[%dma_wait3A_329, %dma_wait3A_335] : memref<8x80xi32, #tpu.memory_space<vmem>> -> memref<1x80xi32, #tpu.memory_space<vmem>>
    %dma_wait3A_337 = tpu.memref_squeeze %dma_wait3A_336 : memref<1x80xi32, #tpu.memory_space<vmem>> -> memref<80xi32, #tpu.memory_space<vmem>>
    %dma_wait3A_338 = arith.constant 0 : i32
    %dma_wait3A_339 = arith.constant 0 : i32
    %dma_wait3A_340 = tpu.memref_slice %arg10[%dma_wait3A_338, %dma_wait3A_339] : memref<10000x32xbf16, #tpu.memory_space<vmem_shared>> -> memref<10000x32xbf16, #tpu.memory_space<vmem_shared>>
    %dma_wait3A_341 = tpu.memref_slice %arg13[%dma_wait3A_330] : memref<4x!tpu.dma_semaphore, #tpu.memory_space<semaphore_mem>> -> memref<1x!tpu.dma_semaphore, #tpu.memory_space<semaphore_mem>>
    %dma_wait3A_342 = tpu.memref_squeeze %dma_wait3A_341 : memref<1x!tpu.dma_semaphore, #tpu.memory_space<semaphore_mem>> -> memref<!tpu.dma_semaphore, #tpu.memory_space<semaphore_mem>>
    tpu.wait_indirect_dma semaphore(%dma_wait3A_342 : memref<!tpu.dma_semaphore, #tpu.memory_space<semaphore_mem>>) src(%dma_wait3A_334 : memref<80x32xbf16, #tpu.memory_space<vmem>>) dst(%dma_wait3A_340 : memref<10000x32xbf16, #tpu.memory_space<vmem_shared>>)
    %dma_wait3A_343 = arith.constant 3 : i32
    %dma_wait3A_344 = arith.constant 7 : i32
    %dma_wait3A_345 = arith.constant 3 : i32
    %dma_wait3A_346 = arith.constant 0 : i32
    %dma_wait3A_347 = arith.constant 0 : i32
    %dma_wait3A_348 = tpu.memref_slice %arg9[%dma_wait3A_343, %dma_wait3A_346, %dma_wait3A_347] : memref<4x80x32xbf16, #tpu.memory_space<vmem>> -> memref<1x80x32xbf16, #tpu.memory_space<vmem>>
    %dma_wait3A_349 = tpu.memref_squeeze %dma_wait3A_348 : memref<1x80x32xbf16, #tpu.memory_space<vmem>> -> memref<80x32xbf16, #tpu.memory_space<vmem>>
    %dma_wait3A_350 = arith.constant 0 : i32
    %dma_wait3A_351 = tpu.memref_slice %arg8[%dma_wait3A_344, %dma_wait3A_350] : memref<8x80xi32, #tpu.memory_space<vmem>> -> memref<1x80xi32, #tpu.memory_space<vmem>>
    %dma_wait3A_352 = tpu.memref_squeeze %dma_wait3A_351 : memref<1x80xi32, #tpu.memory_space<vmem>> -> memref<80xi32, #tpu.memory_space<vmem>>
    %dma_wait3A_353 = arith.constant 0 : i32
    %dma_wait3A_354 = arith.constant 0 : i32
    %dma_wait3A_355 = tpu.memref_slice %arg10[%dma_wait3A_353, %dma_wait3A_354] : memref<10000x32xbf16, #tpu.memory_space<vmem_shared>> -> memref<10000x32xbf16, #tpu.memory_space<vmem_shared>>
    %dma_wait3A_356 = tpu.memref_slice %arg13[%dma_wait3A_345] : memref<4x!tpu.dma_semaphore, #tpu.memory_space<semaphore_mem>> -> memref<1x!tpu.dma_semaphore, #tpu.memory_space<semaphore_mem>>
    %dma_wait3A_357 = tpu.memref_squeeze %dma_wait3A_356 : memref<1x!tpu.dma_semaphore, #tpu.memory_space<semaphore_mem>> -> memref<!tpu.dma_semaphore, #tpu.memory_space<semaphore_mem>>
    tpu.wait_indirect_dma semaphore(%dma_wait3A_357 : memref<!tpu.dma_semaphore, #tpu.memory_space<semaphore_mem>>) src(%dma_wait3A_349 : memref<80x32xbf16, #tpu.memory_space<vmem>>) dst(%dma_wait3A_355 : memref<10000x32xbf16, #tpu.memory_space<vmem_shared>>)
    %dma_wait3A_358 = arith.constant 0 : i32
    %dma_wait3A_359 = arith.constant 0 : i32
    %dma_wait3A_360 = arith.constant 0 : i32
    %dma_wait3A_361 = arith.constant 0 : i32
    %dma_wait3A_362 = arith.constant 0 : i32
    %dma_wait3A_363 = tpu.memref_slice %arg9[%dma_wait3A_358, %dma_wait3A_361, %dma_wait3A_362] : memref<4x80x32xbf16, #tpu.memory_space<vmem>> -> memref<1x80x32xbf16, #tpu.memory_space<vmem>>
    %dma_wait3A_364 = tpu.memref_squeeze %dma_wait3A_363 : memref<1x80x32xbf16, #tpu.memory_space<vmem>> -> memref<80x32xbf16, #tpu.memory_space<vmem>>
    %dma_wait3A_365 = arith.constant 0 : i32
    %dma_wait3A_366 = tpu.memref_slice %arg8[%dma_wait3A_359, %dma_wait3A_365] : memref<8x80xi32, #tpu.memory_space<vmem>> -> memref<1x80xi32, #tpu.memory_space<vmem>>
    %dma_wait3A_367 = tpu.memref_squeeze %dma_wait3A_366 : memref<1x80xi32, #tpu.memory_space<vmem>> -> memref<80xi32, #tpu.memory_space<vmem>>
    %dma_wait3A_368 = arith.constant 0 : i32
    %dma_wait3A_369 = arith.constant 0 : i32
    %dma_wait3A_370 = tpu.memref_slice %arg10[%dma_wait3A_368, %dma_wait3A_369] : memref<10000x32xbf16, #tpu.memory_space<vmem_shared>> -> memref<10000x32xbf16, #tpu.memory_space<vmem_shared>>
    %dma_wait3A_371 = tpu.memref_slice %arg13[%dma_wait3A_360] : memref<4x!tpu.dma_semaphore, #tpu.memory_space<semaphore_mem>> -> memref<1x!tpu.dma_semaphore, #tpu.memory_space<semaphore_mem>>
    %dma_wait3A_372 = tpu.memref_squeeze %dma_wait3A_371 : memref<1x!tpu.dma_semaphore, #tpu.memory_space<semaphore_mem>> -> memref<!tpu.dma_semaphore, #tpu.memory_space<semaphore_mem>>
    tpu.wait_indirect_dma semaphore(%dma_wait3A_372 : memref<!tpu.dma_semaphore, #tpu.memory_space<semaphore_mem>>) src(%dma_wait3A_364 : memref<80x32xbf16, #tpu.memory_space<vmem>>) dst(%dma_wait3A_370 : memref<10000x32xbf16, #tpu.memory_space<vmem_shared>>)
    %dma_wait3A_373 = arith.constant 1 : i32
    %dma_wait3A_374 = arith.constant 1 : i32
    %dma_wait3A_375 = arith.constant 1 : i32
    %dma_wait3A_376 = arith.constant 0 : i32
    %dma_wait3A_377 = arith.constant 0 : i32
    %dma_wait3A_378 = tpu.memref_slice %arg9[%dma_wait3A_373, %dma_wait3A_376, %dma_wait3A_377] : memref<4x80x32xbf16, #tpu.memory_space<vmem>> -> memref<1x80x32xbf16, #tpu.memory_space<vmem>>
    %dma_wait3A_379 = tpu.memref_squeeze %dma_wait3A_378 : memref<1x80x32xbf16, #tpu.memory_space<vmem>> -> memref<80x32xbf16, #tpu.memory_space<vmem>>
    %dma_wait3A_380 = arith.constant 0 : i32
    %dma_wait3A_381 = tpu.memref_slice %arg8[%dma_wait3A_374, %dma_wait3A_380] : memref<8x80xi32, #tpu.memory_space<vmem>> -> memref<1x80xi32, #tpu.memory_space<vmem>>
    %dma_wait3A_382 = tpu.memref_squeeze %dma_wait3A_381 : memref<1x80xi32, #tpu.memory_space<vmem>> -> memref<80xi32, #tpu.memory_space<vmem>>
    %dma_wait3A_383 = arith.constant 0 : i32
    %dma_wait3A_384 = arith.constant 0 : i32
    %dma_wait3A_385 = tpu.memref_slice %arg10[%dma_wait3A_383, %dma_wait3A_384] : memref<10000x32xbf16, #tpu.memory_space<vmem_shared>> -> memref<10000x32xbf16, #tpu.memory_space<vmem_shared>>
    %dma_wait3A_386 = tpu.memref_slice %arg13[%dma_wait3A_375] : memref<4x!tpu.dma_semaphore, #tpu.memory_space<semaphore_mem>> -> memref<1x!tpu.dma_semaphore, #tpu.memory_space<semaphore_mem>>
    %dma_wait3A_387 = tpu.memref_squeeze %dma_wait3A_386 : memref<1x!tpu.dma_semaphore, #tpu.memory_space<semaphore_mem>> -> memref<!tpu.dma_semaphore, #tpu.memory_space<semaphore_mem>>
    tpu.wait_indirect_dma semaphore(%dma_wait3A_387 : memref<!tpu.dma_semaphore, #tpu.memory_space<semaphore_mem>>) src(%dma_wait3A_379 : memref<80x32xbf16, #tpu.memory_space<vmem>>) dst(%dma_wait3A_385 : memref<10000x32xbf16, #tpu.memory_space<vmem_shared>>)
    %barrier3A_388 = arith.constant 0 : index
    tpu.barrier barrier_id(%barrier3A_388)
    %mul3A_389 = arith.constant 625 : i32
    %mul3A_390 = arith.muli %arg1, %mul3A_389 : i32
    %mul3A_391 = arith.constant 10000 : i32
    %mul3A_392 = arith.muli %arg0, %mul3A_391 : i32
    %mul3A_393 = arith.constant 625 : i32
    %mul3A_394 = arith.muli %arg1, %mul3A_393 : i32
    %add3A_395 = arith.addi %mul3A_392, %mul3A_394 : i32
    "tpu.region"() ({
      %run_scoped3A = tpu.sem_alloc : memref<!tpu.dma_semaphore, #tpu.memory_space<semaphore_mem>>
      %dma_start3A_396 = arith.constant 0 : i32
      %dma_start3A_397 = tpu.memref_slice %arg6[%add3A_395, %dma_start3A_396] : memref<20000x32xbf16, #tpu.memory_space<hbm>> -> memref<625x32xbf16, #tpu.memory_space<hbm>>
      %dma_start3A_398 = arith.constant 0 : i32
      %dma_start3A_399 = tpu.memref_slice %arg10[%mul3A_390, %dma_start3A_398] : memref<10000x32xbf16, #tpu.memory_space<vmem_shared>> -> memref<625x32xbf16, #tpu.memory_space<vmem_shared>>
      tpu.enqueue_dma source(%dma_start3A_399 : memref<625x32xbf16, #tpu.memory_space<vmem_shared>>) target(%dma_start3A_397 : memref<625x32xbf16, #tpu.memory_space<hbm>>) target_semaphore(%run_scoped3A : memref<!tpu.dma_semaphore, #tpu.memory_space<semaphore_mem>>)
      %dma_wait3A_400 = arith.constant 0 : i32
      %dma_wait3A_401 = tpu.memref_slice %arg6[%add3A_395, %dma_wait3A_400] : memref<20000x32xbf16, #tpu.memory_space<hbm>> -> memref<625x32xbf16, #tpu.memory_space<hbm>>
      %dma_wait3A_402 = arith.constant 0 : i32
      %dma_wait3A_403 = tpu.memref_slice %arg10[%mul3A_390, %dma_wait3A_402] : memref<10000x32xbf16, #tpu.memory_space<vmem_shared>> -> memref<625x32xbf16, #tpu.memory_space<vmem_shared>>
      tpu.wait_dma2 semaphore(%run_scoped3A : memref<!tpu.dma_semaphore, #tpu.memory_space<semaphore_mem>>) src(%dma_wait3A_403 : memref<625x32xbf16, #tpu.memory_space<vmem_shared>>) dst(%dma_wait3A_401 : memref<625x32xbf16, #tpu.memory_space<hbm>>)
      tpu.yield
    }) : () -> ()
    return
  }
}

module attributes {stable_mosaic.version = 14 : i64} {
  func.func @_mm_scale_body(%arg0: i32, %arg1: memref<2000x16xf32, #tpu.memory_space<vmem>>, %arg2: memref<2000x128xf32, #tpu.memory_space<vmem>>, %arg3: memref<2000x128xf32, #tpu.memory_space<vmem>>, %arg4: memref<128x64xf32, #tpu.memory_space<vmem>>, %arg5: memref<2000x64xbf16, #tpu.memory_space<vmem>>) attributes {dimension_semantics = [#tpu.dimension_semantics<arbitrary>], iteration_bounds = array<i64: 10>, scalar_prefetch = 0 : i64, scratch_operands = 0 : i64, tpu.core_type = #tpu.core_type<tc>, window_params = [{transform_indices = @transform_0, window_bounds = array<i64: 2000, 16>}, {transform_indices = @transform_1, window_bounds = array<i64: 2000, 128>}, {transform_indices = @transform_2, window_bounds = array<i64: 2000, 128>}, {pipeline_mode = #tpu.pipeline_mode<synchronous>, transform_indices = @transform_3, window_bounds = array<i64: 128, 64>}, {transform_indices = @transform_4, window_bounds = array<i64: 2000, 64>}]} {
    %get3A = arith.constant 0 : index
    %get3A_0 = arith.constant 0 : index
    %get3A_1 = vector.load %arg1[%get3A, %get3A_0] : memref<2000x16xf32, #tpu.memory_space<vmem>>, vector<2000x1xf32>
    %add3A = arith.constant 1.000000e+00 : f32
    %add3A_2 = vector.broadcast %add3A : f32 to vector<2000x1xf32>
    %add3A_3 = arith.addf %get3A_1, %add3A_2 : vector<2000x1xf32>
    %rsqrt3A = math.rsqrt %add3A_3 : vector<2000x1xf32>
    %lt3A = arith.constant 5 : i32
    %lt3A_4 = arith.cmpi slt, %arg0, %lt3A : i32
    %get3A_5 = arith.constant 0 : index
    %get3A_6 = arith.constant 0 : index
    %get3A_7 = vector.load %arg2[%get3A_5, %get3A_6] : memref<2000x128xf32, #tpu.memory_space<vmem>>, vector<2000x128xf32>
    %get3A_8 = arith.constant 0 : index
    %get3A_9 = arith.constant 0 : index
    %get3A_10 = vector.load %arg3[%get3A_8, %get3A_9] : memref<2000x128xf32, #tpu.memory_space<vmem>>, vector<2000x128xf32>
    %select_n3A = arith.select %lt3A_4, %get3A_7, %get3A_10 : vector<2000x128xf32>
    %get3A_11 = arith.constant 0 : index
    %get3A_12 = arith.constant 0 : index
    %get3A_13 = vector.load %arg4[%get3A_11, %get3A_12] : memref<128x64xf32, #tpu.memory_space<vmem>>, vector<128x64xf32>
    %dot_general3A = arith.constant dense<0.000000e+00> : vector<2000x64xf32>
    %dot_general3A_14 = tpu.matmul %select_n3A, %get3A_13, %dot_general3A {dimension_numbers = #tpu.dot_dimension_numbers<[1], [0], [0], [1], [0, 0, 1, 1], [], []>, transpose_lhs_hint = false} : vector<2000x128xf32>, vector<128x64xf32>, vector<2000x64xf32> -> vector<2000x64xf32>
    %mul3A = vector.broadcast %rsqrt3A : vector<2000x1xf32> to vector<2000x64xf32>
    %mul3A_15 = arith.mulf %dot_general3A_14, %mul3A : vector<2000x64xf32>
    %convert_element_type3A = arith.truncf %mul3A_15 : vector<2000x64xf32> to vector<2000x64xbf16>
    %swap3A = arith.constant 0 : index
    %swap3A_16 = arith.constant 0 : index
    %swap3A_17 = vector.load %arg5[%swap3A, %swap3A_16] : memref<2000x64xbf16, #tpu.memory_space<vmem>>, vector<2000x64xbf16>
    tpu.vector_store %arg5[%swap3A, %swap3A_16], %convert_element_type3A {strides = array<i32>} : memref<2000x64xbf16, #tpu.memory_space<vmem>>, vector<2000x64xbf16>,
    return
  }
  func.func @transform_0(%arg0: i32) -> (i32, i32) {
    %c0_i32 = arith.constant 0 : i32
    %c0_i32_0 = arith.constant 0 : i32
    return %arg0, %c0_i32 : i32, i32
  }
  func.func @transform_1(%arg0: i32) -> (i32, i32) {
    %jit3A = arith.constant 5 : i32
    %eq3A = arith.constant 0 : i32
    %eq3A_0 = arith.cmpi eq, %jit3A, %eq3A : i32
    %jit3A_1 = arith.constant 1 : i32
    %select_n3A = arith.select %eq3A_0, %jit3A_1, %jit3A : i32
    %rem3A = arith.remsi %arg0, %select_n3A : i32
    %ne3A = arith.constant 0 : i32
    %ne3A_2 = arith.cmpi ne, %rem3A, %ne3A : i32
    %lt3A = arith.constant 0 : i32
    %lt3A_3 = arith.cmpi slt, %rem3A, %lt3A : i32
    %lt3A_4 = arith.constant 0 : i32
    %lt3A_5 = arith.cmpi slt, %select_n3A, %lt3A_4 : i32
    %ne3A_6 = arith.xori %lt3A_3, %lt3A_5 : i1
    %and3A = arith.andi %ne3A_6, %ne3A_2 : i1
    %add3A = arith.addi %rem3A, %select_n3A : i32
    %select_n3A_7 = arith.select %and3A, %add3A, %rem3A : i32
    %c0_i32 = arith.constant 0 : i32
    %c0_i32_8 = arith.constant 0 : i32
    return %select_n3A_7, %c0_i32 : i32, i32
  }
  func.func @transform_2(%arg0: i32) -> (i32, i32) {
    %jit3A = arith.constant 5 : i32
    %eq3A = arith.constant 0 : i32
    %eq3A_0 = arith.cmpi eq, %jit3A, %eq3A : i32
    %jit3A_1 = arith.constant 1 : i32
    %select_n3A = arith.select %eq3A_0, %jit3A_1, %jit3A : i32
    %rem3A = arith.remsi %arg0, %select_n3A : i32
    %ne3A = arith.constant 0 : i32
    %ne3A_2 = arith.cmpi ne, %rem3A, %ne3A : i32
    %lt3A = arith.constant 0 : i32
    %lt3A_3 = arith.cmpi slt, %rem3A, %lt3A : i32
    %lt3A_4 = arith.constant 0 : i32
    %lt3A_5 = arith.cmpi slt, %select_n3A, %lt3A_4 : i32
    %ne3A_6 = arith.xori %lt3A_3, %lt3A_5 : i1
    %and3A = arith.andi %ne3A_6, %ne3A_2 : i1
    %add3A = arith.addi %rem3A, %select_n3A : i32
    %select_n3A_7 = arith.select %and3A, %add3A, %rem3A : i32
    %c0_i32 = arith.constant 0 : i32
    %c0_i32_8 = arith.constant 0 : i32
    return %select_n3A_7, %c0_i32 : i32, i32
  }
  func.func @transform_3(%arg0: i32) -> (i32, i32) {
    %c0_i32 = arith.constant 0 : i32
    %c0_i32_0 = arith.constant 0 : i32
    %c0_i32_1 = arith.constant 0 : i32
    return %c0_i32, %c0_i32_0 : i32, i32
  }
  func.func @transform_4(%arg0: i32) -> (i32, i32) {
    %c0_i32 = arith.constant 0 : i32
    %c0_i32_0 = arith.constant 0 : i32
    return %arg0, %c0_i32 : i32, i32
  }
}

module attributes {stable_mosaic.version = 14 : i64} {
  func.func @_layer_mm_body(%arg0: i32, %arg1: memref<2000x16xf32, #tpu.memory_space<vmem>>, %arg2: memref<2000x64xbf16, #tpu.memory_space<vmem>>, %arg3: memref<2000x64xbf16, #tpu.memory_space<vmem>>, %arg4: memref<64x32xf32, #tpu.memory_space<vmem>>, %arg5: memref<2000x32xbf16, #tpu.memory_space<vmem>>) attributes {dimension_semantics = [#tpu.dimension_semantics<arbitrary>], iteration_bounds = array<i64: 10>, scalar_prefetch = 0 : i64, scratch_operands = 0 : i64, tpu.core_type = #tpu.core_type<tc>, window_params = [{transform_indices = @transform_0, window_bounds = array<i64: 2000, 16>}, {transform_indices = @transform_1, window_bounds = array<i64: 2000, 64>}, {transform_indices = @transform_2, window_bounds = array<i64: 2000, 64>}, {pipeline_mode = #tpu.pipeline_mode<synchronous>, transform_indices = @transform_3, window_bounds = array<i64: 64, 32>}, {transform_indices = @transform_4, window_bounds = array<i64: 2000, 32>}]} {
    %get3A = arith.constant 0 : index
    %get3A_0 = arith.constant 0 : index
    %get3A_1 = vector.load %arg1[%get3A, %get3A_0] : memref<2000x16xf32, #tpu.memory_space<vmem>>, vector<2000x1xf32>
    %add3A = arith.constant 1.000000e+00 : f32
    %add3A_2 = vector.broadcast %add3A : f32 to vector<2000x1xf32>
    %add3A_3 = arith.addf %get3A_1, %add3A_2 : vector<2000x1xf32>
    %rsqrt3A = math.rsqrt %add3A_3 : vector<2000x1xf32>
    %get3A_4 = arith.constant 0 : index
    %get3A_5 = arith.constant 0 : index
    %get3A_6 = vector.load %arg2[%get3A_4, %get3A_5] : memref<2000x64xbf16, #tpu.memory_space<vmem>>, vector<2000x64xbf16>
    %convert_element_type3A = arith.extf %get3A_6 : vector<2000x64xbf16> to vector<2000x64xf32>
    %get3A_7 = arith.constant 0 : index
    %get3A_8 = arith.constant 0 : index
    %get3A_9 = vector.load %arg3[%get3A_7, %get3A_8] : memref<2000x64xbf16, #tpu.memory_space<vmem>>, vector<2000x64xbf16>
    %convert_element_type3A_10 = arith.extf %get3A_9 : vector<2000x64xbf16> to vector<2000x64xf32>
    %add3A_11 = arith.addf %convert_element_type3A, %convert_element_type3A_10 : vector<2000x64xf32>
    %mul3A = vector.broadcast %rsqrt3A : vector<2000x1xf32> to vector<2000x64xf32>
    %mul3A_12 = arith.mulf %mul3A, %add3A_11 : vector<2000x64xf32>
    %max3A = arith.constant 0.000000e+00 : f32
    %max3A_13 = vector.broadcast %max3A : f32 to vector<2000x64xf32>
    %max3A_14 = arith.maximumf %mul3A_12, %max3A_13 : vector<2000x64xf32>
    %get3A_15 = arith.constant 0 : index
    %get3A_16 = arith.constant 0 : index
    %get3A_17 = vector.load %arg4[%get3A_15, %get3A_16] : memref<64x32xf32, #tpu.memory_space<vmem>>, vector<64x32xf32>
    %dot_general3A = arith.constant dense<0.000000e+00> : vector<2000x32xf32>
    %dot_general3A_18 = tpu.matmul %max3A_14, %get3A_17, %dot_general3A {dimension_numbers = #tpu.dot_dimension_numbers<[1], [0], [0], [1], [0, 0, 1, 1], [], []>, transpose_lhs_hint = false} : vector<2000x64xf32>, vector<64x32xf32>, vector<2000x32xf32> -> vector<2000x32xf32>
    %mul3A_19 = vector.broadcast %rsqrt3A : vector<2000x1xf32> to vector<2000x32xf32>
    %mul3A_20 = arith.mulf %dot_general3A_18, %mul3A_19 : vector<2000x32xf32>
    %convert_element_type3A_21 = arith.truncf %mul3A_20 : vector<2000x32xf32> to vector<2000x32xbf16>
    %swap3A = arith.constant 0 : index
    %swap3A_22 = arith.constant 0 : index
    %swap3A_23 = vector.load %arg5[%swap3A, %swap3A_22] : memref<2000x32xbf16, #tpu.memory_space<vmem>>, vector<2000x32xbf16>
    tpu.vector_store %arg5[%swap3A, %swap3A_22], %convert_element_type3A_21 {strides = array<i32>} : memref<2000x32xbf16, #tpu.memory_space<vmem>>, vector<2000x32xbf16>,
    return
  }
  func.func @transform_0(%arg0: i32) -> (i32, i32) {
    %c0_i32 = arith.constant 0 : i32
    %c0_i32_0 = arith.constant 0 : i32
    return %arg0, %c0_i32 : i32, i32
  }
  func.func @transform_1(%arg0: i32) -> (i32, i32) {
    %c0_i32 = arith.constant 0 : i32
    %c0_i32_0 = arith.constant 0 : i32
    return %arg0, %c0_i32 : i32, i32
  }
  func.func @transform_2(%arg0: i32) -> (i32, i32) {
    %c0_i32 = arith.constant 0 : i32
    %c0_i32_0 = arith.constant 0 : i32
    return %arg0, %c0_i32 : i32, i32
  }
  func.func @transform_3(%arg0: i32) -> (i32, i32) {
    %c0_i32 = arith.constant 0 : i32
    %c0_i32_0 = arith.constant 0 : i32
    %c0_i32_1 = arith.constant 0 : i32
    return %c0_i32, %c0_i32_0 : i32, i32
  }
  func.func @transform_4(%arg0: i32) -> (i32, i32) {
    %c0_i32 = arith.constant 0 : i32
    %c0_i32_0 = arith.constant 0 : i32
    return %arg0, %c0_i32 : i32, i32
  }
}

module attributes {stable_mosaic.version = 14 : i64} {
  func.func @_finish_ntn_body(%arg0: i32, %arg1: memref<2000x16xf32, #tpu.memory_space<vmem>>, %arg2: memref<2000x32xbf16, #tpu.memory_space<vmem>>, %arg3: memref<2000x32xbf16, #tpu.memory_space<vmem>>, %arg4: memref<16x32x32xf32, #tpu.memory_space<vmem>>, %arg5: memref<64x16xf32, #tpu.memory_space<vmem>>, %arg6: memref<1x16xf32, #tpu.memory_space<vmem>>, %arg7: memref<1x16xf32, #tpu.memory_space<vmem>>, %arg8: memref<1x1xf32, #tpu.memory_space<vmem>>, %arg9: memref<1x1xf32, #tpu.memory_space<vmem>>, %arg10: memref<8x32xf32, #tpu.memory_space<vmem>>) attributes {dimension_semantics = [#tpu.dimension_semantics<arbitrary>], iteration_bounds = array<i64: 10>, scalar_prefetch = 0 : i64, scratch_operands = 1 : i64, tpu.core_type = #tpu.core_type<tc>, window_params = [{transform_indices = @transform_0, window_bounds = array<i64: 2000, 16>}, {transform_indices = @transform_1, window_bounds = array<i64: 2000, 32>}, {transform_indices = @transform_2, window_bounds = array<i64: 2000, 32>}, {pipeline_mode = #tpu.pipeline_mode<synchronous>, transform_indices = @transform_3, window_bounds = array<i64: 16, 32, 32>}, {pipeline_mode = #tpu.pipeline_mode<synchronous>, transform_indices = @transform_4, window_bounds = array<i64: 64, 16>}, {pipeline_mode = #tpu.pipeline_mode<synchronous>, transform_indices = @transform_5, window_bounds = array<i64: 1, 16>}, {pipeline_mode = #tpu.pipeline_mode<synchronous>, transform_indices = @transform_6, window_bounds = array<i64: 1, 16>}, {pipeline_mode = #tpu.pipeline_mode<synchronous>, transform_indices = @transform_7, window_bounds = array<i64: 1, 1>}, {pipeline_mode = #tpu.pipeline_mode<synchronous>, transform_indices = @transform_8, window_bounds = array<i64: 1, 1>}]} {
    %get3A = arith.constant 0 : index
    %get3A_0 = arith.constant 0 : index
    %get3A_1 = vector.load %arg1[%get3A, %get3A_0] : memref<2000x16xf32, #tpu.memory_space<vmem>>, vector<2000x1xf32>
    %add3A = arith.constant 1.000000e+00 : f32
    %add3A_2 = vector.broadcast %add3A : f32 to vector<2000x1xf32>
    %add3A_3 = arith.addf %get3A_1, %add3A_2 : vector<2000x1xf32>
    %rsqrt3A = math.rsqrt %add3A_3 : vector<2000x1xf32>
    %get3A_4 = arith.constant 0 : index
    %get3A_5 = arith.constant 0 : index
    %get3A_6 = vector.load %arg2[%get3A_4, %get3A_5] : memref<2000x32xbf16, #tpu.memory_space<vmem>>, vector<2000x32xbf16>
    %convert_element_type3A = arith.extf %get3A_6 : vector<2000x32xbf16> to vector<2000x32xf32>
    %get3A_7 = arith.constant 0 : index
    %get3A_8 = arith.constant 0 : index
    %get3A_9 = vector.load %arg3[%get3A_7, %get3A_8] : memref<2000x32xbf16, #tpu.memory_space<vmem>>, vector<2000x32xbf16>
    %convert_element_type3A_10 = arith.extf %get3A_9 : vector<2000x32xbf16> to vector<2000x32xf32>
    %add3A_11 = arith.addf %convert_element_type3A, %convert_element_type3A_10 : vector<2000x32xf32>
    %mul3A = vector.broadcast %rsqrt3A : vector<2000x1xf32> to vector<2000x32xf32>
    %mul3A_12 = arith.mulf %mul3A, %add3A_11 : vector<2000x32xf32>
    %max3A = arith.constant 0.000000e+00 : f32
    %max3A_13 = vector.broadcast %max3A : f32 to vector<2000x32xf32>
    %max3A_14 = arith.maximumf %mul3A_12, %max3A_13 : vector<2000x32xf32>
    %reduce_sum3A = arith.constant dense<0.000000e+00> : vector<32xf32>
    %reduce_sum3A_15 = vector.multi_reduction <add>, %max3A_14, %reduce_sum3A [0] : vector<2000x32xf32> to vector<32xf32>
    %broadcast_in_dim3A = vector.shape_cast %reduce_sum3A_15 : vector<32xf32> to vector<1x32xf32>
    %eq3A = arith.constant 0 : i32
    %eq3A_16 = arith.cmpi eq, %arg0, %eq3A : i32
    %convert_element_type3A_17 = arith.extui %eq3A_16 : i1 to i32
    %cond3A = arith.constant 0 : i32
    %cond3A_18 = arith.cmpi ne, %convert_element_type3A_17, %cond3A : i32
    scf.if %cond3A_18 {
      %broadcast_in_dim3A_46 = arith.constant 0.000000e+00 : f32
      %broadcast_in_dim3A_47 = vector.broadcast %broadcast_in_dim3A_46 : f32 to vector<8x32xf32>
      %swap3A_48 = arith.constant 0 : index
      %swap3A_49 = arith.constant 0 : index
      %swap3A_50 = vector.load %arg10[%swap3A_48, %swap3A_49] : memref<8x32xf32, #tpu.memory_space<vmem>>, vector<8x32xf32>
      tpu.vector_store %arg10[%swap3A_48, %swap3A_49], %broadcast_in_dim3A_47 {strides = array<i32>} : memref<8x32xf32, #tpu.memory_space<vmem>>, vector<8x32xf32>,
    } else {
    }
    %jit3A = arith.constant 5 : i32
    %div3A = arith.divsi %arg0, %jit3A : i32
    %sign3A = arith.constant 0 : i32
    %sign3A_19 = arith.cmpi sgt, %arg0, %sign3A : i32
    %sign3A_20 = arith.extui %sign3A_19 : i1 to i32
    %sign3A_21 = arith.constant 0 : i32
    %sign3A_22 = arith.cmpi slt, %arg0, %sign3A_21 : i32
    %sign3A_23 = arith.extui %sign3A_22 : i1 to i32
    %sign3A_24 = arith.subi %sign3A_20, %sign3A_23 : i32
    %sign3A_25 = arith.constant 0 : i32
    %sign3A_26 = arith.cmpi sgt, %jit3A, %sign3A_25 : i32
    %sign3A_27 = arith.extui %sign3A_26 : i1 to i32
    %sign3A_28 = arith.constant 0 : i32
    %sign3A_29 = arith.cmpi slt, %jit3A, %sign3A_28 : i32
    %sign3A_30 = arith.extui %sign3A_29 : i1 to i32
    %sign3A_31 = arith.subi %sign3A_27, %sign3A_30 : i32
    %ne3A = arith.cmpi ne, %sign3A_24, %sign3A_31 : i32
    %rem3A = arith.remsi %arg0, %jit3A : i32
    %ne3A_32 = arith.constant 0 : i32
    %ne3A_33 = arith.cmpi ne, %rem3A, %ne3A_32 : i32
    %and3A = arith.andi %ne3A, %ne3A_33 : i1
    %sub3A = arith.constant 1 : i32
    %sub3A_34 = arith.subi %div3A, %sub3A : i32
    %select_n3A = arith.select %and3A, %sub3A_34, %div3A : i32
    %get3A_35 = arith.index_cast %select_n3A : i32 to index
    %get3A_36 = arith.constant 0 : index
    %get3A_37 = vector.load %arg10[%get3A_35, %get3A_36] : memref<8x32xf32, #tpu.memory_space<vmem>>, vector<1x32xf32>
    %add3A_38 = arith.addf %get3A_37, %broadcast_in_dim3A : vector<1x32xf32>
    %swap3A = arith.index_cast %select_n3A : i32 to index
    %swap3A_39 = arith.constant 0 : index
    %swap3A_40 = vector.load %arg10[%swap3A, %swap3A_39] : memref<8x32xf32, #tpu.memory_space<vmem>>, vector<1x32xf32>
    tpu.vector_store %arg10[%swap3A, %swap3A_39], %add3A_38 {strides = array<i32>} : memref<8x32xf32, #tpu.memory_space<vmem>>, vector<1x32xf32>,
    %eq3A_41 = arith.constant 9 : i32
    %eq3A_42 = arith.cmpi eq, %arg0, %eq3A_41 : i32
    %convert_element_type3A_43 = arith.extui %eq3A_42 : i1 to i32
    %cond3A_44 = arith.constant 0 : i32
    %cond3A_45 = arith.cmpi ne, %convert_element_type3A_43, %cond3A_44 : i32
    scf.if %cond3A_45 {
      %get3A_46 = arith.constant 0 : index
      %get3A_47 = arith.constant 0 : index
      %get3A_48 = vector.load %arg10[%get3A_46, %get3A_47] : memref<8x32xf32, #tpu.memory_space<vmem>>, vector<1x32xf32>
      %mul3A_49 = arith.constant 9.99999974E-5 : f32
      %mul3A_50 = vector.broadcast %mul3A_49 : f32 to vector<1x32xf32>
      %mul3A_51 = arith.mulf %get3A_48, %mul3A_50 : vector<1x32xf32>
      %get3A_52 = arith.constant 1 : index
      %get3A_53 = arith.constant 0 : index
      %get3A_54 = vector.load %arg10[%get3A_52, %get3A_53] : memref<8x32xf32, #tpu.memory_space<vmem>>, vector<1x32xf32>
      %mul3A_55 = arith.constant 9.99999974E-5 : f32
      %mul3A_56 = vector.broadcast %mul3A_55 : f32 to vector<1x32xf32>
      %mul3A_57 = arith.mulf %get3A_54, %mul3A_56 : vector<1x32xf32>
      %get3A_58 = arith.constant 0 : index
      %get3A_59 = arith.constant 0 : index
      %get3A_60 = arith.constant 0 : index
      %get3A_61 = vector.load %arg4[%get3A_58, %get3A_59, %get3A_60] : memref<16x32x32xf32, #tpu.memory_space<vmem>>, vector<1x32x32xf32>
      %get3A_62 = vector.shape_cast %get3A_61 : vector<1x32x32xf32> to vector<32x32xf32>
      %dot_general3A = arith.constant dense<0.000000e+00> : vector<1x32xf32>
      %dot_general3A_63 = tpu.matmul %mul3A_51, %get3A_62, %dot_general3A {dimension_numbers = #tpu.dot_dimension_numbers<[1], [0], [0], [1], [0, 0, 1, 1], [], []>, transpose_lhs_hint = false} : vector<1x32xf32>, vector<32x32xf32>, vector<1x32xf32> -> vector<1x32xf32>
      %mul3A_64 = arith.mulf %dot_general3A_63, %mul3A_57 : vector<1x32xf32>
      %reduce_sum3A_65 = arith.constant dense<0.000000e+00> : vector<1xf32>
      %reduce_sum3A_66 = vector.multi_reduction <add>, %mul3A_64, %reduce_sum3A_65 [1] : vector<1x32xf32> to vector<1xf32>
      %broadcast_in_dim3A_67 = vector.shape_cast %reduce_sum3A_66 : vector<1xf32> to vector<1x1xf32>
      %get3A_68 = arith.constant 1 : index
      %get3A_69 = arith.constant 0 : index
      %get3A_70 = arith.constant 0 : index
      %get3A_71 = vector.load %arg4[%get3A_68, %get3A_69, %get3A_70] : memref<16x32x32xf32, #tpu.memory_space<vmem>>, vector<1x32x32xf32>
      %get3A_72 = vector.shape_cast %get3A_71 : vector<1x32x32xf32> to vector<32x32xf32>
      %dot_general3A_73 = arith.constant dense<0.000000e+00> : vector<1x32xf32>
      %dot_general3A_74 = tpu.matmul %mul3A_51, %get3A_72, %dot_general3A_73 {dimension_numbers = #tpu.dot_dimension_numbers<[1], [0], [0], [1], [0, 0, 1, 1], [], []>, transpose_lhs_hint = false} : vector<1x32xf32>, vector<32x32xf32>, vector<1x32xf32> -> vector<1x32xf32>
      %mul3A_75 = arith.mulf %dot_general3A_74, %mul3A_57 : vector<1x32xf32>
      %reduce_sum3A_76 = arith.constant dense<0.000000e+00> : vector<1xf32>
      %reduce_sum3A_77 = vector.multi_reduction <add>, %mul3A_75, %reduce_sum3A_76 [1] : vector<1x32xf32> to vector<1xf32>
      %broadcast_in_dim3A_78 = vector.shape_cast %reduce_sum3A_77 : vector<1xf32> to vector<1x1xf32>
      %get3A_79 = arith.constant 2 : index
      %get3A_80 = arith.constant 0 : index
      %get3A_81 = arith.constant 0 : index
      %get3A_82 = vector.load %arg4[%get3A_79, %get3A_80, %get3A_81] : memref<16x32x32xf32, #tpu.memory_space<vmem>>, vector<1x32x32xf32>
      %get3A_83 = vector.shape_cast %get3A_82 : vector<1x32x32xf32> to vector<32x32xf32>
      %dot_general3A_84 = arith.constant dense<0.000000e+00> : vector<1x32xf32>
      %dot_general3A_85 = tpu.matmul %mul3A_51, %get3A_83, %dot_general3A_84 {dimension_numbers = #tpu.dot_dimension_numbers<[1], [0], [0], [1], [0, 0, 1, 1], [], []>, transpose_lhs_hint = false} : vector<1x32xf32>, vector<32x32xf32>, vector<1x32xf32> -> vector<1x32xf32>
      %mul3A_86 = arith.mulf %dot_general3A_85, %mul3A_57 : vector<1x32xf32>
      %reduce_sum3A_87 = arith.constant dense<0.000000e+00> : vector<1xf32>
      %reduce_sum3A_88 = vector.multi_reduction <add>, %mul3A_86, %reduce_sum3A_87 [1] : vector<1x32xf32> to vector<1xf32>
      %broadcast_in_dim3A_89 = vector.shape_cast %reduce_sum3A_88 : vector<1xf32> to vector<1x1xf32>
      %get3A_90 = arith.constant 3 : index
      %get3A_91 = arith.constant 0 : index
      %get3A_92 = arith.constant 0 : index
      %get3A_93 = vector.load %arg4[%get3A_90, %get3A_91, %get3A_92] : memref<16x32x32xf32, #tpu.memory_space<vmem>>, vector<1x32x32xf32>
      %get3A_94 = vector.shape_cast %get3A_93 : vector<1x32x32xf32> to vector<32x32xf32>
      %dot_general3A_95 = arith.constant dense<0.000000e+00> : vector<1x32xf32>
      %dot_general3A_96 = tpu.matmul %mul3A_51, %get3A_94, %dot_general3A_95 {dimension_numbers = #tpu.dot_dimension_numbers<[1], [0], [0], [1], [0, 0, 1, 1], [], []>, transpose_lhs_hint = false} : vector<1x32xf32>, vector<32x32xf32>, vector<1x32xf32> -> vector<1x32xf32>
      %mul3A_97 = arith.mulf %dot_general3A_96, %mul3A_57 : vector<1x32xf32>
      %reduce_sum3A_98 = arith.constant dense<0.000000e+00> : vector<1xf32>
      %reduce_sum3A_99 = vector.multi_reduction <add>, %mul3A_97, %reduce_sum3A_98 [1] : vector<1x32xf32> to vector<1xf32>
      %broadcast_in_dim3A_100 = vector.shape_cast %reduce_sum3A_99 : vector<1xf32> to vector<1x1xf32>
      %get3A_101 = arith.constant 4 : index
      %get3A_102 = arith.constant 0 : index
      %get3A_103 = arith.constant 0 : index
      %get3A_104 = vector.load %arg4[%get3A_101, %get3A_102, %get3A_103] : memref<16x32x32xf32, #tpu.memory_space<vmem>>, vector<1x32x32xf32>
      %get3A_105 = vector.shape_cast %get3A_104 : vector<1x32x32xf32> to vector<32x32xf32>
      %dot_general3A_106 = arith.constant dense<0.000000e+00> : vector<1x32xf32>
      %dot_general3A_107 = tpu.matmul %mul3A_51, %get3A_105, %dot_general3A_106 {dimension_numbers = #tpu.dot_dimension_numbers<[1], [0], [0], [1], [0, 0, 1, 1], [], []>, transpose_lhs_hint = false} : vector<1x32xf32>, vector<32x32xf32>, vector<1x32xf32> -> vector<1x32xf32>
      %mul3A_108 = arith.mulf %dot_general3A_107, %mul3A_57 : vector<1x32xf32>
      %reduce_sum3A_109 = arith.constant dense<0.000000e+00> : vector<1xf32>
      %reduce_sum3A_110 = vector.multi_reduction <add>, %mul3A_108, %reduce_sum3A_109 [1] : vector<1x32xf32> to vector<1xf32>
      %broadcast_in_dim3A_111 = vector.shape_cast %reduce_sum3A_110 : vector<1xf32> to vector<1x1xf32>
      %get3A_112 = arith.constant 5 : index
      %get3A_113 = arith.constant 0 : index
      %get3A_114 = arith.constant 0 : index
      %get3A_115 = vector.load %arg4[%get3A_112, %get3A_113, %get3A_114] : memref<16x32x32xf32, #tpu.memory_space<vmem>>, vector<1x32x32xf32>
      %get3A_116 = vector.shape_cast %get3A_115 : vector<1x32x32xf32> to vector<32x32xf32>
      %dot_general3A_117 = arith.constant dense<0.000000e+00> : vector<1x32xf32>
      %dot_general3A_118 = tpu.matmul %mul3A_51, %get3A_116, %dot_general3A_117 {dimension_numbers = #tpu.dot_dimension_numbers<[1], [0], [0], [1], [0, 0, 1, 1], [], []>, transpose_lhs_hint = false} : vector<1x32xf32>, vector<32x32xf32>, vector<1x32xf32> -> vector<1x32xf32>
      %mul3A_119 = arith.mulf %dot_general3A_118, %mul3A_57 : vector<1x32xf32>
      %reduce_sum3A_120 = arith.constant dense<0.000000e+00> : vector<1xf32>
      %reduce_sum3A_121 = vector.multi_reduction <add>, %mul3A_119, %reduce_sum3A_120 [1] : vector<1x32xf32> to vector<1xf32>
      %broadcast_in_dim3A_122 = vector.shape_cast %reduce_sum3A_121 : vector<1xf32> to vector<1x1xf32>
      %get3A_123 = arith.constant 6 : index
      %get3A_124 = arith.constant 0 : index
      %get3A_125 = arith.constant 0 : index
      %get3A_126 = vector.load %arg4[%get3A_123, %get3A_124, %get3A_125] : memref<16x32x32xf32, #tpu.memory_space<vmem>>, vector<1x32x32xf32>
      %get3A_127 = vector.shape_cast %get3A_126 : vector<1x32x32xf32> to vector<32x32xf32>
      %dot_general3A_128 = arith.constant dense<0.000000e+00> : vector<1x32xf32>
      %dot_general3A_129 = tpu.matmul %mul3A_51, %get3A_127, %dot_general3A_128 {dimension_numbers = #tpu.dot_dimension_numbers<[1], [0], [0], [1], [0, 0, 1, 1], [], []>, transpose_lhs_hint = false} : vector<1x32xf32>, vector<32x32xf32>, vector<1x32xf32> -> vector<1x32xf32>
      %mul3A_130 = arith.mulf %dot_general3A_129, %mul3A_57 : vector<1x32xf32>
      %reduce_sum3A_131 = arith.constant dense<0.000000e+00> : vector<1xf32>
      %reduce_sum3A_132 = vector.multi_reduction <add>, %mul3A_130, %reduce_sum3A_131 [1] : vector<1x32xf32> to vector<1xf32>
      %broadcast_in_dim3A_133 = vector.shape_cast %reduce_sum3A_132 : vector<1xf32> to vector<1x1xf32>
      %get3A_134 = arith.constant 7 : index
      %get3A_135 = arith.constant 0 : index
      %get3A_136 = arith.constant 0 : index
      %get3A_137 = vector.load %arg4[%get3A_134, %get3A_135, %get3A_136] : memref<16x32x32xf32, #tpu.memory_space<vmem>>, vector<1x32x32xf32>
      %get3A_138 = vector.shape_cast %get3A_137 : vector<1x32x32xf32> to vector<32x32xf32>
      %dot_general3A_139 = arith.constant dense<0.000000e+00> : vector<1x32xf32>
      %dot_general3A_140 = tpu.matmul %mul3A_51, %get3A_138, %dot_general3A_139 {dimension_numbers = #tpu.dot_dimension_numbers<[1], [0], [0], [1], [0, 0, 1, 1], [], []>, transpose_lhs_hint = false} : vector<1x32xf32>, vector<32x32xf32>, vector<1x32xf32> -> vector<1x32xf32>
      %mul3A_141 = arith.mulf %dot_general3A_140, %mul3A_57 : vector<1x32xf32>
      %reduce_sum3A_142 = arith.constant dense<0.000000e+00> : vector<1xf32>
      %reduce_sum3A_143 = vector.multi_reduction <add>, %mul3A_141, %reduce_sum3A_142 [1] : vector<1x32xf32> to vector<1xf32>
      %broadcast_in_dim3A_144 = vector.shape_cast %reduce_sum3A_143 : vector<1xf32> to vector<1x1xf32>
      %get3A_145 = arith.constant 8 : index
      %get3A_146 = arith.constant 0 : index
      %get3A_147 = arith.constant 0 : index
      %get3A_148 = vector.load %arg4[%get3A_145, %get3A_146, %get3A_147] : memref<16x32x32xf32, #tpu.memory_space<vmem>>, vector<1x32x32xf32>
      %get3A_149 = vector.shape_cast %get3A_148 : vector<1x32x32xf32> to vector<32x32xf32>
      %dot_general3A_150 = arith.constant dense<0.000000e+00> : vector<1x32xf32>
      %dot_general3A_151 = tpu.matmul %mul3A_51, %get3A_149, %dot_general3A_150 {dimension_numbers = #tpu.dot_dimension_numbers<[1], [0], [0], [1], [0, 0, 1, 1], [], []>, transpose_lhs_hint = false} : vector<1x32xf32>, vector<32x32xf32>, vector<1x32xf32> -> vector<1x32xf32>
      %mul3A_152 = arith.mulf %dot_general3A_151, %mul3A_57 : vector<1x32xf32>
      %reduce_sum3A_153 = arith.constant dense<0.000000e+00> : vector<1xf32>
      %reduce_sum3A_154 = vector.multi_reduction <add>, %mul3A_152, %reduce_sum3A_153 [1] : vector<1x32xf32> to vector<1xf32>
      %broadcast_in_dim3A_155 = vector.shape_cast %reduce_sum3A_154 : vector<1xf32> to vector<1x1xf32>
      %get3A_156 = arith.constant 9 : index
      %get3A_157 = arith.constant 0 : index
      %get3A_158 = arith.constant 0 : index
      %get3A_159 = vector.load %arg4[%get3A_156, %get3A_157, %get3A_158] : memref<16x32x32xf32, #tpu.memory_space<vmem>>, vector<1x32x32xf32>
      %get3A_160 = vector.shape_cast %get3A_159 : vector<1x32x32xf32> to vector<32x32xf32>
      %dot_general3A_161 = arith.constant dense<0.000000e+00> : vector<1x32xf32>
      %dot_general3A_162 = tpu.matmul %mul3A_51, %get3A_160, %dot_general3A_161 {dimension_numbers = #tpu.dot_dimension_numbers<[1], [0], [0], [1], [0, 0, 1, 1], [], []>, transpose_lhs_hint = false} : vector<1x32xf32>, vector<32x32xf32>, vector<1x32xf32> -> vector<1x32xf32>
      %mul3A_163 = arith.mulf %dot_general3A_162, %mul3A_57 : vector<1x32xf32>
      %reduce_sum3A_164 = arith.constant dense<0.000000e+00> : vector<1xf32>
      %reduce_sum3A_165 = vector.multi_reduction <add>, %mul3A_163, %reduce_sum3A_164 [1] : vector<1x32xf32> to vector<1xf32>
      %broadcast_in_dim3A_166 = vector.shape_cast %reduce_sum3A_165 : vector<1xf32> to vector<1x1xf32>
      %get3A_167 = arith.constant 10 : index
      %get3A_168 = arith.constant 0 : index
      %get3A_169 = arith.constant 0 : index
      %get3A_170 = vector.load %arg4[%get3A_167, %get3A_168, %get3A_169] : memref<16x32x32xf32, #tpu.memory_space<vmem>>, vector<1x32x32xf32>
      %get3A_171 = vector.shape_cast %get3A_170 : vector<1x32x32xf32> to vector<32x32xf32>
      %dot_general3A_172 = arith.constant dense<0.000000e+00> : vector<1x32xf32>
      %dot_general3A_173 = tpu.matmul %mul3A_51, %get3A_171, %dot_general3A_172 {dimension_numbers = #tpu.dot_dimension_numbers<[1], [0], [0], [1], [0, 0, 1, 1], [], []>, transpose_lhs_hint = false} : vector<1x32xf32>, vector<32x32xf32>, vector<1x32xf32> -> vector<1x32xf32>
      %mul3A_174 = arith.mulf %dot_general3A_173, %mul3A_57 : vector<1x32xf32>
      %reduce_sum3A_175 = arith.constant dense<0.000000e+00> : vector<1xf32>
      %reduce_sum3A_176 = vector.multi_reduction <add>, %mul3A_174, %reduce_sum3A_175 [1] : vector<1x32xf32> to vector<1xf32>
      %broadcast_in_dim3A_177 = vector.shape_cast %reduce_sum3A_176 : vector<1xf32> to vector<1x1xf32>
      %get3A_178 = arith.constant 11 : index
      %get3A_179 = arith.constant 0 : index
      %get3A_180 = arith.constant 0 : index
      %get3A_181 = vector.load %arg4[%get3A_178, %get3A_179, %get3A_180] : memref<16x32x32xf32, #tpu.memory_space<vmem>>, vector<1x32x32xf32>
      %get3A_182 = vector.shape_cast %get3A_181 : vector<1x32x32xf32> to vector<32x32xf32>
      %dot_general3A_183 = arith.constant dense<0.000000e+00> : vector<1x32xf32>
      %dot_general3A_184 = tpu.matmul %mul3A_51, %get3A_182, %dot_general3A_183 {dimension_numbers = #tpu.dot_dimension_numbers<[1], [0], [0], [1], [0, 0, 1, 1], [], []>, transpose_lhs_hint = false} : vector<1x32xf32>, vector<32x32xf32>, vector<1x32xf32> -> vector<1x32xf32>
      %mul3A_185 = arith.mulf %dot_general3A_184, %mul3A_57 : vector<1x32xf32>
      %reduce_sum3A_186 = arith.constant dense<0.000000e+00> : vector<1xf32>
      %reduce_sum3A_187 = vector.multi_reduction <add>, %mul3A_185, %reduce_sum3A_186 [1] : vector<1x32xf32> to vector<1xf32>
      %broadcast_in_dim3A_188 = vector.shape_cast %reduce_sum3A_187 : vector<1xf32> to vector<1x1xf32>
      %get3A_189 = arith.constant 12 : index
      %get3A_190 = arith.constant 0 : index
      %get3A_191 = arith.constant 0 : index
      %get3A_192 = vector.load %arg4[%get3A_189, %get3A_190, %get3A_191] : memref<16x32x32xf32, #tpu.memory_space<vmem>>, vector<1x32x32xf32>
      %get3A_193 = vector.shape_cast %get3A_192 : vector<1x32x32xf32> to vector<32x32xf32>
      %dot_general3A_194 = arith.constant dense<0.000000e+00> : vector<1x32xf32>
      %dot_general3A_195 = tpu.matmul %mul3A_51, %get3A_193, %dot_general3A_194 {dimension_numbers = #tpu.dot_dimension_numbers<[1], [0], [0], [1], [0, 0, 1, 1], [], []>, transpose_lhs_hint = false} : vector<1x32xf32>, vector<32x32xf32>, vector<1x32xf32> -> vector<1x32xf32>
      %mul3A_196 = arith.mulf %dot_general3A_195, %mul3A_57 : vector<1x32xf32>
      %reduce_sum3A_197 = arith.constant dense<0.000000e+00> : vector<1xf32>
      %reduce_sum3A_198 = vector.multi_reduction <add>, %mul3A_196, %reduce_sum3A_197 [1] : vector<1x32xf32> to vector<1xf32>
      %broadcast_in_dim3A_199 = vector.shape_cast %reduce_sum3A_198 : vector<1xf32> to vector<1x1xf32>
      %get3A_200 = arith.constant 13 : index
      %get3A_201 = arith.constant 0 : index
      %get3A_202 = arith.constant 0 : index
      %get3A_203 = vector.load %arg4[%get3A_200, %get3A_201, %get3A_202] : memref<16x32x32xf32, #tpu.memory_space<vmem>>, vector<1x32x32xf32>
      %get3A_204 = vector.shape_cast %get3A_203 : vector<1x32x32xf32> to vector<32x32xf32>
      %dot_general3A_205 = arith.constant dense<0.000000e+00> : vector<1x32xf32>
      %dot_general3A_206 = tpu.matmul %mul3A_51, %get3A_204, %dot_general3A_205 {dimension_numbers = #tpu.dot_dimension_numbers<[1], [0], [0], [1], [0, 0, 1, 1], [], []>, transpose_lhs_hint = false} : vector<1x32xf32>, vector<32x32xf32>, vector<1x32xf32> -> vector<1x32xf32>
      %mul3A_207 = arith.mulf %dot_general3A_206, %mul3A_57 : vector<1x32xf32>
      %reduce_sum3A_208 = arith.constant dense<0.000000e+00> : vector<1xf32>
      %reduce_sum3A_209 = vector.multi_reduction <add>, %mul3A_207, %reduce_sum3A_208 [1] : vector<1x32xf32> to vector<1xf32>
      %broadcast_in_dim3A_210 = vector.shape_cast %reduce_sum3A_209 : vector<1xf32> to vector<1x1xf32>
      %get3A_211 = arith.constant 14 : index
      %get3A_212 = arith.constant 0 : index
      %get3A_213 = arith.constant 0 : index
      %get3A_214 = vector.load %arg4[%get3A_211, %get3A_212, %get3A_213] : memref<16x32x32xf32, #tpu.memory_space<vmem>>, vector<1x32x32xf32>
      %get3A_215 = vector.shape_cast %get3A_214 : vector<1x32x32xf32> to vector<32x32xf32>
      %dot_general3A_216 = arith.constant dense<0.000000e+00> : vector<1x32xf32>
      %dot_general3A_217 = tpu.matmul %mul3A_51, %get3A_215, %dot_general3A_216 {dimension_numbers = #tpu.dot_dimension_numbers<[1], [0], [0], [1], [0, 0, 1, 1], [], []>, transpose_lhs_hint = false} : vector<1x32xf32>, vector<32x32xf32>, vector<1x32xf32> -> vector<1x32xf32>
      %mul3A_218 = arith.mulf %dot_general3A_217, %mul3A_57 : vector<1x32xf32>
      %reduce_sum3A_219 = arith.constant dense<0.000000e+00> : vector<1xf32>
      %reduce_sum3A_220 = vector.multi_reduction <add>, %mul3A_218, %reduce_sum3A_219 [1] : vector<1x32xf32> to vector<1xf32>
      %broadcast_in_dim3A_221 = vector.shape_cast %reduce_sum3A_220 : vector<1xf32> to vector<1x1xf32>
      %get3A_222 = arith.constant 15 : index
      %get3A_223 = arith.constant 0 : index
      %get3A_224 = arith.constant 0 : index
      %get3A_225 = vector.load %arg4[%get3A_222, %get3A_223, %get3A_224] : memref<16x32x32xf32, #tpu.memory_space<vmem>>, vector<1x32x32xf32>
      %get3A_226 = vector.shape_cast %get3A_225 : vector<1x32x32xf32> to vector<32x32xf32>
      %dot_general3A_227 = arith.constant dense<0.000000e+00> : vector<1x32xf32>
      %dot_general3A_228 = tpu.matmul %mul3A_51, %get3A_226, %dot_general3A_227 {dimension_numbers = #tpu.dot_dimension_numbers<[1], [0], [0], [1], [0, 0, 1, 1], [], []>, transpose_lhs_hint = false} : vector<1x32xf32>, vector<32x32xf32>, vector<1x32xf32> -> vector<1x32xf32>
      %mul3A_229 = arith.mulf %dot_general3A_228, %mul3A_57 : vector<1x32xf32>
      %reduce_sum3A_230 = arith.constant dense<0.000000e+00> : vector<1xf32>
      %reduce_sum3A_231 = vector.multi_reduction <add>, %mul3A_229, %reduce_sum3A_230 [1] : vector<1x32xf32> to vector<1xf32>
      %broadcast_in_dim3A_232 = vector.shape_cast %reduce_sum3A_231 : vector<1xf32> to vector<1x1xf32>
      %concatenate3A = tpu.concatenate %broadcast_in_dim3A_67, %broadcast_in_dim3A_78, %broadcast_in_dim3A_89, %broadcast_in_dim3A_100, %broadcast_in_dim3A_111, %broadcast_in_dim3A_122, %broadcast_in_dim3A_133, %broadcast_in_dim3A_144, %broadcast_in_dim3A_155, %broadcast_in_dim3A_166, %broadcast_in_dim3A_177, %broadcast_in_dim3A_188, %broadcast_in_dim3A_199, %broadcast_in_dim3A_210, %broadcast_in_dim3A_221, %broadcast_in_dim3A_232 in 1 : vector<1x1xf32>, vector<1x1xf32>, vector<1x1xf32>, vector<1x1xf32>, vector<1x1xf32>, vector<1x1xf32>, vector<1x1xf32>, vector<1x1xf32>, vector<1x1xf32>, vector<1x1xf32>, vector<1x1xf32>, vector<1x1xf32>, vector<1x1xf32>, vector<1x1xf32>, vector<1x1xf32>, vector<1x1xf32> -> vector<1x16xf32>
      %concatenate3A_233 = tpu.concatenate %mul3A_51, %mul3A_57 in 1 : vector<1x32xf32>, vector<1x32xf32> -> vector<1x64xf32>
      %get3A_234 = arith.constant 0 : index
      %get3A_235 = arith.constant 0 : index
      %get3A_236 = vector.load %arg5[%get3A_234, %get3A_235] : memref<64x16xf32, #tpu.memory_space<vmem>>, vector<64x16xf32>
      %dot_general3A_237 = arith.constant dense<0.000000e+00> : vector<1x16xf32>
      %dot_general3A_238 = tpu.matmul %concatenate3A_233, %get3A_236, %dot_general3A_237 {dimension_numbers = #tpu.dot_dimension_numbers<[1], [0], [0], [1], [0, 0, 1, 1], [], []>, transpose_lhs_hint = false} : vector<1x64xf32>, vector<64x16xf32>, vector<1x16xf32> -> vector<1x16xf32>
      %add3A_239 = arith.addf %concatenate3A, %dot_general3A_238 : vector<1x16xf32>
      %get3A_240 = arith.constant 0 : index
      %get3A_241 = arith.constant 0 : index
      %get3A_242 = vector.load %arg6[%get3A_240, %get3A_241] : memref<1x16xf32, #tpu.memory_space<vmem>>, vector<1x16xf32>
      %add3A_243 = arith.addf %add3A_239, %get3A_242 : vector<1x16xf32>
      %tanh3A = math.tanh %add3A_243 : vector<1x16xf32>
      %get3A_244 = arith.constant 0 : index
      %get3A_245 = arith.constant 0 : index
      %get3A_246 = vector.load %arg7[%get3A_244, %get3A_245] : memref<1x16xf32, #tpu.memory_space<vmem>>, vector<1x16xf32>
      %mul3A_247 = arith.mulf %get3A_246, %tanh3A : vector<1x16xf32>
      %reduce_sum3A_248 = vector.shape_cast %mul3A_247 : vector<1x16xf32> to vector<1x1x16xf32>
      %reduce_sum3A_249 = arith.constant dense<0.000000e+00> : vector<1xf32>
      %reduce_sum3A_250 = vector.multi_reduction <add>, %reduce_sum3A_248, %reduce_sum3A_249 [1, 2] : vector<1x1x16xf32> to vector<1xf32>
      %reduce_sum3A_251 = vector.shape_cast %reduce_sum3A_250 : vector<1xf32> to vector<1x1x1xf32>
      %reduce_sum3A_252 = vector.extract %reduce_sum3A_251[0, 0, 0] : f32 from vector<1x1x1xf32>
      %get3A_253 = arith.constant 0 : index
      %get3A_254 = arith.constant 0 : index
      %get3A_255 = vector.load %arg8[%get3A_253, %get3A_254] : memref<1x1xf32, #tpu.memory_space<vmem>>, vector<1x1xf32>
      %get3A_256 = vector.extract %get3A_255[0, 0] : f32 from vector<1x1xf32>
      %add3A_257 = arith.addf %reduce_sum3A_252, %get3A_256 : f32
      %logistic3A = arith.negf %add3A_257 : f32
      %logistic3A_258 = math.exp %logistic3A : f32
      %logistic3A_259 = arith.constant 1.000000e+00 : f32
      %logistic3A_260 = arith.addf %logistic3A_259, %logistic3A_258 : f32
      %logistic3A_261 = arith.divf %logistic3A_259, %logistic3A_260 : f32
      %broadcast_in_dim3A_262 = vector.broadcast %logistic3A_261 : f32 to vector<1x1xf32>
      %swap3A_263 = arith.constant 0 : index
      %swap3A_264 = arith.constant 0 : index
      %swap3A_265 = vector.load %arg9[%swap3A_263, %swap3A_264] : memref<1x1xf32, #tpu.memory_space<vmem>>, vector<1x1xf32>
      tpu.vector_store %arg9[%swap3A_263, %swap3A_264], %broadcast_in_dim3A_262 {strides = array<i32>} : memref<1x1xf32, #tpu.memory_space<vmem>>, vector<1x1xf32>,
    } else {
    }
    return
  }
  func.func @transform_0(%arg0: i32) -> (i32, i32) {
    %c0_i32 = arith.constant 0 : i32
    %c0_i32_0 = arith.constant 0 : i32
    return %arg0, %c0_i32 : i32, i32
  }
  func.func @transform_1(%arg0: i32) -> (i32, i32) {
    %c0_i32 = arith.constant 0 : i32
    %c0_i32_0 = arith.constant 0 : i32
    return %arg0, %c0_i32 : i32, i32
  }
  func.func @transform_2(%arg0: i32) -> (i32, i32) {
    %c0_i32 = arith.constant 0 : i32
    %c0_i32_0 = arith.constant 0 : i32
    return %arg0, %c0_i32 : i32, i32
  }
  func.func @transform_3(%arg0: i32) -> (i32, i32, i32) {
    %c0_i32 = arith.constant 0 : i32
    %c0_i32_0 = arith.constant 0 : i32
    %c0_i32_1 = arith.constant 0 : i32
    %c0_i32_2 = arith.constant 0 : i32
    return %c0_i32, %c0_i32_0, %c0_i32_1 : i32, i32, i32
  }
  func.func @transform_4(%arg0: i32) -> (i32, i32) {
    %c0_i32 = arith.constant 0 : i32
    %c0_i32_0 = arith.constant 0 : i32
    %c0_i32_1 = arith.constant 0 : i32
    return %c0_i32, %c0_i32_0 : i32, i32
  }
  func.func @transform_5(%arg0: i32) -> (i32, i32) {
    %c0_i32 = arith.constant 0 : i32
    %c0_i32_0 = arith.constant 0 : i32
    %c0_i32_1 = arith.constant 0 : i32
    return %c0_i32, %c0_i32_0 : i32, i32
  }
  func.func @transform_6(%arg0: i32) -> (i32, i32) {
    %c0_i32 = arith.constant 0 : i32
    %c0_i32_0 = arith.constant 0 : i32
    %c0_i32_1 = arith.constant 0 : i32
    return %c0_i32, %c0_i32_0 : i32, i32
  }
  func.func @transform_7(%arg0: i32) -> (i32, i32) {
    %c0_i32 = arith.constant 0 : i32
    %c0_i32_0 = arith.constant 0 : i32
    %c0_i32_1 = arith.constant 0 : i32
    return %c0_i32, %c0_i32_0 : i32, i32
  }
  func.func @transform_8(%arg0: i32) -> (i32, i32) {
    %c0_i32 = arith.constant 0 : i32
    %c0_i32_0 = arith.constant 0 : i32
    %c0_i32_1 = arith.constant 0 : i32
    return %c0_i32, %c0_i32_0 : i32, i32
  }
}

</mosaic_0001>

<sc_bundles>
// kernel: kernel.11.cloned.1.call-start
scs
__scs_entry_jumppad:
0x0: {  	(pc) =	sbr.rel $0x88, $3  }
0x1: {  	(tag) =	ssettag $0x0;
	lr =	simm.s32 $0x1  }
0x2: {  	[smem:$0x3F96] =	sst lr;
	_ =	strace $0xD0000000  }
0x3: {  	_ = 	snop  }
0x4: {  	_ = 	snop  }
0x5: {  	_ = 	snop  }
0x6: {  	_ = 	snop  }
0x7: {  	_ = 	snop  }
__scs_overlays_trampoline_lowered:
0x8: {  	[smem:$0x3FA5] =	sst s0  }
0x9: {  	[smem:$0x3FA6] =	sst s1  }
0xa: {  	[smem:$0x3FA7] =	sst s2  }
0xb: {  	[smem:$0x3FA8] =	sst s3  }
0xc: {  	[smem:$0x3FA9] =	sst s4  }
0xd: {  	[smem:$0x3FAA] =	sst s5  }
0xe: {  	[smem:$0x3FAB] =	sst s6  }
0xf: {  	[smem:$0x3FAC] =	sst s7  }
0x10: {  	[smem:$0x3FAD] =	sst s8  }
0x11: {  	[smem:$0x3FAE] =	sst s9;
	s0 =	simm.s32 @!p0 $0x0  }
0x12: {  	s1 =	sld [smem:$0x3F94];
	s0 =	simm.s32 @p0 $0x1  }
0x13: {  	[smem:$0x3FAF] =	sst s0;
	s0 =	simm.s32 @!p1 $0x0  }
0x14: {  	s2 =	sld [smem:$0x3F93];
	s0 =	simm.s32 @p1 $0x1  }
0x15: {  	[smem:$0x3FB0] =	sst s0;
	s0 =	simm.s32 @!p2 $0x0  }
0x16: {  	s3 =	sld [smem:$0x3FDB];
	s0 =	simm.s32 @p2 $0x1  }
0x17: {  	s4 =	simm.s32 $0x1BF5;
	[smem:$0x3FB2] =	sst s0  }
0x18: {  	s0 =	sld [smem:$0x3F95];
	_ =	swait.ge [sflag:s4], $0x0  }
0x19: {  	s7 =	sld [smem:$0x3F96]  }
0x1a: {  	s8 =	sadd.s32 $0xFFFFE003, lr  }
0x1b: {  	s9 =	sadd.s32 $0xFFFFFEF7, lr;
	s5 =	simm.s32 $0xFFFFFFFF;
	p2 =	slt.u32 s8, $0xFFFFF086  }
0x1c: {  	p1 =	slt.u32 s9, $0xF7A;
	s5 =	simm.s32 @!p2 $0x0  }
0x1d: {  	s5 =	simm.s32 @p1 $0x1;
	p0 =	seq.s32 s7, s2  }
0x1e: {  	s7 =	smul.u32 @!p0 $0xF7A, s2;
	p2 =	seq.s32 @!p0 s5, $0x0  }
0x1f: {  	s9 =	smul.u32 $0xF7A, s1;
	s8 =	simm.s32 @!p0 $0x1BF5;
	p2 =	por !p2, p0  }
0x20: {  	[sflag:s8] =	ssyncset.s32 @!p0 $0xFFFFF086;
	s6 =	sadd.s32 @!p0 s3, s7;
	s7 =	simm.s32 @!p0 $0x108  }
0x21: {  	s3 =	sadd.s32 s3, s9;
	s6 =	sadd.s32 @!p0 $0x88, s6;
	s7 =	simm.s32 @p2 $0x1082  }
0x22: {  	[simem:s7], [sflag:s8] =	dma.local @!p0 [hbm:s6], $0xF7A  }
0x23: {  	s9 =	sor.u32 $0xD0000000, s2;
	s6 =	simm.s32 $0x108;
	_ =	swait.ge @!p0 [sflag:s8], $0x0  }
0x24: {  	s3 =	sadd.s32 $0x88, s3;
	s6 =	simm.s32 @!p1 $0x1082;
	[sflag:s4] =	ssyncset.s32 $0xFFFFF086  }
0x25: {  	[simem:s6], [sflag:s4] =	dma.local [hbm:s3], $0xF7A  }
0x26: {  	[smem:$0x3F96] =	sst s1;
	(tag) =	ssettag s2;
	_ =	strace s9  }
0x27: {  	s1 =	sld [smem:$0x3FA6]  }
0x28: {  	s2 =	sld [smem:$0x3FA7]  }
0x29: {  	s4 =	sld [smem:$0x3FA9]  }
0x2a: {  	p0 =	seq.s32 s5, $0x0;
	s5 =	sld [smem:$0x3FAA]  }
0x2b: {  	s6 =	sld [smem:$0x3FAB]  }
0x2c: {  	s7 =	sld [smem:$0x3FAC]  }
0x2d: {  	s3 =	simm.s32 $0x108;
	s8 =	sld [smem:$0x3FAD]  }
0x2e: {  	s3 =	simm.s32 @!p0 $0x1082;
	s9 =	sld [smem:$0x3FAE]  }
0x2f: {  	lr =	sadd.s32 s0, s3;
	s0 =	sld [smem:$0x3FA5]  }
0x30: {  	s3 =	sld [smem:$0x3FA8]  }
0x31: {  	[smem:$0x3FB1] =	sst s10  }
0x32: {  	s10 =	sld [smem:$0x3FAF];
	_ =	sdelay $0x3  }
0x33: {  	p0 =	seq.s32 s10, $0x1;
	s10 =	sld [smem:$0x3FB1];
	_ =	sdelay $0x3  }
0x34: {  	[smem:$0x3FB1] =	sst s10  }
0x35: {  	s10 =	sld [smem:$0x3FB0];
	_ =	sdelay $0x3  }
0x36: {  	p1 =	seq.s32 s10, $0x1;
	s10 =	sld [smem:$0x3FB1];
	_ =	sdelay $0x3  }
0x37: {  	[smem:$0x3FB1] =	sst s10  }
0x38: {  	s10 =	sld [smem:$0x3FB2]  }
0x39: {  	_ = 	snop;
	(pc) =	sbr.ind lr, $3  }
0x3a: {  	_ = 	snop  }
0x3b: {  	_ = 	snop  }
0x3c: {  	p2 =	seq.s32 s10, $0x1;
	s10 =	sld [smem:$0x3FB1]  }
0x3d: {  	_ =	shalt  }
0x3e: {  	_ =	shalt  }
0x3f: {  	_ =	shalt  }
0x40: {  	_ =	shalt  }
0x41: {  	_ =	shalt  }
0x42: {  	_ =	shalt  }
0x43: {  	_ =	shalt  }
0x44: {  	_ =	shalt  }
0x45: {  	_ =	shalt  }
0x46: {  	_ =	shalt  }
0x47: {  	_ =	shalt  }
0x48: {  	_ =	shalt  }
0x49: {  	_ =	shalt  }
0x4a: {  	_ =	shalt  }
0x4b: {  	_ =	shalt  }
0x4c: {  	_ =	shalt  }
0x4d: {  	_ =	shalt  }
0x4e: {  	_ =	shalt  }
0x4f: {  	_ =	shalt  }
0x50: {  	_ =	shalt  }
0x51: {  	_ =	shalt  }
0x52: {  	_ =	shalt  }
0x53: {  	_ =	shalt  }
0x54: {  	_ =	shalt  }
0x55: {  	_ =	shalt  }
0x56: {  	_ =	shalt  }
0x57: {  	_ =	shalt  }
0x58: {  	_ =	shalt  }
0x59: {  	_ =	shalt  }
0x5a: {  	_ =	shalt  }
0x5b: {  	_ =	shalt  }
0x5c: {  	_ =	shalt  }
0x5d: {  	_ =	shalt  }
0x5e: {  	_ =	shalt  }
0x5f: {  	_ =	shalt  }
0x60: {  	_ =	shalt  }
0x61: {  	_ =	shalt  }
0x62: {  	_ =	shalt  }
0x63: {  	_ =	shalt  }
0x64: {  	_ =	shalt  }
0x65: {  	_ =	shalt  }
0x66: {  	_ =	shalt  }
0x67: {  	_ =	shalt  }
0x68: {  	_ =	shalt  }
0x69: {  	_ =	shalt  }
0x6a: {  	_ =	shalt  }
0x6b: {  	_ =	shalt  }
0x6c: {  	_ =	shalt  }
0x6d: {  	_ =	shalt  }
0x6e: {  	_ =	shalt  }
0x6f: {  	_ =	shalt  }
0x70: {  	_ =	shalt  }
0x71: {  	_ =	shalt  }
0x72: {  	_ =	shalt  }
0x73: {  	_ =	shalt  }
0x74: {  	_ =	shalt  }
0x75: {  	_ =	shalt  }
0x76: {  	_ =	shalt  }
0x77: {  	_ =	shalt  }
0x78: {  	_ =	shalt  }
0x79: {  	_ =	shalt  }
0x7a: {  	_ =	shalt  }
0x7b: {  	_ =	shalt  }
0x7c: {  	_ =	shalt  }
0x7d: {  	_ =	shalt  }
0x7e: {  	_ =	shalt  }
0x7f: {  	_ =	shalt  }
0x80: {  	_ =	shalt  }
0x81: {  	_ =	shalt  }
0x82: {  	_ =	shalt  }
0x83: {  	_ =	shalt  }
0x84: {  	_ =	shalt  }
0x85: {  	_ =	shalt  }
0x86: {  	_ =	shalt  }
0x87: {  	_ =	shalt  }
.Lfunc_end0:
.L_simem_size_0:
called_computation.1_lowered:
.L_overlay_start_0:
0x88: {  	s2 =	sld [smem:$0x3FD9]  }
0x89: {  	s3 =	sld [smem:$0x3FFE];
	_ =	sdelay $0x1  }
0x8a: {  	s1 =	srdreg.scid  }
0x8b: {  	s0 =	sand.u32 $0x1, s1  }
0x8c: {  	s16 =	sshll.u32 s0, $0xA;
	s2 =	sadd.s32 s3, s2  }
0x8d: {  	s2 =	sadd.s32 s2, s16  }
0x8e: {  	[smem:$0x3FBD] =	sst s2  }
0x8f: {  	_ = 	snop  }
0x90: {  	(tm) =	ssettm $0x1  }
0x91: {  	s17 =	sld [smem:$0x3FFB];
	_ =	sdelay $0x3  }
0x92: {  	_ =	strace s17  }
0x93: {  	s2 =	sld [smem:$0x3FFC];
	_ =	sdelay $0x3  }
0x94: {  	_ =	strace s2  }
0x95: {  	s2 =	sld [smem:$0x3FFD];
	_ =	sdelay $0x3  }
0x96: {  	_ =	strace s2  }
0x97: {  	_ =	strace $0x8FFFFFFF  }
0x98: {  	s18 =	sld [smem:$0x3FDB];
	_ =	sdelay $0x1  }
0x99: {  	s19 =	simm.s32 $_scs_section_size  }
0x9a: {  	s4 =	simm.s32 $_size__tile_overlayer_lowered;
	s5 =	simm.s32 $_tile_overlayer_lowered  }
0x9b: {  	s22 =	simm.s32 $0x1BFF;
	s21 =	sshll.u32 s5, $0x1;
	s2 =	sadd.s32 s19, s18  }
0x9c: {  	s6 =	simm.s32 $0x0;
	s20 =	sshll.u32 s4, $0x1;
	s4 =	sadd.s32 s21, s2  }
0x9d: {  	[timem:s6], [sflag:s22] =	dma.local [hbm:s4], s20  }
0x9e: {  	_ =	swait.ge [sflag:s22], s20  }
0x9f: {  	s3 =	ssub.s32 $0x0, s20;
	[sflag:s22] =	ssyncset.done $0x0  }
0xa0: {  	[sflag:s22] =	ssyncadd.s32 s3;
	_ =	sdelay $0x1  }
0xa1: {  	s23 =	simm.s32 $0x1B8B  }
0xa2: {  	_ =	swait.ge [sflag:s23], $0x1  }
0xa3: {  	[sflag:s23] =	ssyncset.done $0x0  }
0xa4: {  	s25 =	simm.s32 $0x1B8E;
	s24 =	sld [smem:$0x3FFE];
	[sflag:s23] =	ssyncadd.s32 $0xFFFFFFFF  }
0xa5: {  	s26 =	simm.s32 $execute0_lowered;
	[smem:$0x3FD2] =	sst s25  }
0xa6: {  	s4 =	sshll.u32 s26, $0x1;
	_ =	strace $0x80000049;
	[dreg:$0x1] =	wrdreg $0xFFFFFFFF  }
0xa7: {  	s28 =	simm.s32 $_size_execute0_lowered;
	s2 =	sadd.s32 s2, s4;
	[dreg:$0x0] =	wrdreg $0x0  }
0xa8: {  	s4 =	sshll.u32 s28, $0x1;
	[dreg:$0x2] =	wrdreg s2  }
0xa9: {  	[dreg:$0x3] =	wrdreg s4  }
0xaa: {  	[dreg:$0x4] =	wrdreg $0xC0  }
0xab: {  	_ =	task [dreg:s6], $0x5FFFF  }
0xac: {  	[dreg:$0x1] =	wrdreg $0xFFFFFFFF  }
0xad: {  	[dreg:$0x0] =	wrdreg $0x60  }
0xae: {  	[dreg:$0x2] =	wrdreg s24  }
0xaf: {  	[dreg:$0x3] =	wrdreg $0x2D000  }
0xb0: {  	[dreg:$0x4] =	wrdreg $0x9  }
0xb1: {  	_ =	task.clear_ibuf [dreg:s6], $0x5FFFF;
	_ =	strace $0x90000049  }
0xb2: {  	s29 =	simm.s32 $0x9;
	_ =	strace $0x8000004B  }
0xb3: {  	_ =	swait.ge [sflag:s29], $0x1  }
0xb4: {  	[sflag:s29] =	ssyncadd.s32 $0xFFFFFFFF  }
0xb5: {  	_ =	strace $0x9000004B  }
0xb6: {  	_ =	sfence  }
0xb7: {  	s30 =	sld [smem:$0x0];
	_ =	sdelay $0x2  }
0xb8: {  	s31 =	sshll.u32 s1, $0xD;
	s1 =	sshrl.u32 s1, $0x2  }
0xb9: {  	s3 =	sand.u32 $0x4000, s31;
	s1 =	sadd.s32 s1, s30  }
0xba: {  	s0 =	sor.u32 s3, s0;
	s1 =	sshll.u32 s1, $0x11  }
0xbb: {  	s0 =	sor.u32 s1, s0  }
0xbc: {  	s0 =	sadd.s32 $0x8F2B, s0  }
0xbd: {  	[sflag:s0] =	ssyncadd.remote.s32 $0x1  }
0xbe: {  	_ =	sfence.sel $0xFFFF  }
0xbf: {  	[dreg:$0x0] =	wrdreg $0xFFFFFFFF;
	(pc) =	sbr.abs _section_cstart, $3  }
0xc0: {  	[dreg:$0x1] =	wrdreg $0xFFFFFFFF  }
0xc1: {  	_ =	task.clear_ibuf [dreg:s6], $0x2FFFF;
	_ =	strace $0x9FFFFFFF  }
0xc2: {  	(tm) =	ssettm $0x7FFFFFFF  }
0xc3: {  	_ =	shalt  }
tec
execute0_lowered:
.L_overlay_start_1:
0x0: {  	(tag) =	ssettag $0x1  }
0x1: {  	s0 =	rddreg [dreg:$0x0]  }
0x2: {  	s2 =	rddreg [dreg:$0x1]  }
0x3: {  	s10 =	stileid.u32;
	s1 =	srdreg.scid;
	s3 =	simm.s32 $0x0  }
0x4: {  	s29 =	simm.s32 $0x1;
	s31 =	simm.s32 $0x2;
	s5 =	smul.u32 $0x9C40, s10  }
0x5: {  	s1 =	sand.u32 $0x1, s1;
	[smem:$0x7FF] =	sst s3;
	s6 =	smul.u32 $0x271, s10  }
0x6: {  	s4 =	sadd.s32 $0x90400, s0;
	s19 =	sadd.s32 $0x15C00, s0;
	s9 =	smul.u32 $0x4E20, s10  }
0x7: {  	s20 =	sadd.s32 $0x2200, s0;
	s23 =	sshll.u32 s10, $0x6;
	s18 =	smul.u32 $0x2710, s1  }
0x8: {  	_ =	strace $0x8000004A;
	s8 =	smul.u32 $0x4E200, s1;
	s1 =	ssub.s32 $0x2, s1  }
0x9: {  	s7 =	sshrl.u32 s5, $0x4;
	s22 =	sshrl.u32 s1, $0x1;
	s5 =	sshrl.u32 s5, $0x1  }
0xa: {  	s6 =	sadd.s32 s6, s18;
	s7 =	sadd.s32 s7, s0;
	s1 =	ssub.s32 s1, s22  }
0xb: {  	s14 =	sadd.s32 s9, s8;
	s5 =	sadd.s32 s5, s2;
	s22 =	simm.s32 $0x50  }
0xc: {  	s6 =	sshll.u32 s6, $0x2;
	[dreg:$0x3] =	wrdreg s5;
	s15 =	sshrl.u32 s14, $0x3  }
0xd: {  	s24 =	sadd.s32 $0x38400, s7;
	s7 =	sor.u32 $0x1C11, s23;
	s16 =	sadd.s32 $0x140, s14  }
0xe: {  	s17 =	smax.u32 s1, $0x1;
	s1 =	simm.s32 $0xF;
	s23 =	simm.s32 $0xD  }
0xf: {  	s0 =	sadd.s32 s6, s0;
	[dreg:$0x4] =	wrdreg s24;
	s25 =	sadd.s32 s19, s15  }
0x10: {  	s26 =	sadd.s32 s20, s15;
	s11 =	sadd.s32 $0xA, s15;
	s13 =	sadd.s32 $0x14, s15  }
0x11: {  	s15 =	sadd.s32 $0x1E, s15;
	s21 =	sshrl.u32 s16, $0x3;
	[dreg:$0x5] =	wrdreg s25  }
.Ltmp0:
0x12: {  	s24 =	simm.s32 $0xE;
	[dreg:$0x6] =	wrdreg s26;
	(pc) =	sbr.rel .LBB2_1-.Ltmp0, $4  }
0x13: {  	s10 =	sadd.s32 s19, s11;
	s11 =	sadd.s32 s20, s11;
	s12 =	sadd.s32 s19, s13  }
0x14: {  	s13 =	sadd.s32 s20, s13;
	s14 =	sadd.s32 s19, s15;
	s15 =	sadd.s32 s20, s15  }
0x15: {  	s16 =	sadd.s32 $0xA3E00, s0;
	s30 =	sadd.s32 s21, s20;
	s28 =	sadd.s32 s21, s19  }
0x16: {  	v0 =	vmov s18;
	s20 =	simm.s32 $0x11;
	s21 =	simm.s32 $0x10;
	s25 =	simm.s32 $0x0  }
.LBB2_7:
0x17: {  	_ =	swait.ge [sflag:s1], $0xA00  }
0x18: {  	[sflag:s1] =	ssyncset.done $0x0  }
0x19: {  	[sflag:s1] =	ssyncadd.s32 $0xFFFFF600  }
0x1a: {  	_ =	swait.ge [sflag:s21], $0xA00  }
0x1b: {  	[sflag:s21] =	ssyncset.done $0x0  }
0x1c: {  	[sflag:s21] =	ssyncadd.s32 $0xFFFFF600  }
0x1d: {  	_ =	swait.ge [sflag:s23], $0xA00  }
0x1e: {  	[sflag:s23] =	ssyncset.done $0x0  }
0x1f: {  	[sflag:s23] =	ssyncadd.s32 $0xFFFFF600  }
0x20: {  	_ =	swait.ge [sflag:s24], $0xA00  }
0x21: {  	s25 =	sadd.s32 $0x1, s25;
	[sflag:s24] =	ssyncset.done $0x0  }
0x22: {  	p0 =	sne.s32 s25, s17;
	[sflag:s24] =	ssyncadd.s32 $0xFFFFF600  }
.Ltmp1:
0x23: {  	[bflag:$0x0] =	sbarrier.arrive $0xFFFF;
	(pc) =	sbr.rel @!p0 .LBB2_8-.Ltmp1, $4  }
0x24: {  	[hbm:s16], [sflag:s7] =	dma.local [spmem:s26], $0x9C4  }
0x25: {  	_ =	swait.ge [sflag:s20], $0x9C4  }
0x26: {  	[sflag:s20] =	ssyncset.done $0x0  }
0x27: {  	[sflag:s20] =	ssyncadd.s32 $0xFFFFF63C  }
.LBB2_1:
0x28: {  	s0 =	rddreg [dreg:$0x3]  }
0x29: {  	s8 =	rddreg [dreg:$0x4];
	s26 =	sshrl.u32 s0, $0x3  }
0x2a: {  	[spmem:s26], [sflag:s7] =	dma.local [hbm:s8], $0x9C4  }
0x2b: {  	_ =	swait.ge [sflag:s20], $0x9C4  }
0x2c: {  	[sflag:s20] =	ssyncset.done $0x0  }
0x2d: {  	[sflag:s20] =	ssyncadd.s32 $0xFFFFF63C  }
0x2e: {  	[bflag:$0x0] =	sbarrier.arrive $0xFFFF  }
0x2f: {  	s9 =	rddreg [dreg:$0x5]  }
0x30: {  	[tilespmem:s3], [sflag:$0x1] =	stream.linear.gather [hbm4b:s9+s3], $0x50, $0x38;
	[tilespmem:$0x7B20] =	vst v63  }
0x31: {  	s5 =	simm.s32 $0x280;
	s18 =	rddreg [dreg:$0x6]  }
0x32: {  	[tilespmem:s5], [sflag:$0x1] =	stream.linear.gather [hbm4b:s18+s3], $0x50, $0x38;
	[tilespmem:$0x7B20] =	vst v63  }
0x33: {  	_ = 	snop  }
0x34: {  	[tilespmem:s22], [sflag:$0x2] =	stream.linear.gather [hbm4b:s10+s3], $0x50, $0x38;
	[tilespmem:$0x7B20] =	vst v63  }
0x35: {  	s19 =	simm.s32 $0x2D0  }
0x36: {  	[tilespmem:s19], [sflag:$0x2] =	stream.linear.gather [hbm4b:s11+s3], $0x50, $0x38;
	[tilespmem:$0x7B20] =	vst v63  }
0x37: {  	s5 =	simm.s32 $0xA0  }
0x38: {  	[tilespmem:s5], [sflag:$0x3] =	stream.linear.gather [hbm4b:s12+s3], $0x50, $0x38;
	[tilespmem:$0x7B20] =	vst v63  }
0x39: {  	s6 =	simm.s32 $0x320  }
0x3a: {  	[tilespmem:s6], [sflag:$0x3] =	stream.linear.gather [hbm4b:s13+s3], $0x50, $0x38;
	[tilespmem:$0x7B20] =	vst v63  }
0x3b: {  	s8 =	simm.s32 $0xF0  }
0x3c: {  	[tilespmem:s8], [sflag:$0x4] =	stream.linear.gather [hbm4b:s14+s3], $0x50, $0x38;
	[tilespmem:$0x7B20] =	vst v63  }
0x3d: {  	s9 =	simm.s32 $0x370  }
0x3e: {  	[tilespmem:s9], [sflag:$0x4] =	stream.linear.gather [hbm4b:s15+s3], $0x50, $0x38;
	[tilespmem:$0x7B20] =	vst v63  }
0x3f: {  	_ =	swait.ge [sflag:s29], $0x50  }
0x40: {  	[sflag:s29] =	ssyncset.done $0x0  }
0x41: {  	[sflag:s29] =	ssyncadd.s32 $0xFFFFFFB0  }
0x42: {  	_ =	swait.ge [sflag:s29], $0x50  }
0x43: {  	[sflag:s29] =	ssyncset.done $0x0  }
0x44: {  	[sflag:s29] =	ssyncadd.s32 $0xFFFFFFB0  }
0x45: {  	v1 =	vld [tilespmem:$0x0]  }
0x46: {  	v2 =	vld [tilespmem:$0x10]  }
0x47: {  	v3 =	vld [tilespmem:$0x20]  }
0x48: {  	v4 =	vld [tilespmem:$0x30]  }
0x49: {  	v5 =	vld [tilespmem:$0x40]  }
0x4a: {  	v1 =	vadd.s32 v0, v1  }
0x4b: {  	[tilespmem:$0x0] =	vst v1;
	v1 =	vadd.s32 v0, v2  }
0x4c: {  	[tilespmem:$0x10] =	vst v1;
	v1 =	vadd.s32 v0, v3  }
0x4d: {  	[tilespmem:$0x20] =	vst v1;
	v1 =	vadd.s32 v0, v4  }
0x4e: {  	[tilespmem:$0x30] =	vst v1;
	v1 =	vadd.s32 v0, v5  }
0x4f: {  	s18 =	simm.s32 $0x500;
	[tilespmem:$0x40] =	vst v1  }
0x50: {  	[tilespmem:s18], [sflag:$0x9] =	stream.indirect.gather [hbm4b:s4+s22], $0x20, s3, s22, $0xb8;
	[tilespmem:$0x7B20] =	vst v63  }
0x51: {  	_ =	swait.ge [sflag:s31], $0x50  }
0x52: {  	[sflag:s31] =	ssyncset.done $0x0  }
0x53: {  	[sflag:s31] =	ssyncadd.s32 $0xFFFFFFB0  }
0x54: {  	_ =	swait.ge [sflag:s31], $0x50  }
0x55: {  	[sflag:s31] =	ssyncset.done $0x0  }
0x56: {  	[sflag:s31] =	ssyncadd.s32 $0xFFFFFFB0  }
0x57: {  	v1 =	vld [tilespmem:$0x50]  }
0x58: {  	v2 =	vld [tilespmem:$0x60]  }
0x59: {  	v3 =	vld [tilespmem:$0x70]  }
0x5a: {  	v62 =	vld [tilespmem:$0x80]  }
0x5b: {  	v63 =	vld [tilespmem:$0x90]  }
0x5c: {  	v1 =	vadd.s32 v0, v1  }
0x5d: {  	[tilespmem:$0x50] =	vst v1;
	v1 =	vadd.s32 v0, v2  }
0x5e: {  	[tilespmem:$0x60] =	vst v1;
	v1 =	vadd.s32 v0, v3  }
.Ltmp2:
0x5f: {  	[tilespmem:$0x70] =	vst v1;
	v1 =	vadd.s32 v0, v62;
	(pc) =	sbr.rel .LBB2_2-.Ltmp2, $4  }
0x60: {  	[tilespmem:$0x80] =	vst v1;
	v1 =	vadd.s32 v0, v63  }
0x61: {  	s19 =	simm.s32 $0xF00;
	[tilespmem:$0x90] =	vst v1  }
0x62: {  	[tilespmem:s19], [sflag:$0xA] =	stream.indirect.gather [hbm4b:s4+s22], $0x20, s22, s22, $0xb8;
	[tilespmem:$0x7B20] =	vst v63  }
0x63: {  	s0 =	simm.s32 $0x0;
	s18 =	smov.u32 s30;
	s19 =	smov.u32 s28  }
.LBB2_3:
0x64: {  	s5 =	sadd.s32 $0x4, s0  }
0x65: {  	s5 =	sand.u32 $0x7, s5  }
0x66: {  	s6 =	smul.u32 $0x50, s5  }
0x67: {  	s5 =	sadd.s32 $0x1, s5  }
0x68: {  	[tilespmem:s6], [sflag:s5] =	stream.linear.gather [hbm4b:s19+s3], $0x50, $0x38;
	[tilespmem:$0x7B20] =	vst v63  }
0x69: {  	s6 =	sadd.s32 $0x280, s6  }
0x6a: {  	[tilespmem:s6], [sflag:s5] =	stream.linear.gather [hbm4b:s18+s3], $0x50, $0x38;
	[tilespmem:$0x7B20] =	vst v63  }
.LBB2_5:
0x6b: {  	s5 =	sadd.s32 $0x2, s0  }
0x6c: {  	s6 =	sand.u32 $0x7, s5  }
0x6d: {  	s8 =	sadd.s32 $0x1, s6  }
0x6e: {  	_ =	swait.ge [sflag:s8], $0x50  }
0x6f: {  	[sflag:s8] =	ssyncset.done $0x0  }
0x70: {  	[sflag:s8] =	ssyncadd.s32 $0xFFFFFFB0  }
0x71: {  	s6 =	smul.u32 $0x140, s6;
	_ =	swait.ge [sflag:s8], $0x50  }
0x72: {  	[sflag:s8] =	ssyncset.done $0x0  }
0x73: {  	s6 =	sshrl.u32 s6, $0x2;
	[sflag:s8] =	ssyncadd.s32 $0xFFFFFFB0  }
0x74: {  	v1 =	vld [tilespmem:s6+$0x0]  }
0x75: {  	v2 =	vld [tilespmem:s6+$0x10]  }
0x76: {  	v3 =	vld [tilespmem:s6+$0x20]  }
0x77: {  	v4 =	vld [tilespmem:s6+$0x30]  }
0x78: {  	v5 =	vld [tilespmem:s6+$0x40]  }
0x79: {  	v1 =	vadd.s32 v0, v1  }
0x7a: {  	[tilespmem:s6+$0x0] =	vst v1;
	v1 =	vadd.s32 v0, v2  }
0x7b: {  	p0 =	slt.u32 s0, $0x2;
	[tilespmem:s6+$0x10] =	vst v1;
	v1 =	vadd.s32 v0, v3  }
0x7c: {  	s8 =	sand.u32 @!p0 $0x3, s0;
	[tilespmem:s6+$0x20] =	vst v1;
	v1 =	vadd.s32 v0, v4  }
0x7d: {  	s5 =	sand.u32 $0x3, s5;
	s8 =	sxor.u32 @!p0 $0x2, s8;
	[tilespmem:s6+$0x30] =	vst v1;
	v1 =	vadd.s32 v0, v5  }
0x7e: {  	s9 =	smul.u32 $0x2800, s5;
	s8 =	sadd.s32 @!p0 $0xD, s8;
	[tilespmem:s6+$0x40] =	vst v1  }
0x7f: {  	_ =	swait.ge @!p0 [sflag:s8], $0xA00  }
0x80: {  	s9 =	sshrl.u32 s9, $0x2;
	[sflag:s8] =	ssyncset.done @!p0 $0x0  }
0x81: {  	s5 =	sadd.s32 $0x9, s5;
	s9 =	sadd.s32 $0x500, s9;
	[sflag:s8] =	ssyncadd.s32 @!p0 $0xFFFFF600  }
0x82: {  	[tilespmem:s9], [sflag:s5] =	stream.indirect.gather [hbm4b:s4+s22], $0x20, s6, s22, $0xb8;
	[tilespmem:$0x7B20] =	vst v63  }
.LBB2_6:
0x83: {  	s5 =	sand.u32 $0x3, s0  }
0x84: {  	s9 =	sand.u32 $0x7, s0;
	s0 =	sadd.s32 $0x1, s0;
	s6 =	smul.u32 $0x2800, s5  }
0x85: {  	s9 =	smul.u32 $0x140, s9;
	p0 =	sne.s32 s0, $0xFA  }
.Ltmp3:
0x86: {  	s18 =	sadd.s32 $0xA, s18;
	s8 =	sadd.s32 $0x9, s5;
	(pc) =	sbr.rel @!p0 .LBB2_7-.Ltmp3, $4  }
0x87: {  	s19 =	sadd.s32 $0xA, s19;
	s5 =	sadd.s32 $0xD, s5;
	_ =	swait.ge [sflag:s8], $0xA00  }
0x88: {  	[sflag:s8] =	ssyncset.done $0x0;
	s6 =	sshrl.u32 s6, $0x2;
	s9 =	sshrl.u32 s9, $0x2  }
0x89: {  	[sflag:s8] =	ssyncadd.s32 $0xFFFFF600;
	s6 =	sadd.s32 $0x500, s6;
	s8 =	sadd.s32 $0x280, s9  }
0x8a: {  	[spmem:s2] =	stream.indirect.scatter.add.bf16 [tilespmem:s6], [sflag:s5], $0x20, s8, s22, $0xb8;
	[tilespmem:$0x7B20] =	vst v63  }
.LBB2_2:
0x8b: {  	p0 =	sgt.u32 s0, $0xF5  }
.Ltmp4:
0x8c: {  	_ = 	snop;
	(pc) =	sbr.rel @!p0 .LBB2_3-.Ltmp4, $1  }
0x8d: {  	_ =	sdelay $0x3  }
0x8e: {  	p0 =	sgt.u32 s0, $0xF7  }
.Ltmp5:
0x8f: {  	_ = 	snop;
	(pc) =	sbr.rel @p0 .LBB2_6-.Ltmp5, $4  }
.Ltmp6:
0x90: {  	_ = 	snop;
	(pc) =	sbr.rel @!p0 .LBB2_5-.Ltmp6, $4  }
0x91: {  	_ = 	snop  }
0x92: {  	_ = 	snop  }
0x93: {  	_ = 	snop  }
0x94: {  	_ = 	snop  }
.LBB2_8:
0x95: {  	_ =	sfence.sel $0x180000  }
0x96: {  	[bflag:$0x0] =	sbarrier.arrive $0xFFFF  }
0x97: {  	_ =	strace $0x9000004A  }
0x98: {  	s0 =	stileid.u32;
	[bflag:$0x2] =	sbarrier.arrive $0xFFFF  }
0x99: {  	p0 =	sne.s32 s0, $0x0;
	s0 =	rddreg [dreg:$0x2]  }
0x9a: {  	s0 =	sadd.s32 @!p0 $0x100000, s0  }
0x9b: {  	[sflag:s0] =	ssyncadd.tile.s32 @!p0 $0x1;
	_ =	shalt  }
.Lfunc_end2:
_tile_overlayer_lowered:
.L_overlay_start_2:
0x9c: {  	(tag) =	ssettag $0x2  }
0x9d: {  	s0 =	rddreg [dreg:$0x0];
	s2 =	stileid.u32  }
0x9e: {  	s1 =	rddreg [dreg:$0x1];
	p0 =	sne.s32 s2, $0x0  }
0x9f: {  	s3 =	rddreg [dreg:$0x2];
	[bflag:$0x3] =	sbarrier.arrive $0xFFFF;
	s2 =	simm.s32 @!p0 $0x1C11  }
0xa0: {  	[timem:s3], [sflag:s2] =	dma.local @!p0 [hbm:s0], s1  }
0xa1: {  	s0 =	simm.s32 @!p0 $0x11  }
0xa2: {  	_ =	swait.ge @!p0 [sflag:s0], s1  }
0xa3: {  	s1 =	ssub.s32 @!p0 $0x0, s1;
	[sflag:s0] =	ssyncset.done @!p0 $0x0  }
0xa4: {  	[sflag:s0] =	ssyncadd.s32 @!p0 s1  }
0xa5: {  	[bflag:$0x3] =	sbarrier.arrive $0xFFFF  }
0xa6: {  	_ =	shalt  }

// kernel: kernel.14.cloned.1.call-start
scs
__scs_entry_jumppad:
0x0: {  	(pc) =	sbr.rel $0x88, $3  }
0x1: {  	(tag) =	ssettag $0x0;
	lr =	simm.s32 $0x1  }
0x2: {  	[smem:$0x3F96] =	sst lr;
	_ =	strace $0xD0000000  }
0x3: {  	_ = 	snop  }
0x4: {  	_ = 	snop  }
0x5: {  	_ = 	snop  }
0x6: {  	_ = 	snop  }
0x7: {  	_ = 	snop  }
__scs_overlays_trampoline_lowered:
0x8: {  	[smem:$0x3FA5] =	sst s0  }
0x9: {  	[smem:$0x3FA6] =	sst s1  }
0xa: {  	[smem:$0x3FA7] =	sst s2  }
0xb: {  	[smem:$0x3FA8] =	sst s3  }
0xc: {  	[smem:$0x3FA9] =	sst s4  }
0xd: {  	[smem:$0x3FAA] =	sst s5  }
0xe: {  	[smem:$0x3FAB] =	sst s6  }
0xf: {  	[smem:$0x3FAC] =	sst s7  }
0x10: {  	[smem:$0x3FAD] =	sst s8  }
0x11: {  	[smem:$0x3FAE] =	sst s9;
	s0 =	simm.s32 @!p0 $0x0  }
0x12: {  	s1 =	sld [smem:$0x3F94];
	s0 =	simm.s32 @p0 $0x1  }
0x13: {  	[smem:$0x3FAF] =	sst s0;
	s0 =	simm.s32 @!p1 $0x0  }
0x14: {  	s2 =	sld [smem:$0x3F93];
	s0 =	simm.s32 @p1 $0x1  }
0x15: {  	[smem:$0x3FB0] =	sst s0;
	s0 =	simm.s32 @!p2 $0x0  }
0x16: {  	s3 =	sld [smem:$0x3FDB];
	s0 =	simm.s32 @p2 $0x1  }
0x17: {  	s4 =	simm.s32 $0x1BF5;
	[smem:$0x3FB2] =	sst s0  }
0x18: {  	s0 =	sld [smem:$0x3F95];
	_ =	swait.ge [sflag:s4], $0x0  }
0x19: {  	s7 =	sld [smem:$0x3F96]  }
0x1a: {  	s8 =	sadd.s32 $0xFFFFE003, lr  }
0x1b: {  	s9 =	sadd.s32 $0xFFFFFEF7, lr;
	s5 =	simm.s32 $0xFFFFFFFF;
	p2 =	slt.u32 s8, $0xFFFFF086  }
0x1c: {  	p1 =	slt.u32 s9, $0xF7A;
	s5 =	simm.s32 @!p2 $0x0  }
0x1d: {  	s5 =	simm.s32 @p1 $0x1;
	p0 =	seq.s32 s7, s2  }
0x1e: {  	s7 =	smul.u32 @!p0 $0xF7A, s2;
	p2 =	seq.s32 @!p0 s5, $0x0  }
0x1f: {  	s9 =	smul.u32 $0xF7A, s1;
	s8 =	simm.s32 @!p0 $0x1BF5;
	p2 =	por !p2, p0  }
0x20: {  	[sflag:s8] =	ssyncset.s32 @!p0 $0xFFFFF086;
	s6 =	sadd.s32 @!p0 s3, s7;
	s7 =	simm.s32 @!p0 $0x108  }
0x21: {  	s3 =	sadd.s32 s3, s9;
	s6 =	sadd.s32 @!p0 $0x88, s6;
	s7 =	simm.s32 @p2 $0x1082  }
0x22: {  	[simem:s7], [sflag:s8] =	dma.local @!p0 [hbm:s6], $0xF7A  }
0x23: {  	s9 =	sor.u32 $0xD0000000, s2;
	s6 =	simm.s32 $0x108;
	_ =	swait.ge @!p0 [sflag:s8], $0x0  }
0x24: {  	s3 =	sadd.s32 $0x88, s3;
	s6 =	simm.s32 @!p1 $0x1082;
	[sflag:s4] =	ssyncset.s32 $0xFFFFF086  }
0x25: {  	[simem:s6], [sflag:s4] =	dma.local [hbm:s3], $0xF7A  }
0x26: {  	[smem:$0x3F96] =	sst s1;
	(tag) =	ssettag s2;
	_ =	strace s9  }
0x27: {  	s1 =	sld [smem:$0x3FA6]  }
0x28: {  	s2 =	sld [smem:$0x3FA7]  }
0x29: {  	s4 =	sld [smem:$0x3FA9]  }
0x2a: {  	p0 =	seq.s32 s5, $0x0;
	s5 =	sld [smem:$0x3FAA]  }
0x2b: {  	s6 =	sld [smem:$0x3FAB]  }
0x2c: {  	s7 =	sld [smem:$0x3FAC]  }
0x2d: {  	s3 =	simm.s32 $0x108;
	s8 =	sld [smem:$0x3FAD]  }
0x2e: {  	s3 =	simm.s32 @!p0 $0x1082;
	s9 =	sld [smem:$0x3FAE]  }
0x2f: {  	lr =	sadd.s32 s0, s3;
	s0 =	sld [smem:$0x3FA5]  }
0x30: {  	s3 =	sld [smem:$0x3FA8]  }
0x31: {  	[smem:$0x3FB1] =	sst s10  }
0x32: {  	s10 =	sld [smem:$0x3FAF];
	_ =	sdelay $0x3  }
0x33: {  	p0 =	seq.s32 s10, $0x1;
	s10 =	sld [smem:$0x3FB1];
	_ =	sdelay $0x3  }
0x34: {  	[smem:$0x3FB1] =	sst s10  }
0x35: {  	s10 =	sld [smem:$0x3FB0];
	_ =	sdelay $0x3  }
0x36: {  	p1 =	seq.s32 s10, $0x1;
	s10 =	sld [smem:$0x3FB1];
	_ =	sdelay $0x3  }
0x37: {  	[smem:$0x3FB1] =	sst s10  }
0x38: {  	s10 =	sld [smem:$0x3FB2]  }
0x39: {  	_ = 	snop;
	(pc) =	sbr.ind lr, $3  }
0x3a: {  	_ = 	snop  }
0x3b: {  	_ = 	snop  }
0x3c: {  	p2 =	seq.s32 s10, $0x1;
	s10 =	sld [smem:$0x3FB1]  }
0x3d: {  	_ =	shalt  }
0x3e: {  	_ =	shalt  }
0x3f: {  	_ =	shalt  }
0x40: {  	_ =	shalt  }
0x41: {  	_ =	shalt  }
0x42: {  	_ =	shalt  }
0x43: {  	_ =	shalt  }
0x44: {  	_ =	shalt  }
0x45: {  	_ =	shalt  }
0x46: {  	_ =	shalt  }
0x47: {  	_ =	shalt  }
0x48: {  	_ =	shalt  }
0x49: {  	_ =	shalt  }
0x4a: {  	_ =	shalt  }
0x4b: {  	_ =	shalt  }
0x4c: {  	_ =	shalt  }
0x4d: {  	_ =	shalt  }
0x4e: {  	_ =	shalt  }
0x4f: {  	_ =	shalt  }
0x50: {  	_ =	shalt  }
0x51: {  	_ =	shalt  }
0x52: {  	_ =	shalt  }
0x53: {  	_ =	shalt  }
0x54: {  	_ =	shalt  }
0x55: {  	_ =	shalt  }
0x56: {  	_ =	shalt  }
0x57: {  	_ =	shalt  }
0x58: {  	_ =	shalt  }
0x59: {  	_ =	shalt  }
0x5a: {  	_ =	shalt  }
0x5b: {  	_ =	shalt  }
0x5c: {  	_ =	shalt  }
0x5d: {  	_ =	shalt  }
0x5e: {  	_ =	shalt  }
0x5f: {  	_ =	shalt  }
0x60: {  	_ =	shalt  }
0x61: {  	_ =	shalt  }
0x62: {  	_ =	shalt  }
0x63: {  	_ =	shalt  }
0x64: {  	_ =	shalt  }
0x65: {  	_ =	shalt  }
0x66: {  	_ =	shalt  }
0x67: {  	_ =	shalt  }
0x68: {  	_ =	shalt  }
0x69: {  	_ =	shalt  }
0x6a: {  	_ =	shalt  }
0x6b: {  	_ =	shalt  }
0x6c: {  	_ =	shalt  }
0x6d: {  	_ =	shalt  }
0x6e: {  	_ =	shalt  }
0x6f: {  	_ =	shalt  }
0x70: {  	_ =	shalt  }
0x71: {  	_ =	shalt  }
0x72: {  	_ =	shalt  }
0x73: {  	_ =	shalt  }
0x74: {  	_ =	shalt  }
0x75: {  	_ =	shalt  }
0x76: {  	_ =	shalt  }
0x77: {  	_ =	shalt  }
0x78: {  	_ =	shalt  }
0x79: {  	_ =	shalt  }
0x7a: {  	_ =	shalt  }
0x7b: {  	_ =	shalt  }
0x7c: {  	_ =	shalt  }
0x7d: {  	_ =	shalt  }
0x7e: {  	_ =	shalt  }
0x7f: {  	_ =	shalt  }
0x80: {  	_ =	shalt  }
0x81: {  	_ =	shalt  }
0x82: {  	_ =	shalt  }
0x83: {  	_ =	shalt  }
0x84: {  	_ =	shalt  }
0x85: {  	_ =	shalt  }
0x86: {  	_ =	shalt  }
0x87: {  	_ =	shalt  }
.Lfunc_end0:
.L_simem_size_0:
called_computation.2_lowered:
.L_overlay_start_0:
0x88: {  	s2 =	sld [smem:$0x3FD9]  }
0x89: {  	s3 =	sld [smem:$0x3FFE];
	_ =	sdelay $0x1  }
0x8a: {  	s1 =	srdreg.scid  }
0x8b: {  	s0 =	sand.u32 $0x1, s1  }
0x8c: {  	s16 =	sshll.u32 s0, $0xA;
	s2 =	sadd.s32 s3, s2  }
0x8d: {  	s2 =	sadd.s32 s2, s16  }
0x8e: {  	[smem:$0x3FBD] =	sst s2  }
0x8f: {  	_ = 	snop  }
0x90: {  	(tm) =	ssettm $0x1  }
0x91: {  	s17 =	sld [smem:$0x3FFB];
	_ =	sdelay $0x3  }
0x92: {  	_ =	strace s17  }
0x93: {  	s2 =	sld [smem:$0x3FFC];
	_ =	sdelay $0x3  }
0x94: {  	_ =	strace s2  }
0x95: {  	s2 =	sld [smem:$0x3FFD];
	_ =	sdelay $0x3  }
0x96: {  	_ =	strace s2  }
0x97: {  	_ =	strace $0x8FFFFFFF  }
0x98: {  	s18 =	sld [smem:$0x3FDB];
	_ =	sdelay $0x1  }
0x99: {  	s19 =	simm.s32 $_scs_section_size  }
0x9a: {  	s4 =	simm.s32 $_size__tile_overlayer_lowered;
	s5 =	simm.s32 $_tile_overlayer_lowered  }
0x9b: {  	s22 =	simm.s32 $0x1BFF;
	s21 =	sshll.u32 s5, $0x1;
	s2 =	sadd.s32 s19, s18  }
0x9c: {  	s6 =	simm.s32 $0x0;
	s20 =	sshll.u32 s4, $0x1;
	s4 =	sadd.s32 s21, s2  }
0x9d: {  	[timem:s6], [sflag:s22] =	dma.local [hbm:s4], s20  }
0x9e: {  	_ =	swait.ge [sflag:s22], s20  }
0x9f: {  	s3 =	ssub.s32 $0x0, s20;
	[sflag:s22] =	ssyncset.done $0x0  }
0xa0: {  	[sflag:s22] =	ssyncadd.s32 s3;
	_ =	sdelay $0x1  }
0xa1: {  	s23 =	simm.s32 $0x1B8B  }
0xa2: {  	_ =	swait.ge [sflag:s23], $0x1  }
0xa3: {  	[sflag:s23] =	ssyncset.done $0x0  }
0xa4: {  	s25 =	simm.s32 $0x1B8E;
	s24 =	sld [smem:$0x3FFE];
	[sflag:s23] =	ssyncadd.s32 $0xFFFFFFFF  }
0xa5: {  	s26 =	simm.s32 $execute0_lowered;
	[smem:$0x3FD2] =	sst s25  }
0xa6: {  	s4 =	sshll.u32 s26, $0x1;
	_ =	strace $0x8000004C;
	[dreg:$0x1] =	wrdreg $0xFFFFFFFF  }
0xa7: {  	s28 =	simm.s32 $_size_execute0_lowered;
	s2 =	sadd.s32 s2, s4;
	[dreg:$0x0] =	wrdreg $0x0  }
0xa8: {  	s4 =	sshll.u32 s28, $0x1;
	[dreg:$0x2] =	wrdreg s2  }
0xa9: {  	[dreg:$0x3] =	wrdreg s4  }
0xaa: {  	[dreg:$0x4] =	wrdreg $0xC0  }
0xab: {  	_ =	task [dreg:s6], $0x5FFFF  }
0xac: {  	[dreg:$0x1] =	wrdreg $0xFFFFFFFF  }
0xad: {  	[dreg:$0x0] =	wrdreg $0x60  }
0xae: {  	[dreg:$0x2] =	wrdreg s24  }
0xaf: {  	[dreg:$0x3] =	wrdreg $0x19000  }
0xb0: {  	[dreg:$0x4] =	wrdreg $0x9  }
0xb1: {  	_ =	task.clear_ibuf [dreg:s6], $0x5FFFF;
	_ =	strace $0x9000004C  }
0xb2: {  	s29 =	simm.s32 $0x9;
	_ =	strace $0x8000004E  }
0xb3: {  	_ =	swait.ge [sflag:s29], $0x1  }
0xb4: {  	[sflag:s29] =	ssyncadd.s32 $0xFFFFFFFF  }
0xb5: {  	_ =	strace $0x9000004E  }
0xb6: {  	_ =	sfence  }
0xb7: {  	s30 =	sld [smem:$0x0];
	_ =	sdelay $0x2  }
0xb8: {  	s31 =	sshll.u32 s1, $0xD;
	s1 =	sshrl.u32 s1, $0x2  }
0xb9: {  	s3 =	sand.u32 $0x4000, s31;
	s1 =	sadd.s32 s1, s30  }
0xba: {  	s0 =	sor.u32 s3, s0;
	s1 =	sshll.u32 s1, $0x11  }
0xbb: {  	s0 =	sor.u32 s1, s0  }
0xbc: {  	s0 =	sadd.s32 $0x8F2B, s0  }
0xbd: {  	[sflag:s0] =	ssyncadd.remote.s32 $0x1  }
0xbe: {  	_ =	sfence.sel $0xFFFF  }
0xbf: {  	[dreg:$0x0] =	wrdreg $0xFFFFFFFF;
	(pc) =	sbr.abs _section_cstart, $3  }
0xc0: {  	[dreg:$0x1] =	wrdreg $0xFFFFFFFF  }
0xc1: {  	_ =	task.clear_ibuf [dreg:s6], $0x2FFFF;
	_ =	strace $0x9FFFFFFF  }
0xc2: {  	(tm) =	ssettm $0x7FFFFFFF  }
0xc3: {  	_ =	shalt  }
tec
execute0_lowered:
.L_overlay_start_1:
0x0: {  	(tag) =	ssettag $0x1  }
0x1: {  	s0 =	rddreg [dreg:$0x0];
	s9 =	stileid.u32  }
0x2: {  	s1 =	srdreg.scid;
	s2 =	rddreg [dreg:$0x1]  }
0x3: {  	s3 =	simm.s32 $0x0;
	s29 =	simm.s32 $0x1;
	s31 =	simm.s32 $0x2  }
0x4: {  	s21 =	simm.s32 $0x10;
	s5 =	smul.u32 $0x4E20, s9;
	s1 =	sand.u32 $0x1, s1  }
0x5: {  	[smem:$0x7FF] =	sst s3;
	s6 =	smul.u32 $0x271, s9;
	s4 =	sadd.s32 $0x2E600, s0  }
0x6: {  	s19 =	sadd.s32 $0x15C00, s0;
	s20 =	sadd.s32 $0x2200, s0;
	s23 =	sshll.u32 s9, $0x6  }
0x7: {  	s18 =	smul.u32 $0x2710, s1;
	_ =	strace $0x8000004D;
	s8 =	ssub.s32 $0x2, s1  }
0x8: {  	s1 =	smul.u32 $0x4E200, s1;
	s7 =	sshrl.u32 s5, $0x4;
	s22 =	sshrl.u32 s8, $0x1  }
0x9: {  	s6 =	sadd.s32 s6, s18;
	s7 =	sadd.s32 s7, s0;
	s17 =	ssub.s32 s8, s22  }
0xa: {  	s1 =	sadd.s32 s5, s1;
	s5 =	sshrl.u32 s5, $0x1;
	s22 =	simm.s32 $0x50  }
0xb: {  	s6 =	sshll.u32 s6, $0x1;
	s5 =	sadd.s32 s5, s2;
	s14 =	sshrl.u32 s1, $0x3  }
0xc: {  	s24 =	sadd.s32 $0x29600, s7;
	s7 =	sor.u32 $0x1C11, s23;
	s1 =	sadd.s32 $0x140, s1  }
0xd: {  	s17 =	smax.u32 s17, $0x1;
	s23 =	simm.s32 $0xD;
	[dreg:$0x3] =	wrdreg s5  }
0xe: {  	s0 =	sadd.s32 s6, s0;
	[dreg:$0x4] =	wrdreg s24;
	s25 =	sadd.s32 s19, s14  }
0xf: {  	s26 =	sadd.s32 s20, s14;
	s11 =	sadd.s32 $0xA, s14;
	s13 =	sadd.s32 $0x14, s14  }
0x10: {  	s15 =	sadd.s32 $0x1E, s14;
	s1 =	sshrl.u32 s1, $0x3;
	[dreg:$0x5] =	wrdreg s25  }
.Ltmp0:
0x11: {  	s24 =	simm.s32 $0xE;
	[dreg:$0x6] =	wrdreg s26;
	(pc) =	sbr.rel .LBB2_1-.Ltmp0, $4  }
0x12: {  	s10 =	sadd.s32 s19, s11;
	s11 =	sadd.s32 s20, s11;
	s12 =	sadd.s32 s19, s13  }
0x13: {  	s13 =	sadd.s32 s20, s13;
	s14 =	sadd.s32 s19, s15;
	s15 =	sadd.s32 s20, s15  }
0x14: {  	s16 =	sadd.s32 $0x38400, s0;
	s30 =	sadd.s32 s1, s20;
	s28 =	sadd.s32 s1, s19  }
0x15: {  	v0 =	vmov s18;
	s20 =	simm.s32 $0x11;
	s0 =	simm.s32 $0xF;
	s25 =	simm.s32 $0x0  }
.LBB2_7:
0x16: {  	_ =	swait.ge [sflag:s0], $0x500  }
0x17: {  	[sflag:s0] =	ssyncset.done $0x0  }
0x18: {  	[sflag:s0] =	ssyncadd.s32 $0xFFFFFB00  }
0x19: {  	_ =	swait.ge [sflag:s21], $0x500  }
0x1a: {  	[sflag:s21] =	ssyncset.done $0x0  }
0x1b: {  	[sflag:s21] =	ssyncadd.s32 $0xFFFFFB00  }
0x1c: {  	_ =	swait.ge [sflag:s23], $0x500  }
0x1d: {  	[sflag:s23] =	ssyncset.done $0x0  }
0x1e: {  	[sflag:s23] =	ssyncadd.s32 $0xFFFFFB00  }
0x1f: {  	_ =	swait.ge [sflag:s24], $0x500  }
0x20: {  	s25 =	sadd.s32 $0x1, s25;
	[sflag:s24] =	ssyncset.done $0x0  }
0x21: {  	p0 =	sne.s32 s25, s17;
	[sflag:s24] =	ssyncadd.s32 $0xFFFFFB00  }
.Ltmp1:
0x22: {  	[bflag:$0x0] =	sbarrier.arrive $0xFFFF;
	(pc) =	sbr.rel @!p0 .LBB2_8-.Ltmp1, $4  }
0x23: {  	[hbm:s16], [sflag:s7] =	dma.local [spmem:s26], $0x4E2  }
0x24: {  	_ =	swait.ge [sflag:s20], $0x4E2  }
0x25: {  	[sflag:s20] =	ssyncset.done $0x0  }
0x26: {  	[sflag:s20] =	ssyncadd.s32 $0xFFFFFB1E  }
.LBB2_1:
0x27: {  	s1 =	rddreg [dreg:$0x3]  }
0x28: {  	s8 =	rddreg [dreg:$0x4];
	s26 =	sshrl.u32 s1, $0x3  }
0x29: {  	[spmem:s26], [sflag:s7] =	dma.local [hbm:s8], $0x4E2  }
0x2a: {  	_ =	swait.ge [sflag:s20], $0x4E2  }
0x2b: {  	[sflag:s20] =	ssyncset.done $0x0  }
0x2c: {  	[sflag:s20] =	ssyncadd.s32 $0xFFFFFB1E  }
0x2d: {  	[bflag:$0x0] =	sbarrier.arrive $0xFFFF  }
0x2e: {  	s9 =	rddreg [dreg:$0x5]  }
0x2f: {  	[tilespmem:s3], [sflag:$0x1] =	stream.linear.gather [hbm4b:s9+s3], $0x50, $0x38;
	[tilespmem:$0x4010] =	vst v63  }
0x30: {  	s5 =	simm.s32 $0x280;
	s18 =	rddreg [dreg:$0x6]  }
0x31: {  	[tilespmem:s5], [sflag:$0x1] =	stream.linear.gather [hbm4b:s18+s3], $0x50, $0x38;
	[tilespmem:$0x4010] =	vst v63  }
0x32: {  	_ = 	snop  }
0x33: {  	[tilespmem:s22], [sflag:$0x2] =	stream.linear.gather [hbm4b:s10+s3], $0x50, $0x38;
	[tilespmem:$0x4010] =	vst v63  }
0x34: {  	s19 =	simm.s32 $0x2D0  }
0x35: {  	[tilespmem:s19], [sflag:$0x2] =	stream.linear.gather [hbm4b:s11+s3], $0x50, $0x38;
	[tilespmem:$0x4010] =	vst v63  }
0x36: {  	s5 =	simm.s32 $0xA0  }
0x37: {  	[tilespmem:s5], [sflag:$0x3] =	stream.linear.gather [hbm4b:s12+s3], $0x50, $0x38;
	[tilespmem:$0x4010] =	vst v63  }
0x38: {  	s6 =	simm.s32 $0x320  }
0x39: {  	[tilespmem:s6], [sflag:$0x3] =	stream.linear.gather [hbm4b:s13+s3], $0x50, $0x38;
	[tilespmem:$0x4010] =	vst v63  }
0x3a: {  	s8 =	simm.s32 $0xF0  }
0x3b: {  	[tilespmem:s8], [sflag:$0x4] =	stream.linear.gather [hbm4b:s14+s3], $0x50, $0x38;
	[tilespmem:$0x4010] =	vst v63  }
0x3c: {  	s9 =	simm.s32 $0x370  }
0x3d: {  	[tilespmem:s9], [sflag:$0x4] =	stream.linear.gather [hbm4b:s15+s3], $0x50, $0x38;
	[tilespmem:$0x4010] =	vst v63  }
0x3e: {  	_ =	swait.ge [sflag:s29], $0x50  }
0x3f: {  	[sflag:s29] =	ssyncset.done $0x0  }
0x40: {  	[sflag:s29] =	ssyncadd.s32 $0xFFFFFFB0  }
0x41: {  	_ =	swait.ge [sflag:s29], $0x50  }
0x42: {  	[sflag:s29] =	ssyncset.done $0x0  }
0x43: {  	[sflag:s29] =	ssyncadd.s32 $0xFFFFFFB0  }
0x44: {  	v1 =	vld [tilespmem:$0x0]  }
0x45: {  	v2 =	vld [tilespmem:$0x10]  }
0x46: {  	v3 =	vld [tilespmem:$0x20]  }
0x47: {  	v4 =	vld [tilespmem:$0x30]  }
0x48: {  	v5 =	vld [tilespmem:$0x40]  }
0x49: {  	v1 =	vadd.s32 v0, v1  }
0x4a: {  	[tilespmem:$0x0] =	vst v1;
	v1 =	vadd.s32 v0, v2  }
0x4b: {  	[tilespmem:$0x10] =	vst v1;
	v1 =	vadd.s32 v0, v3  }
0x4c: {  	[tilespmem:$0x20] =	vst v1;
	v1 =	vadd.s32 v0, v4  }
0x4d: {  	[tilespmem:$0x30] =	vst v1;
	v1 =	vadd.s32 v0, v5  }
0x4e: {  	s18 =	simm.s32 $0x500;
	[tilespmem:$0x40] =	vst v1  }
0x4f: {  	[tilespmem:s18], [sflag:$0x9] =	stream.indirect.gather [hbm4b:s4+s22], $0x10, s3, s22, $0xb8;
	[tilespmem:$0x4010] =	vst v63  }
0x50: {  	_ =	swait.ge [sflag:s31], $0x50  }
0x51: {  	[sflag:s31] =	ssyncset.done $0x0  }
0x52: {  	[sflag:s31] =	ssyncadd.s32 $0xFFFFFFB0  }
0x53: {  	_ =	swait.ge [sflag:s31], $0x50  }
0x54: {  	[sflag:s31] =	ssyncset.done $0x0  }
0x55: {  	[sflag:s31] =	ssyncadd.s32 $0xFFFFFFB0  }
0x56: {  	v1 =	vld [tilespmem:$0x50]  }
0x57: {  	v2 =	vld [tilespmem:$0x60]  }
0x58: {  	v3 =	vld [tilespmem:$0x70]  }
0x59: {  	v62 =	vld [tilespmem:$0x80]  }
0x5a: {  	v63 =	vld [tilespmem:$0x90]  }
0x5b: {  	v1 =	vadd.s32 v0, v1  }
0x5c: {  	[tilespmem:$0x50] =	vst v1;
	v1 =	vadd.s32 v0, v2  }
0x5d: {  	[tilespmem:$0x60] =	vst v1;
	v1 =	vadd.s32 v0, v3  }
.Ltmp2:
0x5e: {  	[tilespmem:$0x70] =	vst v1;
	v1 =	vadd.s32 v0, v62;
	(pc) =	sbr.rel .LBB2_2-.Ltmp2, $4  }
0x5f: {  	[tilespmem:$0x80] =	vst v1;
	v1 =	vadd.s32 v0, v63  }
0x60: {  	s19 =	simm.s32 $0xA00;
	[tilespmem:$0x90] =	vst v1  }
0x61: {  	[tilespmem:s19], [sflag:$0xA] =	stream.indirect.gather [hbm4b:s4+s22], $0x10, s22, s22, $0xb8;
	[tilespmem:$0x4010] =	vst v63  }
0x62: {  	s1 =	simm.s32 $0x0;
	s18 =	smov.u32 s30;
	s19 =	smov.u32 s28  }
.LBB2_3:
0x63: {  	s5 =	sadd.s32 $0x4, s1  }
0x64: {  	s5 =	sand.u32 $0x7, s5  }
0x65: {  	s6 =	smul.u32 $0x50, s5  }
0x66: {  	s5 =	sadd.s32 $0x1, s5  }
0x67: {  	[tilespmem:s6], [sflag:s5] =	stream.linear.gather [hbm4b:s19+s3], $0x50, $0x38;
	[tilespmem:$0x4010] =	vst v63  }
0x68: {  	s6 =	sadd.s32 $0x280, s6  }
0x69: {  	[tilespmem:s6], [sflag:s5] =	stream.linear.gather [hbm4b:s18+s3], $0x50, $0x38;
	[tilespmem:$0x4010] =	vst v63  }
.LBB2_5:
0x6a: {  	s5 =	sadd.s32 $0x2, s1  }
0x6b: {  	s6 =	sand.u32 $0x7, s5  }
0x6c: {  	s8 =	sadd.s32 $0x1, s6  }
0x6d: {  	_ =	swait.ge [sflag:s8], $0x50  }
0x6e: {  	[sflag:s8] =	ssyncset.done $0x0  }
0x6f: {  	[sflag:s8] =	ssyncadd.s32 $0xFFFFFFB0  }
0x70: {  	s6 =	smul.u32 $0x140, s6;
	_ =	swait.ge [sflag:s8], $0x50  }
0x71: {  	[sflag:s8] =	ssyncset.done $0x0  }
0x72: {  	s6 =	sshrl.u32 s6, $0x2;
	[sflag:s8] =	ssyncadd.s32 $0xFFFFFFB0  }
0x73: {  	v1 =	vld [tilespmem:s6+$0x0]  }
0x74: {  	v2 =	vld [tilespmem:s6+$0x10]  }
0x75: {  	v3 =	vld [tilespmem:s6+$0x20]  }
0x76: {  	v4 =	vld [tilespmem:s6+$0x30]  }
0x77: {  	v5 =	vld [tilespmem:s6+$0x40]  }
0x78: {  	v1 =	vadd.s32 v0, v1  }
0x79: {  	[tilespmem:s6+$0x0] =	vst v1;
	v1 =	vadd.s32 v0, v2  }
0x7a: {  	p0 =	slt.u32 s1, $0x2;
	[tilespmem:s6+$0x10] =	vst v1;
	v1 =	vadd.s32 v0, v3  }
0x7b: {  	s8 =	sand.u32 @!p0 $0x3, s1;
	[tilespmem:s6+$0x20] =	vst v1;
	v1 =	vadd.s32 v0, v4  }
0x7c: {  	s5 =	sand.u32 $0x3, s5;
	s8 =	sxor.u32 @!p0 $0x2, s8;
	[tilespmem:s6+$0x30] =	vst v1;
	v1 =	vadd.s32 v0, v5  }
0x7d: {  	s9 =	smul.u32 $0x1400, s5;
	s8 =	sadd.s32 @!p0 $0xD, s8;
	[tilespmem:s6+$0x40] =	vst v1  }
0x7e: {  	_ =	swait.ge @!p0 [sflag:s8], $0x500  }
0x7f: {  	s9 =	sshrl.u32 s9, $0x2;
	[sflag:s8] =	ssyncset.done @!p0 $0x0  }
0x80: {  	s5 =	sadd.s32 $0x9, s5;
	s9 =	sadd.s32 $0x500, s9;
	[sflag:s8] =	ssyncadd.s32 @!p0 $0xFFFFFB00  }
0x81: {  	[tilespmem:s9], [sflag:s5] =	stream.indirect.gather [hbm4b:s4+s22], $0x10, s6, s22, $0xb8;
	[tilespmem:$0x4010] =	vst v63  }
.LBB2_6:
0x82: {  	s5 =	sand.u32 $0x3, s1  }
0x83: {  	s9 =	sand.u32 $0x7, s1;
	s1 =	sadd.s32 $0x1, s1;
	s6 =	smul.u32 $0x1400, s5  }
0x84: {  	s9 =	smul.u32 $0x140, s9;
	p0 =	sne.s32 s1, $0xFA  }
.Ltmp3:
0x85: {  	s18 =	sadd.s32 $0xA, s18;
	s8 =	sadd.s32 $0x9, s5;
	(pc) =	sbr.rel @!p0 .LBB2_7-.Ltmp3, $4  }
0x86: {  	s19 =	sadd.s32 $0xA, s19;
	s5 =	sadd.s32 $0xD, s5;
	_ =	swait.ge [sflag:s8], $0x500  }
0x87: {  	[sflag:s8] =	ssyncset.done $0x0;
	s6 =	sshrl.u32 s6, $0x2;
	s9 =	sshrl.u32 s9, $0x2  }
0x88: {  	[sflag:s8] =	ssyncadd.s32 $0xFFFFFB00;
	s6 =	sadd.s32 $0x500, s6;
	s8 =	sadd.s32 $0x280, s9  }
0x89: {  	[spmem:s2] =	stream.indirect.scatter.add.bf16 [tilespmem:s6], [sflag:s5], $0x10, s8, s22, $0xb8;
	[tilespmem:$0x4010] =	vst v63  }
.LBB2_2:
0x8a: {  	p0 =	sgt.u32 s1, $0xF5  }
.Ltmp4:
0x8b: {  	_ = 	snop;
	(pc) =	sbr.rel @!p0 .LBB2_3-.Ltmp4, $1  }
0x8c: {  	_ =	sdelay $0x3  }
0x8d: {  	p0 =	sgt.u32 s1, $0xF7  }
.Ltmp5:
0x8e: {  	_ = 	snop;
	(pc) =	sbr.rel @p0 .LBB2_6-.Ltmp5, $4  }
.Ltmp6:
0x8f: {  	_ = 	snop;
	(pc) =	sbr.rel @!p0 .LBB2_5-.Ltmp6, $4  }
0x90: {  	_ = 	snop  }
0x91: {  	_ = 	snop  }
0x92: {  	_ = 	snop  }
0x93: {  	_ = 	snop  }
.LBB2_8:
0x94: {  	_ =	sfence.sel $0x180000  }
0x95: {  	[bflag:$0x0] =	sbarrier.arrive $0xFFFF  }
0x96: {  	_ =	strace $0x9000004D  }
0x97: {  	s0 =	stileid.u32;
	[bflag:$0x2] =	sbarrier.arrive $0xFFFF  }
0x98: {  	p0 =	sne.s32 s0, $0x0;
	s0 =	rddreg [dreg:$0x2]  }
0x99: {  	s0 =	sadd.s32 @!p0 $0x100000, s0  }
0x9a: {  	[sflag:s0] =	ssyncadd.tile.s32 @!p0 $0x1;
	_ =	shalt  }
.Lfunc_end2:
_tile_overlayer_lowered:
.L_overlay_start_2:
0x9b: {  	(tag) =	ssettag $0x2  }
0x9c: {  	s0 =	rddreg [dreg:$0x0];
	s2 =	stileid.u32  }
0x9d: {  	s1 =	rddreg [dreg:$0x1];
	p0 =	sne.s32 s2, $0x0  }
0x9e: {  	s3 =	rddreg [dreg:$0x2];
	[bflag:$0x3] =	sbarrier.arrive $0xFFFF;
	s2 =	simm.s32 @!p0 $0x1C11  }
0x9f: {  	[timem:s3], [sflag:s2] =	dma.local @!p0 [hbm:s0], s1  }
0xa0: {  	s0 =	simm.s32 @!p0 $0x11  }
0xa1: {  	_ =	swait.ge @!p0 [sflag:s0], s1  }
0xa2: {  	s1 =	ssub.s32 @!p0 $0x0, s1;
	[sflag:s0] =	ssyncset.done @!p0 $0x0  }
0xa3: {  	[sflag:s0] =	ssyncadd.s32 @!p0 s1  }
0xa4: {  	[bflag:$0x3] =	sbarrier.arrive $0xFFFF  }
0xa5: {  	_ =	shalt  }

// kernel: kernel.8.cloned.1.call-start
scs
__scs_entry_jumppad:
0x0: {  	(pc) =	sbr.rel $0x88, $3  }
0x1: {  	(tag) =	ssettag $0x0;
	lr =	simm.s32 $0x1  }
0x2: {  	[smem:$0x3F96] =	sst lr;
	_ =	strace $0xD0000000  }
0x3: {  	_ = 	snop  }
0x4: {  	_ = 	snop  }
0x5: {  	_ = 	snop  }
0x6: {  	_ = 	snop  }
0x7: {  	_ = 	snop  }
__scs_overlays_trampoline_lowered:
0x8: {  	[smem:$0x3FA5] =	sst s0  }
0x9: {  	[smem:$0x3FA6] =	sst s1  }
0xa: {  	[smem:$0x3FA7] =	sst s2  }
0xb: {  	[smem:$0x3FA8] =	sst s3  }
0xc: {  	[smem:$0x3FA9] =	sst s4  }
0xd: {  	[smem:$0x3FAA] =	sst s5  }
0xe: {  	[smem:$0x3FAB] =	sst s6  }
0xf: {  	[smem:$0x3FAC] =	sst s7  }
0x10: {  	[smem:$0x3FAD] =	sst s8  }
0x11: {  	[smem:$0x3FAE] =	sst s9;
	s0 =	simm.s32 @!p0 $0x0  }
0x12: {  	s1 =	sld [smem:$0x3F94];
	s0 =	simm.s32 @p0 $0x1  }
0x13: {  	[smem:$0x3FAF] =	sst s0;
	s0 =	simm.s32 @!p1 $0x0  }
0x14: {  	s2 =	sld [smem:$0x3F93];
	s0 =	simm.s32 @p1 $0x1  }
0x15: {  	[smem:$0x3FB0] =	sst s0;
	s0 =	simm.s32 @!p2 $0x0  }
0x16: {  	s3 =	sld [smem:$0x3FDB];
	s0 =	simm.s32 @p2 $0x1  }
0x17: {  	s4 =	simm.s32 $0x1BF5;
	[smem:$0x3FB2] =	sst s0  }
0x18: {  	s0 =	sld [smem:$0x3F95];
	_ =	swait.ge [sflag:s4], $0x0  }
0x19: {  	s7 =	sld [smem:$0x3F96]  }
0x1a: {  	s8 =	sadd.s32 $0xFFFFE003, lr  }
0x1b: {  	s9 =	sadd.s32 $0xFFFFFEF7, lr;
	s5 =	simm.s32 $0xFFFFFFFF;
	p2 =	slt.u32 s8, $0xFFFFF086  }
0x1c: {  	p1 =	slt.u32 s9, $0xF7A;
	s5 =	simm.s32 @!p2 $0x0  }
0x1d: {  	s5 =	simm.s32 @p1 $0x1;
	p0 =	seq.s32 s7, s2  }
0x1e: {  	s7 =	smul.u32 @!p0 $0xF7A, s2;
	p2 =	seq.s32 @!p0 s5, $0x0  }
0x1f: {  	s9 =	smul.u32 $0xF7A, s1;
	s8 =	simm.s32 @!p0 $0x1BF5;
	p2 =	por !p2, p0  }
0x20: {  	[sflag:s8] =	ssyncset.s32 @!p0 $0xFFFFF086;
	s6 =	sadd.s32 @!p0 s3, s7;
	s7 =	simm.s32 @!p0 $0x108  }
0x21: {  	s3 =	sadd.s32 s3, s9;
	s6 =	sadd.s32 @!p0 $0x88, s6;
	s7 =	simm.s32 @p2 $0x1082  }
0x22: {  	[simem:s7], [sflag:s8] =	dma.local @!p0 [hbm:s6], $0xF7A  }
0x23: {  	s9 =	sor.u32 $0xD0000000, s2;
	s6 =	simm.s32 $0x108;
	_ =	swait.ge @!p0 [sflag:s8], $0x0  }
0x24: {  	s3 =	sadd.s32 $0x88, s3;
	s6 =	simm.s32 @!p1 $0x1082;
	[sflag:s4] =	ssyncset.s32 $0xFFFFF086  }
0x25: {  	[simem:s6], [sflag:s4] =	dma.local [hbm:s3], $0xF7A  }
0x26: {  	[smem:$0x3F96] =	sst s1;
	(tag) =	ssettag s2;
	_ =	strace s9  }
0x27: {  	s1 =	sld [smem:$0x3FA6]  }
0x28: {  	s2 =	sld [smem:$0x3FA7]  }
0x29: {  	s4 =	sld [smem:$0x3FA9]  }
0x2a: {  	p0 =	seq.s32 s5, $0x0;
	s5 =	sld [smem:$0x3FAA]  }
0x2b: {  	s6 =	sld [smem:$0x3FAB]  }
0x2c: {  	s7 =	sld [smem:$0x3FAC]  }
0x2d: {  	s3 =	simm.s32 $0x108;
	s8 =	sld [smem:$0x3FAD]  }
0x2e: {  	s3 =	simm.s32 @!p0 $0x1082;
	s9 =	sld [smem:$0x3FAE]  }
0x2f: {  	lr =	sadd.s32 s0, s3;
	s0 =	sld [smem:$0x3FA5]  }
0x30: {  	s3 =	sld [smem:$0x3FA8]  }
0x31: {  	[smem:$0x3FB1] =	sst s10  }
0x32: {  	s10 =	sld [smem:$0x3FAF];
	_ =	sdelay $0x3  }
0x33: {  	p0 =	seq.s32 s10, $0x1;
	s10 =	sld [smem:$0x3FB1];
	_ =	sdelay $0x3  }
0x34: {  	[smem:$0x3FB1] =	sst s10  }
0x35: {  	s10 =	sld [smem:$0x3FB0];
	_ =	sdelay $0x3  }
0x36: {  	p1 =	seq.s32 s10, $0x1;
	s10 =	sld [smem:$0x3FB1];
	_ =	sdelay $0x3  }
0x37: {  	[smem:$0x3FB1] =	sst s10  }
0x38: {  	s10 =	sld [smem:$0x3FB2]  }
0x39: {  	_ = 	snop;
	(pc) =	sbr.ind lr, $3  }
0x3a: {  	_ = 	snop  }
0x3b: {  	_ = 	snop  }
0x3c: {  	p2 =	seq.s32 s10, $0x1;
	s10 =	sld [smem:$0x3FB1]  }
0x3d: {  	_ =	shalt  }
0x3e: {  	_ =	shalt  }
0x3f: {  	_ =	shalt  }
0x40: {  	_ =	shalt  }
0x41: {  	_ =	shalt  }
0x42: {  	_ =	shalt  }
0x43: {  	_ =	shalt  }
0x44: {  	_ =	shalt  }
0x45: {  	_ =	shalt  }
0x46: {  	_ =	shalt  }
0x47: {  	_ =	shalt  }
0x48: {  	_ =	shalt  }
0x49: {  	_ =	shalt  }
0x4a: {  	_ =	shalt  }
0x4b: {  	_ =	shalt  }
0x4c: {  	_ =	shalt  }
0x4d: {  	_ =	shalt  }
0x4e: {  	_ =	shalt  }
0x4f: {  	_ =	shalt  }
0x50: {  	_ =	shalt  }
0x51: {  	_ =	shalt  }
0x52: {  	_ =	shalt  }
0x53: {  	_ =	shalt  }
0x54: {  	_ =	shalt  }
0x55: {  	_ =	shalt  }
0x56: {  	_ =	shalt  }
0x57: {  	_ =	shalt  }
0x58: {  	_ =	shalt  }
0x59: {  	_ =	shalt  }
0x5a: {  	_ =	shalt  }
0x5b: {  	_ =	shalt  }
0x5c: {  	_ =	shalt  }
0x5d: {  	_ =	shalt  }
0x5e: {  	_ =	shalt  }
0x5f: {  	_ =	shalt  }
0x60: {  	_ =	shalt  }
0x61: {  	_ =	shalt  }
0x62: {  	_ =	shalt  }
0x63: {  	_ =	shalt  }
0x64: {  	_ =	shalt  }
0x65: {  	_ =	shalt  }
0x66: {  	_ =	shalt  }
0x67: {  	_ =	shalt  }
0x68: {  	_ =	shalt  }
0x69: {  	_ =	shalt  }
0x6a: {  	_ =	shalt  }
0x6b: {  	_ =	shalt  }
0x6c: {  	_ =	shalt  }
0x6d: {  	_ =	shalt  }
0x6e: {  	_ =	shalt  }
0x6f: {  	_ =	shalt  }
0x70: {  	_ =	shalt  }
0x71: {  	_ =	shalt  }
0x72: {  	_ =	shalt  }
0x73: {  	_ =	shalt  }
0x74: {  	_ =	shalt  }
0x75: {  	_ =	shalt  }
0x76: {  	_ =	shalt  }
0x77: {  	_ =	shalt  }
0x78: {  	_ =	shalt  }
0x79: {  	_ =	shalt  }
0x7a: {  	_ =	shalt  }
0x7b: {  	_ =	shalt  }
0x7c: {  	_ =	shalt  }
0x7d: {  	_ =	shalt  }
0x7e: {  	_ =	shalt  }
0x7f: {  	_ =	shalt  }
0x80: {  	_ =	shalt  }
0x81: {  	_ =	shalt  }
0x82: {  	_ =	shalt  }
0x83: {  	_ =	shalt  }
0x84: {  	_ =	shalt  }
0x85: {  	_ =	shalt  }
0x86: {  	_ =	shalt  }
0x87: {  	_ =	shalt  }
.Lfunc_end0:
.L_simem_size_0:
called_computation_lowered:
.L_overlay_start_0:
0x88: {  	s2 =	sld [smem:$0x3FD9]  }
0x89: {  	s3 =	sld [smem:$0x3FFE];
	_ =	sdelay $0x1  }
0x8a: {  	s1 =	srdreg.scid  }
0x8b: {  	s0 =	sand.u32 $0x1, s1  }
0x8c: {  	s16 =	sshll.u32 s0, $0xA;
	s2 =	sadd.s32 s3, s2  }
0x8d: {  	s2 =	sadd.s32 s2, s16  }
0x8e: {  	[smem:$0x3FBD] =	sst s2  }
0x8f: {  	_ = 	snop  }
0x90: {  	(tm) =	ssettm $0x1  }
0x91: {  	s17 =	sld [smem:$0x3FFB];
	_ =	sdelay $0x3  }
0x92: {  	_ =	strace s17  }
0x93: {  	s2 =	sld [smem:$0x3FFC];
	_ =	sdelay $0x3  }
0x94: {  	_ =	strace s2  }
0x95: {  	s2 =	sld [smem:$0x3FFD];
	_ =	sdelay $0x3  }
0x96: {  	_ =	strace s2  }
0x97: {  	_ =	strace $0x8FFFFFFF  }
0x98: {  	s18 =	sld [smem:$0x3FDB];
	_ =	sdelay $0x1  }
0x99: {  	s19 =	simm.s32 $_scs_section_size  }
0x9a: {  	s4 =	simm.s32 $_size__tile_overlayer_lowered;
	s5 =	simm.s32 $_tile_overlayer_lowered  }
0x9b: {  	s22 =	simm.s32 $0x1BFF;
	s21 =	sshll.u32 s5, $0x1;
	s2 =	sadd.s32 s19, s18  }
0x9c: {  	s6 =	simm.s32 $0x0;
	s20 =	sshll.u32 s4, $0x1;
	s4 =	sadd.s32 s21, s2  }
0x9d: {  	[timem:s6], [sflag:s22] =	dma.local [hbm:s4], s20  }
0x9e: {  	_ =	swait.ge [sflag:s22], s20  }
0x9f: {  	s3 =	ssub.s32 $0x0, s20;
	[sflag:s22] =	ssyncset.done $0x0  }
0xa0: {  	[sflag:s22] =	ssyncadd.s32 s3;
	_ =	sdelay $0x1  }
0xa1: {  	s23 =	simm.s32 $0x1B8B  }
0xa2: {  	_ =	swait.ge [sflag:s23], $0x1  }
0xa3: {  	[sflag:s23] =	ssyncset.done $0x0  }
0xa4: {  	s25 =	simm.s32 $0x1B8E;
	s24 =	sld [smem:$0x3FFE];
	[sflag:s23] =	ssyncadd.s32 $0xFFFFFFFF  }
0xa5: {  	s26 =	simm.s32 $execute0_lowered;
	[smem:$0x3FD2] =	sst s25  }
0xa6: {  	s4 =	sshll.u32 s26, $0x1;
	_ =	strace $0x80000046;
	[dreg:$0x1] =	wrdreg $0xFFFFFFFF  }
0xa7: {  	s28 =	simm.s32 $_size_execute0_lowered;
	s2 =	sadd.s32 s2, s4;
	[dreg:$0x0] =	wrdreg $0x0  }
0xa8: {  	s4 =	sshll.u32 s28, $0x1;
	[dreg:$0x2] =	wrdreg s2  }
0xa9: {  	[dreg:$0x3] =	wrdreg s4  }
0xaa: {  	[dreg:$0x4] =	wrdreg $0xC0  }
0xab: {  	_ =	task [dreg:s6], $0x5FFFF  }
0xac: {  	[dreg:$0x1] =	wrdreg $0xFFFFFFFF  }
0xad: {  	[dreg:$0x0] =	wrdreg $0x60  }
0xae: {  	[dreg:$0x2] =	wrdreg s24  }
0xaf: {  	[dreg:$0x3] =	wrdreg $0x7800  }
0xb0: {  	[dreg:$0x4] =	wrdreg $0x9  }
0xb1: {  	_ =	task.clear_ibuf [dreg:s6], $0x5FFFF;
	_ =	strace $0x90000046  }
0xb2: {  	s29 =	simm.s32 $0x9;
	_ =	strace $0x80000048  }
0xb3: {  	_ =	swait.ge [sflag:s29], $0x1  }
0xb4: {  	[sflag:s29] =	ssyncadd.s32 $0xFFFFFFFF  }
0xb5: {  	_ =	strace $0x90000048  }
0xb6: {  	_ =	sfence  }
0xb7: {  	s30 =	sld [smem:$0x0];
	_ =	sdelay $0x2  }
0xb8: {  	s31 =	sshll.u32 s1, $0xD;
	s1 =	sshrl.u32 s1, $0x2  }
0xb9: {  	s3 =	sand.u32 $0x4000, s31;
	s1 =	sadd.s32 s1, s30  }
0xba: {  	s0 =	sor.u32 s3, s0;
	s1 =	sshll.u32 s1, $0x11  }
0xbb: {  	s0 =	sor.u32 s1, s0  }
0xbc: {  	s0 =	sadd.s32 $0x8F2B, s0  }
0xbd: {  	[sflag:s0] =	ssyncadd.remote.s32 $0x1  }
0xbe: {  	_ =	sfence.sel $0xFFFF  }
0xbf: {  	[dreg:$0x0] =	wrdreg $0xFFFFFFFF;
	(pc) =	sbr.abs _section_cstart, $3  }
0xc0: {  	[dreg:$0x1] =	wrdreg $0xFFFFFFFF  }
0xc1: {  	_ =	task.clear_ibuf [dreg:s6], $0x2FFFF;
	_ =	strace $0x9FFFFFFF  }
0xc2: {  	(tm) =	ssettm $0x7FFFFFFF  }
0xc3: {  	_ =	shalt  }
tec
execute0_lowered:
.L_overlay_start_1:
0x0: {  	(tag) =	ssettag $0x1  }
0x1: {  	s0 =	rddreg [dreg:$0x0]  }
0x2: {  	s2 =	rddreg [dreg:$0x1]  }
0x3: {  	s10 =	stileid.u32;
	s4 =	srdreg.scid;
	s3 =	simm.s32 $0x0  }
0x4: {  	s17 =	simm.s32 $0x280;
	s18 =	simm.s32 $0xA;
	s21 =	simm.s32 $0x50  }
0x5: {  	s28 =	simm.s32 $0x2;
	s30 =	simm.s32 $0x3;
	s1 =	smul.u32 $0x2710, s10  }
0x6: {  	s4 =	sand.u32 $0x1, s4;
	s5 =	smul.u32 $0x4E2, s10;
	[smem:$0x7FF] =	sst s3  }
0x7: {  	s16 =	sadd.s32 $0x2200, s0;
	s9 =	smul.u32 $0x4E20, s10;
	s11 =	sadd.s32 $0x2000, s0  }
0x8: {  	s31 =	sshll.u32 s10, $0x6;
	s6 =	smul.u32 $0x4E20, s4;
	_ =	strace $0x80000047  }
0x9: {  	s7 =	smul.u32 $0x4E200, s4;
	[dreg:$0x3] =	wrdreg s11;
	s4 =	ssub.s32 $0x2, s4  }
0xa: {  	s19 =	sor.u32 $0x1C0A, s31;
	s8 =	sshrl.u32 s1, $0x3;
	s22 =	sshrl.u32 s4, $0x1  }
0xb: {  	s1 =	sadd.s32 s1, s2;
	s8 =	sadd.s32 s8, s0;
	s5 =	sadd.s32 s5, s6  }
0xc: {  	s7 =	sadd.s32 s9, s7;
	s4 =	ssub.s32 s4, s22;
	s20 =	sshrl.u32 s1, $0x3  }
0xd: {  	s22 =	simm.s32 $0xA0;
	s1 =	simm.s32 $0x9;
	s0 =	sadd.s32 s5, s0  }
0xe: {  	s23 =	sshrl.u32 s7, $0x3;
	s24 =	sadd.s32 $0x29600, s8;
	s11 =	smax.u32 s4, $0x1  }
0xf: {  	s29 =	sadd.s32 $0x280, s7;
	[dreg:$0x4] =	wrdreg s24;
	s6 =	sadd.s32 s16, s23  }
0x10: {  	s0 =	sadd.s32 $0x2E600, s0;
	s23 =	simm.s32 $0xF0;
	s24 =	simm.s32 $0x0  }
0x11: {  	s5 =	sadd.s32 $0xA, s6;
	s25 =	sadd.s32 $0x14, s6;
	[dreg:$0x8] =	wrdreg s0  }
0x12: {  	s26 =	sadd.s32 $0x1E, s6;
	s12 =	sadd.s32 $0x28, s6;
	[dreg:$0x5] =	wrdreg s5  }
0x13: {  	s13 =	sadd.s32 $0x32, s6;
	s0 =	sshrl.u32 s29, $0x3;
	[dreg:$0x6] =	wrdreg s25  }
0x14: {  	s14 =	sadd.s32 $0x3C, s6;
	s15 =	sadd.s32 $0x46, s6;
	[dreg:$0x7] =	wrdreg s26  }
0x15: {  	s16 =	sadd.s32 s0, s16;
	s25 =	simm.s32 $0x1;
	s0 =	simm.s32 $0x4  }
.LBB2_1:
0x16: {  	s4 =	rddreg [dreg:$0x3]  }
0x17: {  	[tilespmem:s17], [sflag:$0xA] =	stream.linear.gather [hbm4b:s4+s3], $0x500, $0x38;
	[tilespmem:$0x2E90] =	vst v63  }
0x18: {  	_ =	swait.ge [sflag:s18], $0x500  }
0x19: {  	[sflag:s18] =	ssyncset.done $0x0  }
0x1a: {  	s10 =	rddreg [dreg:$0x4];
	[sflag:s18] =	ssyncadd.s32 $0xFFFFFB00  }
0x1b: {  	[spmem:s20], [sflag:s19] =	dma.local [hbm:s10], $0x4E2  }
0x1c: {  	_ =	swait.ge [sflag:s18], $0x4E2  }
0x1d: {  	[sflag:s18] =	ssyncset.done $0x0  }
0x1e: {  	[sflag:s18] =	ssyncadd.s32 $0xFFFFFB1E  }
0x1f: {  	[bflag:$0x0] =	sbarrier.arrive $0xFFFF  }
0x20: {  	[tilespmem:s3], [sflag:$0x1] =	stream.linear.gather [hbm4b:s6+s3], $0x50, $0x38;
	[tilespmem:$0x2E90] =	vst v63  }
0x21: {  	s26 =	rddreg [dreg:$0x5]  }
0x22: {  	[tilespmem:s21], [sflag:$0x2] =	stream.linear.gather [hbm4b:s26+s3], $0x50, $0x38;
	[tilespmem:$0x2E90] =	vst v63  }
0x23: {  	s5 =	rddreg [dreg:$0x6]  }
0x24: {  	[tilespmem:s22], [sflag:$0x3] =	stream.linear.gather [hbm4b:s5+s3], $0x50, $0x38;
	[tilespmem:$0x2E90] =	vst v63  }
0x25: {  	s7 =	rddreg [dreg:$0x7]  }
0x26: {  	[tilespmem:s23], [sflag:$0x4] =	stream.linear.gather [hbm4b:s7+s3], $0x50, $0x38;
	[tilespmem:$0x2E90] =	vst v63  }
0x27: {  	s8 =	simm.s32 $0x140  }
0x28: {  	[tilespmem:s8], [sflag:$0x5] =	stream.linear.gather [hbm4b:s12+s3], $0x50, $0x38;
	[tilespmem:$0x2E90] =	vst v63  }
0x29: {  	_ =	swait.ge [sflag:s25], $0x50  }
0x2a: {  	[sflag:s25] =	ssyncset.done $0x0  }
0x2b: {  	[sflag:s25] =	ssyncadd.s32 $0xFFFFFFB0  }
0x2c: {  	[spmem:s2] =	stream.indirect.scatter.add.f32 [tilespmem:s17], [sflag:$0x9], $0x10, s3, s21, $0xb8;
	[tilespmem:$0x2E90] =	vst v63  }
0x2d: {  	s9 =	simm.s32 $0x190  }
0x2e: {  	[tilespmem:s9], [sflag:$0x6] =	stream.linear.gather [hbm4b:s13+s3], $0x50, $0x38;
	[tilespmem:$0x2E90] =	vst v63  }
0x2f: {  	_ =	swait.ge [sflag:s28], $0x50  }
0x30: {  	[sflag:s28] =	ssyncset.done $0x0  }
0x31: {  	[sflag:s28] =	ssyncadd.s32 $0xFFFFFFB0  }
0x32: {  	[spmem:s2] =	stream.indirect.scatter.add.f32 [tilespmem:s17], [sflag:$0x9], $0x10, s21, s21, $0xb8;
	[tilespmem:$0x2E90] =	vst v63  }
0x33: {  	s10 =	simm.s32 $0x1E0  }
0x34: {  	[tilespmem:s10], [sflag:$0x7] =	stream.linear.gather [hbm4b:s14+s3], $0x50, $0x38;
	[tilespmem:$0x2E90] =	vst v63  }
0x35: {  	_ =	swait.ge [sflag:s30], $0x50  }
0x36: {  	[sflag:s30] =	ssyncset.done $0x0  }
0x37: {  	[sflag:s30] =	ssyncadd.s32 $0xFFFFFFB0  }
0x38: {  	[spmem:s2] =	stream.indirect.scatter.add.f32 [tilespmem:s17], [sflag:$0x9], $0x10, s22, s21, $0xb8;
	[tilespmem:$0x2E90] =	vst v63  }
0x39: {  	s26 =	simm.s32 $0x230  }
0x3a: {  	[tilespmem:s26], [sflag:$0x8] =	stream.linear.gather [hbm4b:s15+s3], $0x50, $0x38;
	[tilespmem:$0x2E90] =	vst v63  }
0x3b: {  	_ =	swait.ge [sflag:s0], $0x50  }
0x3c: {  	p0 =	por $0x0, $0x0;
	s4 =	simm.s32 $0x8;
	[sflag:s0] =	ssyncset.done $0x0  }
0x3d: {  	s4 =	sand.u32 @!p0 $0x7, s4;
	[sflag:s0] =	ssyncadd.s32 $0xFFFFFFB0  }
0x3e: {  	[spmem:s2] =	stream.indirect.scatter.add.f32 [tilespmem:s17], [sflag:$0x9], $0x10, s23, s21, $0xb8;
	[tilespmem:$0x2E90] =	vst v63  }
0x3f: {  	s29 =	simm.s32 $0x9;
	s5 =	smul.u32 @!p0 $0x140, s4;
	_ =	swait.ge [sflag:s1], $0x500  }
0x40: {  	s4 =	sadd.s32 @!p0 $0x1, s4;
	s7 =	simm.s32 $0x4;
	[sflag:s1] =	ssyncset.done $0x0  }
0x41: {  	s5 =	sshrl.u32 @!p0 s5, $0x2;
	s26 =	simm.s32 @!p0 $0x0;
	[sflag:s1] =	ssyncadd.s32 $0xFFFFFB00  }
0x42: {  	[tilespmem:s5], [sflag:s4] =	stream.linear.gather @!p0 [hbm4b:s16+s26], $0x50, $0x38;
	[tilespmem:$0x2E90] =	vst v63  }
0x43: {  	s31 =	simm.s32 $0x5;
	s7 =	sand.u32 $0x7, s7;
	s4 =	simm.s32 $0xA  }
0x44: {  	s26 =	sadd.s32 $0xA, s16;
	s5 =	sadd.s32 $0x1, s7;
	s7 =	smul.u32 $0x140, s7  }
.LBB2_2:
0x45: {  	p0 =	sgt.u32 s31, $0xF5  }
0x46: {  	_ =	swait.ge [sflag:s5], $0x50;
	s8 =	smov.u32 s29;
	s29 =	smov.u32 s4  }
0x47: {  	s4 =	sadd.s32 $0x1, s4;
	s9 =	smov.u32 s26;
	s8 =	sand.u32 @!p0 $0x7, s8  }
0x48: {  	s7 =	sshrl.u32 s7, $0x2;
	[sflag:s5] =	ssyncset.done $0x0;
	p1 =	sne.s32 s4, $0xFE  }
0x49: {  	s10 =	smul.u32 @!p0 $0x140, s8;
	s8 =	sadd.s32 @!p0 $0x1, s8;
	[sflag:s5] =	ssyncadd.s32 $0xFFFFFFB0  }
0x4a: {  	[spmem:s2] =	stream.indirect.scatter.add.f32 [tilespmem:s17], [sflag:$0x9], $0x10, s7, s21, $0xb8;
	[tilespmem:$0x2E90] =	vst v63  }
.Ltmp0:
0x4b: {  	_ =	swait.ge [sflag:s1], $0x500;
	s5 =	sshrl.u32 @!p0 s10, $0x2;
	(pc) =	sbr.rel @p1 .LBB2_2-.Ltmp0, $4  }
0x4c: {  	s26 =	sadd.s32 $0xA, s26;
	[sflag:s1] =	ssyncset.done $0x0  }
0x4d: {  	s7 =	simm.s32 @!p0 $0x0;
	s10 =	sand.u32 $0x7, s31;
	[sflag:s1] =	ssyncadd.s32 $0xFFFFFB00  }
0x4e: {  	[tilespmem:s5], [sflag:s8] =	stream.linear.gather @!p0 [hbm4b:s9+s7], $0x50, $0x38;
	[tilespmem:$0x2E90] =	vst v63  }
0x4f: {  	s31 =	sadd.s32 $0xFFFFFFFC, s29;
	s5 =	sadd.s32 $0x1, s10;
	s7 =	smul.u32 $0x140, s10  }
0x50: {  	_ =	swait.ge [sflag:s5], $0x50  }
0x51: {  	p0 =	sgt.u32 s31, $0xF5;
	[sflag:s5] =	ssyncset.done $0x0  }
0x52: {  	s4 =	sand.u32 @!p0 $0x7, s29;
	s7 =	sshrl.u32 s7, $0x2;
	[sflag:s5] =	ssyncadd.s32 $0xFFFFFFB0  }
0x53: {  	[spmem:s2] =	stream.indirect.scatter.add.f32 [tilespmem:s17], [sflag:$0x9], $0x10, s7, s21, $0xb8;
	[tilespmem:$0x2E90] =	vst v63  }
0x54: {  	s8 =	smul.u32 @!p0 $0x140, s4;
	_ =	swait.ge [sflag:s1], $0x500  }
0x55: {  	s10 =	sand.u32 $0x7, s31;
	s4 =	sadd.s32 @!p0 $0x1, s4;
	[sflag:s1] =	ssyncset.done $0x0  }
0x56: {  	s7 =	simm.s32 @!p0 $0x0;
	s5 =	sshrl.u32 @!p0 s8, $0x2;
	[sflag:s1] =	ssyncadd.s32 $0xFFFFFB00  }
0x57: {  	[tilespmem:s5], [sflag:s4] =	stream.linear.gather @!p0 [hbm4b:s26+s7], $0x50, $0x38;
	[tilespmem:$0x2E90] =	vst v63  }
0x58: {  	s26 =	sadd.s32 $0x1, s10  }
0x59: {  	s29 =	smul.u32 $0x140, s10;
	_ =	swait.ge [sflag:s26], $0x50  }
0x5a: {  	[sflag:s26] =	ssyncset.done $0x0  }
0x5b: {  	s5 =	sshrl.u32 s29, $0x2;
	[sflag:s26] =	ssyncadd.s32 $0xFFFFFFB0  }
0x5c: {  	[spmem:s2] =	stream.indirect.scatter.add.f32 [tilespmem:s17], [sflag:$0x9], $0x10, s5, s21, $0xb8;
	[tilespmem:$0x2E90] =	vst v63  }
0x5d: {  	_ =	swait.ge [sflag:s1], $0x500  }
0x5e: {  	[sflag:s1] =	ssyncset.done $0x0  }
0x5f: {  	[sflag:s1] =	ssyncadd.s32 $0xFFFFFB00  }
0x60: {  	_ =	swait.ge [sflag:s1], $0x500  }
0x61: {  	[sflag:s1] =	ssyncset.done $0x0  }
0x62: {  	[sflag:s1] =	ssyncadd.s32 $0xFFFFFB00  }
0x63: {  	_ =	swait.ge [sflag:s1], $0x500  }
0x64: {  	[sflag:s1] =	ssyncset.done $0x0  }
0x65: {  	[sflag:s1] =	ssyncadd.s32 $0xFFFFFB00  }
0x66: {  	_ =	swait.ge [sflag:s1], $0x500  }
0x67: {  	[sflag:s1] =	ssyncset.done $0x0  }
0x68: {  	s24 =	sadd.s32 $0x1, s24;
	[sflag:s1] =	ssyncadd.s32 $0xFFFFFB00  }
0x69: {  	p0 =	sne.s32 s24, s11;
	[bflag:$0x0] =	sbarrier.arrive $0xFFFF  }
.Ltmp1:
0x6a: {  	s31 =	rddreg [dreg:$0x8];
	(pc) =	sbr.rel @p0 .LBB2_1-.Ltmp1, $4  }
0x6b: {  	[hbm:s31], [sflag:s19] =	dma.local [spmem:s20], $0x4E2  }
0x6c: {  	_ =	swait.ge [sflag:s18], $0x4E2  }
0x6d: {  	[sflag:s18] =	ssyncset.done $0x0  }
0x6e: {  	[sflag:s18] =	ssyncadd.s32 $0xFFFFFB1E  }
0x6f: {  	_ =	sfence.sel $0x180000  }
0x70: {  	[bflag:$0x0] =	sbarrier.arrive $0xFFFF  }
0x71: {  	_ =	strace $0x90000047  }
0x72: {  	s0 =	stileid.u32;
	[bflag:$0x2] =	sbarrier.arrive $0xFFFF  }
0x73: {  	p0 =	sne.s32 s0, $0x0;
	s0 =	rddreg [dreg:$0x2]  }
0x74: {  	s0 =	sadd.s32 @!p0 $0x100000, s0  }
0x75: {  	[sflag:s0] =	ssyncadd.tile.s32 @!p0 $0x1;
	_ =	shalt  }
.Lfunc_end2:
_tile_overlayer_lowered:
.L_overlay_start_2:
0x76: {  	(tag) =	ssettag $0x2  }
0x77: {  	s0 =	rddreg [dreg:$0x0];
	s2 =	stileid.u32  }
0x78: {  	s1 =	rddreg [dreg:$0x1];
	p0 =	sne.s32 s2, $0x0  }
0x79: {  	s3 =	rddreg [dreg:$0x2];
	[bflag:$0x3] =	sbarrier.arrive $0xFFFF;
	s2 =	simm.s32 @!p0 $0x1C0A  }
0x7a: {  	[timem:s3], [sflag:s2] =	dma.local @!p0 [hbm:s0], s1  }
0x7b: {  	s0 =	simm.s32 @!p0 $0xA  }
0x7c: {  	_ =	swait.ge @!p0 [sflag:s0], s1  }
0x7d: {  	s1 =	ssub.s32 @!p0 $0x0, s1;
	[sflag:s0] =	ssyncset.done @!p0 $0x0  }
0x7e: {  	[sflag:s0] =	ssyncadd.s32 @!p0 s1  }
0x7f: {  	[bflag:$0x3] =	sbarrier.arrive $0xFFFF  }
0x80: {  	_ =	shalt  }

</sc_bundles>
